<compile_context>
chip_gen: v7x
topology: tpu7x:2x2x1
jax: 0.10.2.dev20260603
libtpu: 0.0.44.dev20260713+nightly
codegen_flags: <defaults>
</compile_context>

<pallas_src>
import functools

import jax
import jax.numpy as jnp
from jax import lax
from jax.experimental import pallas as pl
from jax.experimental.pallas import tpu as pltpu
from jax.experimental.pallas import tpu_sc as plsc

N = 10000
NP = 10240
E = 320000
EL = 320000
EP = 327680
D_IN = 128
D_HID = 128
D_OUT = 64

NC, NS = 2, 16
NW = NC * NS
RPT = NP // NS

C = 128
NCH = EP // NW // C
ELW = EP // NW

BM = 1024


def _sc_mesh():
  return plsc.VectorSubcoreMesh(core_axis_name="c", subcore_axis_name="s")



@functools.partial(
    pl.kernel,
    mesh=_sc_mesh(),
    out_type=jax.ShapeDtypeStruct((NC * NP,), jnp.float32),
    scratch_types=[
        pltpu.VMEM((NCH, C), jnp.int32),
        pltpu.VMEM((C,), jnp.float32),
        pltpu.VMEM_SHARED((NP,), jnp.float32),
    ],
)
def _deg_kernel(dst_hbm, ones_hbm, zeros_hbm, out_hbm, didx_v, ones_v, acc_s):
  cid = lax.axis_index("c")
  sid = lax.axis_index("s")
  wid = sid * NC + cid
  pltpu.sync_copy(zeros_hbm, acc_s.at[pl.ds(sid * RPT, RPT)])
  pltpu.sync_copy(ones_hbm, ones_v)
  pltpu.sync_copy(dst_hbm.at[pl.ds(wid * NCH, NCH)], didx_v)
  plsc.subcore_barrier()

  def body(j, carry):
    pltpu.sync_copy(ones_v, acc_s.at[didx_v.at[j]], add=True)
    return carry

  lax.fori_loop(0, NCH, body, 0)
  plsc.subcore_barrier()
  pltpu.sync_copy(acc_s.at[pl.ds(sid * RPT, RPT)],
                  out_hbm.at[pl.ds(cid * NP + sid * RPT, RPT)])



DH = D_HID // 2
NCHH = 40
NCH0 = 120
NCH1 = 40
TOT_CH = EP // C


@functools.partial(
    pl.kernel,
    mesh=_sc_mesh(),
    out_type=jax.ShapeDtypeStruct((NC, NP, D_HID), jnp.float32),
    scratch_types=[
        pltpu.VMEM((NCHH, C), jnp.int32),
        pltpu.VMEM((NCHH, C), jnp.int32),
        pltpu.VMEM((C, D_HID), jnp.float32),
        pltpu.VMEM((C, D_HID), jnp.float32),
        pltpu.VMEM_SHARED((NP, D_HID), jnp.float32),
        pltpu.SemaphoreType.DMA,
        pltpu.SemaphoreType.DMA,
    ],
)
def _agg_kernel(p_hbm, src_hbm, dst_hbm, zeros_hbm, out_hbm,
                sidx_v, didx_v, rows0_v, rows1_v, acc_s, gsem0, gsem1):
  cid = lax.axis_index("c")
  sid = lax.axis_index("s")
  pltpu.sync_copy(zeros_hbm, acc_s.at[pl.ds(sid * RPT, RPT)])
  plsc.subcore_barrier()

  def body(t, carry):
    j0 = 2 * t
    j1 = j0 + 1
    pltpu.async_copy(p_hbm.at[sidx_v.at[j1]], rows1_v, gsem1)
    pltpu.make_async_copy(p_hbm.at[sidx_v.at[j0]], rows0_v, gsem0).wait()
    pltpu.sync_copy(rows0_v, acc_s.at[didx_v.at[j0]], add=True)

    @pl.when(t < NCHH // 2 - 1)
    def _():
      pltpu.async_copy(p_hbm.at[sidx_v.at[j0 + 2]], rows0_v, gsem0)

    pltpu.make_async_copy(p_hbm.at[sidx_v.at[j1]], rows1_v, gsem1).wait()
    pltpu.sync_copy(rows1_v, acc_s.at[didx_v.at[j1]], add=True)
    return carry

  def edge_loop(first_chunk, npass):
    for h in range(npass):
      base = first_chunk + h * NCHH
      pltpu.sync_copy(src_hbm.at[pl.ds(base, NCHH)], sidx_v)
      pltpu.sync_copy(dst_hbm.at[pl.ds(base, NCHH)], didx_v)
      pltpu.async_copy(p_hbm.at[sidx_v.at[0]], rows0_v, gsem0)
      lax.fori_loop(0, NCHH // 2, body, 0)

  @pl.when(cid == 0)
  def _():
    edge_loop(sid * NCH0, NCH0 // NCHH)

  @pl.when(cid == 1)
  def _():
    edge_loop(16 * NCH0 + sid * NCH1, NCH1 // NCHH)

  plsc.subcore_barrier()
  pltpu.sync_copy(acc_s.at[pl.ds(sid * RPT, RPT)],
                  out_hbm.at[cid, pl.ds(sid * RPT, RPT)])



@functools.partial(
    pl.kernel,
    mesh=_sc_mesh(),
    out_type=jax.ShapeDtypeStruct((EP,), jnp.float32),
    compiler_params=pltpu.CompilerParams(needs_layout_passes=False),
    scratch_types=[
        pltpu.VMEM((NP,), jnp.float32),
        pltpu.VMEM((NP,), jnp.float32),
        pltpu.VMEM((NP,), jnp.float32),
        pltpu.VMEM((ELW,), jnp.int32),
        pltpu.VMEM((ELW,), jnp.int32),
        pltpu.VMEM((ELW,), jnp.int32),
        pltpu.VMEM((ELW,), jnp.float32),
    ],
)
def _decode_kernel(s_hbm, a_hbm, b_hbm, c_hbm, out_hbm,
                   s0_v, s1_v, s2_v, a_v, b_v, c_v, o_v):
  cid = lax.axis_index("c")
  sid = lax.axis_index("s")
  wid = sid * NC + cid
  base = wid * ELW
  pltpu.sync_copy(s_hbm.at[pl.ds(0, NP)], s0_v)
  pltpu.sync_copy(s_hbm.at[pl.ds(NP, NP)], s1_v)
  pltpu.sync_copy(s_hbm.at[pl.ds(2 * NP, NP)], s2_v)
  pltpu.sync_copy(a_hbm.at[pl.ds(base, ELW)], a_v)
  pltpu.sync_copy(b_hbm.at[pl.ds(base, ELW)], b_v)
  pltpu.sync_copy(c_hbm.at[pl.ds(base, ELW)], c_v)

  def body(i, carry):
    off = i * 16
    va = plsc.load_gather(s0_v, [a_v[pl.ds(off, 16)]])
    vb = plsc.load_gather(s1_v, [b_v[pl.ds(off, 16)]])
    vc = plsc.load_gather(s2_v, [c_v[pl.ds(off, 16)]])
    o_v[pl.ds(off, 16)] = va + vb + vc
    return carry

  lax.fori_loop(0, ELW // 16, body, 0)
  pltpu.sync_copy(o_v, out_hbm.at[pl.ds(base, ELW)])



def _k1_body(degp_ref, x_ref, w1_ref, o_ref):
  deg = degp_ref[0, :] + degp_ref[1, :] + 1.0
  dis = lax.rsqrt(deg)
  h = jnp.dot(x_ref[...], w1_ref[...], preferred_element_type=jnp.float32)
  o_ref[...] = h * dis[:, None]


def _k2_body(degp_ref, aggp_ref, p1_ref, b1_ref, o_ref):
  deg = degp_ref[0, :] + degp_ref[1, :] + 1.0
  dis = lax.rsqrt(deg)[:, None]
  t = (aggp_ref[0] + aggp_ref[1] + p1_ref[...]) * dis + b1_ref[...]
  o_ref[...] = jnp.maximum(t, 0.0) * dis


def _k3_body(degp_ref, aggp_ref, q1_ref, b2_ref, w2_ref, wt3_ref, bias3_ref,
             o_ref):
  deg = degp_ref[0, :] + degp_ref[1, :] + 1.0
  dis = lax.rsqrt(deg)[:, None]
  u = aggp_ref[0] + aggp_ref[1] + q1_ref[...]
  h = jnp.dot(u, w2_ref[...], preferred_element_type=jnp.float32)
  z2 = h * dis + b2_ref[...]
  s = lax.dot_general(wt3_ref[...], z2, (((1,), (1,)), ((), ())),
                      preferred_element_type=jnp.float32)
  o_ref[...] = s + bias3_ref[...]


def _tc_k1(degp, x_pad, W1):
  return pl.pallas_call(
      _k1_body,
      grid=(NP // BM,),
      in_specs=[
          pl.BlockSpec((NC, BM), lambda i: (0, i)),
          pl.BlockSpec((BM, D_IN), lambda i: (i, 0)),
          pl.BlockSpec((D_IN, D_HID), lambda i: (0, 0)),
      ],
      out_specs=pl.BlockSpec((BM, D_HID), lambda i: (i, 0)),
      out_shape=jax.ShapeDtypeStruct((NP, D_HID), jnp.float32),
  )(degp, x_pad, W1)


def _tc_k2(degp, agg1, p1, b1r):
  return pl.pallas_call(
      _k2_body,
      grid=(NP // BM,),
      in_specs=[
          pl.BlockSpec((NC, BM), lambda i: (0, i)),
          pl.BlockSpec((NC, BM, D_HID), lambda i: (0, i, 0)),
          pl.BlockSpec((BM, D_HID), lambda i: (i, 0)),
          pl.BlockSpec((1, D_HID), lambda i: (0, 0)),
      ],
      out_specs=pl.BlockSpec((BM, D_HID), lambda i: (i, 0)),
      out_shape=jax.ShapeDtypeStruct((NP, D_HID), jnp.float32),
  )(degp, agg1, p1, b1r)


def _tc_k3(degp, agg2, q1, b2r, W2, Wt3, bias3):
  return pl.pallas_call(
      _k3_body,
      grid=(NP // BM,),
      in_specs=[
          pl.BlockSpec((NC, BM), lambda i: (0, i)),
          pl.BlockSpec((NC, BM, D_HID), lambda i: (0, i, 0)),
          pl.BlockSpec((BM, D_HID), lambda i: (i, 0)),
          pl.BlockSpec((1, D_OUT), lambda i: (0, 0)),
          pl.BlockSpec((D_HID, D_OUT), lambda i: (0, 0)),
          pl.BlockSpec((3, D_OUT), lambda i: (0, 0)),
          pl.BlockSpec((3, 1), lambda i: (0, 0)),
      ],
      out_specs=pl.BlockSpec((3, BM), lambda i: (0, i)),
      out_shape=jax.ShapeDtypeStruct((3, NP), jnp.float32),
  )(degp, agg2, q1, b2r, W2, Wt3, bias3)



def kernel(x, edge_index, edge_label_index, W1, b1, W2, b2, Wt, bt):
  x_pad = jnp.pad(x, ((0, NP - N), (0, 0)))
  pad_e = jnp.full((EP - E,), NP - 1, jnp.int32)
  src_f = jnp.concatenate([edge_index[0], pad_e]).reshape(NW * NCH, C)
  dst_f = jnp.concatenate([edge_index[1], pad_e]).reshape(NW * NCH, C)
  pad_l = jnp.zeros((EP - EL,), jnp.int32)
  a_f = jnp.concatenate([edge_label_index[0], pad_l])
  b_f = jnp.concatenate([edge_label_index[1], pad_l])
  c_f = jnp.concatenate([edge_label_index[2], pad_l])
  ones_c = jnp.ones((C,), jnp.float32)
  zeros_1 = jnp.zeros((RPT,), jnp.float32)
  zeros_h = jnp.zeros((RPT, D_HID), jnp.float32)
  b1r = b1.reshape(1, D_HID)
  b2r = b2.reshape(1, D_OUT)
  Wt3 = Wt[:, 0].reshape(3, D_OUT)
  bias3 = jnp.concatenate([bt, jnp.zeros((2,), jnp.float32)]).reshape(3, 1)

  degp = _deg_kernel(dst_f, ones_c, zeros_1).reshape(NC, NP)
  p1 = _tc_k1(degp, x_pad, W1)
  agg1 = _agg_kernel(p1, src_f, dst_f, zeros_h)
  q1 = _tc_k2(degp, agg1, p1, b1r)
  agg2 = _agg_kernel(q1, src_f, dst_f, zeros_h)
  s = _tc_k3(degp, agg2, q1, b2r, W2, Wt3, bias3)
  logits = _decode_kernel(s.reshape(3 * NP), a_f, b_f, c_f)
  return logits[:EL]

# --- scband reference (transcript-rebuilt; emitter-appended) ---
"""Pipeline reference for scband-link-predictor-68221260529797 (READ-ONLY COPY).

The authoritative reference and input builder live on the scoring server;
editing this copy changes nothing except your own understanding.
"""

import jax, jax.numpy as jnp
import numpy as np

N = 10000
E = 320000
EL = 320000
D_IN = 128
D_HID = 128
D_OUT = 64


def setup_inputs(seed: int = 0) -> dict:
    key = jax.random.key(seed)
    ks = jax.random.split(key, 10)
    x = jax.random.normal(ks[0], (N, D_IN), dtype=jnp.float32)
    edge_index = jax.random.randint(ks[1], (2, E), 0, N, dtype=jnp.int32)
    edge_label_index = jax.random.randint(ks[2], (3, EL), 0, N, dtype=jnp.int32)
    W1 = jax.random.normal(ks[3], (D_IN, D_HID), dtype=jnp.float32) * 0.05
    b1 = jnp.zeros((D_HID,), dtype=jnp.float32)
    W2 = jax.random.normal(ks[4], (D_HID, D_OUT), dtype=jnp.float32) * 0.05
    b2 = jnp.zeros((D_OUT,), dtype=jnp.float32)
    Wt = jax.random.normal(ks[5], (D_OUT * 3, 1), dtype=jnp.float32) * 0.05
    bt = jnp.zeros((1,), dtype=jnp.float32)
    return {"x": x, "edge_index": edge_index, "edge_label_index": edge_label_index,
            "W1": W1, "b1": b1, "W2": W2, "b2": b2, "Wt": Wt, "bt": bt}


def gcn_conv(x, edge_index, W, b):
    # Faithful GCNConv: add self-loops, symmetric normalization, scatter-add aggregation
    n = x.shape[0]
    loop = jnp.arange(n, dtype=edge_index.dtype)
    src = jnp.concatenate([edge_index[0], loop])
    dst = jnp.concatenate([edge_index[1], loop])
    deg = jnp.zeros((n,), dtype=x.dtype).at[dst].add(1.0)
    deg_inv_sqrt = jnp.where(deg > 0, 1.0 / jnp.sqrt(deg), 0.0)
    norm = deg_inv_sqrt[src] * deg_inv_sqrt[dst]
    h = x @ W
    msg = h[src] * norm[:, None]
    out = jnp.zeros((n, W.shape[1]), dtype=x.dtype).at[dst].add(msg)
    return out + b


def reference(x, edge_index, edge_label_index, W1, b1, W2, b2, Wt, bt):
    # encode
    z = jax.nn.relu(gcn_conv(x, edge_index, W1, b1))
    z = gcn_conv(z, edge_index, W2, b2)
    # decode (triple prediction)
    feat = jnp.concatenate([z[edge_label_index[0]], z[edge_label_index[1]], z[edge_label_index[2]]], axis=-1)
    logits = feat @ Wt + bt
    return jnp.squeeze(logits, axis=-1)

if __name__ == "__main__":
    import jax
    _d = setup_inputs()
    print(jax.jit(kernel)(*tuple(_d.values())))

</pallas_src>

<mosaic_0001>
#map = affine_map<(d0, d1) -> (0)>
module attributes {stable_mosaic.version = 14 : i64} {
  func.func @_decode_kernel(%arg0: i32, %arg1: i32, %arg2: memref<30720xf32, #tpu.memory_space<hbm>>, %arg3: memref<327680xi32, #tpu.memory_space<hbm>>, %arg4: memref<327680xi32, #tpu.memory_space<hbm>>, %arg5: memref<327680xi32, #tpu.memory_space<hbm>>, %arg6: memref<327680xf32, #tpu.memory_space<hbm>>, %arg7: memref<10240xf32, #tpu.memory_space<vmem>>, %arg8: memref<10240xf32, #tpu.memory_space<vmem>>, %arg9: memref<10240xf32, #tpu.memory_space<vmem>>, %arg10: memref<10240xi32, #tpu.memory_space<vmem>>, %arg11: memref<10240xi32, #tpu.memory_space<vmem>>, %arg12: memref<10240xi32, #tpu.memory_space<vmem>>, %arg13: memref<10240xf32, #tpu.memory_space<vmem>>) attributes {dimension_semantics = [#tpu.dimension_semantics<core_parallel>, #tpu.dimension_semantics<subcore_parallel>], iteration_bounds = array<i64: 2, 16>, scalar_prefetch = 0 : i64, scratch_operands = 7 : i64, tpu.core_type = #tpu.core_type<sc_vector_subcore>, window_params = [{transform_indices = #map}, {transform_indices = #map}, {transform_indices = #map}, {transform_indices = #map}, {transform_indices = #map}]} {
    %mul3A = arith.constant 2 : i32
    %mul3A_0 = arith.muli %arg1, %mul3A : i32
    %add3A = arith.addi %mul3A_0, %arg0 : i32
    %mul3A_1 = arith.constant 10240 : i32
    %mul3A_2 = arith.muli %add3A, %mul3A_1 : i32
    "tpu.region"() ({
      %run_scoped3A = tpu.sem_alloc : memref<!tpu.dma_semaphore, #tpu.memory_space<semaphore_mem>>
      %dma_start3A = arith.constant 0 : i32
      %dma_start3A_8 = tpu.memref_slice %arg2[%dma_start3A] : memref<30720xf32, #tpu.memory_space<hbm>> -> memref<10240xf32, #tpu.memory_space<hbm>>
      %dma_start3A_9 = arith.constant 0 : i32
      %dma_start3A_10 = tpu.memref_slice %arg2[%dma_start3A_9] : memref<30720xf32, #tpu.memory_space<hbm>> -> memref<10240xf32, #tpu.memory_space<hbm>>
      tpu.enqueue_dma source(%dma_start3A_10 : memref<10240xf32, #tpu.memory_space<hbm>>) target(%arg7 : memref<10240xf32, #tpu.memory_space<vmem>>) target_semaphore(%run_scoped3A : memref<!tpu.dma_semaphore, #tpu.memory_space<semaphore_mem>>)
      %dma_wait3A = arith.constant 0 : i32
      %dma_wait3A_11 = tpu.memref_slice %arg2[%dma_wait3A] : memref<30720xf32, #tpu.memory_space<hbm>> -> memref<10240xf32, #tpu.memory_space<hbm>>
      %dma_wait3A_12 = arith.constant 0 : i32
      %dma_wait3A_13 = tpu.memref_slice %arg2[%dma_wait3A_12] : memref<30720xf32, #tpu.memory_space<hbm>> -> memref<10240xf32, #tpu.memory_space<hbm>>
      tpu.wait_dma2 semaphore(%run_scoped3A : memref<!tpu.dma_semaphore, #tpu.memory_space<semaphore_mem>>) src(%dma_wait3A_13 : memref<10240xf32, #tpu.memory_space<hbm>>) dst(%arg7 : memref<10240xf32, #tpu.memory_space<vmem>>)
      tpu.yield
    }) : () -> ()
    "tpu.region"() ({
      %run_scoped3A = tpu.sem_alloc : memref<!tpu.dma_semaphore, #tpu.memory_space<semaphore_mem>>
      %dma_start3A = arith.constant 10240 : i32
      %dma_start3A_8 = tpu.memref_slice %arg2[%dma_start3A] : memref<30720xf32, #tpu.memory_space<hbm>> -> memref<10240xf32, #tpu.memory_space<hbm>>
      %dma_start3A_9 = arith.constant 10240 : i32
      %dma_start3A_10 = tpu.memref_slice %arg2[%dma_start3A_9] : memref<30720xf32, #tpu.memory_space<hbm>> -> memref<10240xf32, #tpu.memory_space<hbm>>
      tpu.enqueue_dma source(%dma_start3A_10 : memref<10240xf32, #tpu.memory_space<hbm>>) target(%arg8 : memref<10240xf32, #tpu.memory_space<vmem>>) target_semaphore(%run_scoped3A : memref<!tpu.dma_semaphore, #tpu.memory_space<semaphore_mem>>)
      %dma_wait3A = arith.constant 10240 : i32
      %dma_wait3A_11 = tpu.memref_slice %arg2[%dma_wait3A] : memref<30720xf32, #tpu.memory_space<hbm>> -> memref<10240xf32, #tpu.memory_space<hbm>>
      %dma_wait3A_12 = arith.constant 10240 : i32
      %dma_wait3A_13 = tpu.memref_slice %arg2[%dma_wait3A_12] : memref<30720xf32, #tpu.memory_space<hbm>> -> memref<10240xf32, #tpu.memory_space<hbm>>
      tpu.wait_dma2 semaphore(%run_scoped3A : memref<!tpu.dma_semaphore, #tpu.memory_space<semaphore_mem>>) src(%dma_wait3A_13 : memref<10240xf32, #tpu.memory_space<hbm>>) dst(%arg8 : memref<10240xf32, #tpu.memory_space<vmem>>)
      tpu.yield
    }) : () -> ()
    "tpu.region"() ({
      %run_scoped3A = tpu.sem_alloc : memref<!tpu.dma_semaphore, #tpu.memory_space<semaphore_mem>>
      %dma_start3A = arith.constant 20480 : i32
      %dma_start3A_8 = tpu.memref_slice %arg2[%dma_start3A] : memref<30720xf32, #tpu.memory_space<hbm>> -> memref<10240xf32, #tpu.memory_space<hbm>>
      %dma_start3A_9 = arith.constant 20480 : i32
      %dma_start3A_10 = tpu.memref_slice %arg2[%dma_start3A_9] : memref<30720xf32, #tpu.memory_space<hbm>> -> memref<10240xf32, #tpu.memory_space<hbm>>
      tpu.enqueue_dma source(%dma_start3A_10 : memref<10240xf32, #tpu.memory_space<hbm>>) target(%arg9 : memref<10240xf32, #tpu.memory_space<vmem>>) target_semaphore(%run_scoped3A : memref<!tpu.dma_semaphore, #tpu.memory_space<semaphore_mem>>)
      %dma_wait3A = arith.constant 20480 : i32
      %dma_wait3A_11 = tpu.memref_slice %arg2[%dma_wait3A] : memref<30720xf32, #tpu.memory_space<hbm>> -> memref<10240xf32, #tpu.memory_space<hbm>>
      %dma_wait3A_12 = arith.constant 20480 : i32
      %dma_wait3A_13 = tpu.memref_slice %arg2[%dma_wait3A_12] : memref<30720xf32, #tpu.memory_space<hbm>> -> memref<10240xf32, #tpu.memory_space<hbm>>
      tpu.wait_dma2 semaphore(%run_scoped3A : memref<!tpu.dma_semaphore, #tpu.memory_space<semaphore_mem>>) src(%dma_wait3A_13 : memref<10240xf32, #tpu.memory_space<hbm>>) dst(%arg9 : memref<10240xf32, #tpu.memory_space<vmem>>)
      tpu.yield
    }) : () -> ()
    "tpu.region"() ({
      %run_scoped3A = tpu.sem_alloc : memref<!tpu.dma_semaphore, #tpu.memory_space<semaphore_mem>>
      %dma_start3A = tpu.memref_slice %arg3[%mul3A_2] : memref<327680xi32, #tpu.memory_space<hbm>> -> memref<10240xi32, #tpu.memory_space<hbm>>
      %dma_start3A_8 = tpu.memref_slice %arg3[%mul3A_2] : memref<327680xi32, #tpu.memory_space<hbm>> -> memref<10240xi32, #tpu.memory_space<hbm>>
      tpu.enqueue_dma source(%dma_start3A_8 : memref<10240xi32, #tpu.memory_space<hbm>>) target(%arg10 : memref<10240xi32, #tpu.memory_space<vmem>>) target_semaphore(%run_scoped3A : memref<!tpu.dma_semaphore, #tpu.memory_space<semaphore_mem>>)
      %dma_wait3A = tpu.memref_slice %arg3[%mul3A_2] : memref<327680xi32, #tpu.memory_space<hbm>> -> memref<10240xi32, #tpu.memory_space<hbm>>
      %dma_wait3A_9 = tpu.memref_slice %arg3[%mul3A_2] : memref<327680xi32, #tpu.memory_space<hbm>> -> memref<10240xi32, #tpu.memory_space<hbm>>
      tpu.wait_dma2 semaphore(%run_scoped3A : memref<!tpu.dma_semaphore, #tpu.memory_space<semaphore_mem>>) src(%dma_wait3A_9 : memref<10240xi32, #tpu.memory_space<hbm>>) dst(%arg10 : memref<10240xi32, #tpu.memory_space<vmem>>)
      tpu.yield
    }) : () -> ()
    "tpu.region"() ({
      %run_scoped3A = tpu.sem_alloc : memref<!tpu.dma_semaphore, #tpu.memory_space<semaphore_mem>>
      %dma_start3A = tpu.memref_slice %arg4[%mul3A_2] : memref<327680xi32, #tpu.memory_space<hbm>> -> memref<10240xi32, #tpu.memory_space<hbm>>
      %dma_start3A_8 = tpu.memref_slice %arg4[%mul3A_2] : memref<327680xi32, #tpu.memory_space<hbm>> -> memref<10240xi32, #tpu.memory_space<hbm>>
      tpu.enqueue_dma source(%dma_start3A_8 : memref<10240xi32, #tpu.memory_space<hbm>>) target(%arg11 : memref<10240xi32, #tpu.memory_space<vmem>>) target_semaphore(%run_scoped3A : memref<!tpu.dma_semaphore, #tpu.memory_space<semaphore_mem>>)
      %dma_wait3A = tpu.memref_slice %arg4[%mul3A_2] : memref<327680xi32, #tpu.memory_space<hbm>> -> memref<10240xi32, #tpu.memory_space<hbm>>
      %dma_wait3A_9 = tpu.memref_slice %arg4[%mul3A_2] : memref<327680xi32, #tpu.memory_space<hbm>> -> memref<10240xi32, #tpu.memory_space<hbm>>
      tpu.wait_dma2 semaphore(%run_scoped3A : memref<!tpu.dma_semaphore, #tpu.memory_space<semaphore_mem>>) src(%dma_wait3A_9 : memref<10240xi32, #tpu.memory_space<hbm>>) dst(%arg11 : memref<10240xi32, #tpu.memory_space<vmem>>)
      tpu.yield
    }) : () -> ()
    "tpu.region"() ({
      %run_scoped3A = tpu.sem_alloc : memref<!tpu.dma_semaphore, #tpu.memory_space<semaphore_mem>>
      %dma_start3A = tpu.memref_slice %arg5[%mul3A_2] : memref<327680xi32, #tpu.memory_space<hbm>> -> memref<10240xi32, #tpu.memory_space<hbm>>
      %dma_start3A_8 = tpu.memref_slice %arg5[%mul3A_2] : memref<327680xi32, #tpu.memory_space<hbm>> -> memref<10240xi32, #tpu.memory_space<hbm>>
      tpu.enqueue_dma source(%dma_start3A_8 : memref<10240xi32, #tpu.memory_space<hbm>>) target(%arg12 : memref<10240xi32, #tpu.memory_space<vmem>>) target_semaphore(%run_scoped3A : memref<!tpu.dma_semaphore, #tpu.memory_space<semaphore_mem>>)
      %dma_wait3A = tpu.memref_slice %arg5[%mul3A_2] : memref<327680xi32, #tpu.memory_space<hbm>> -> memref<10240xi32, #tpu.memory_space<hbm>>
      %dma_wait3A_9 = tpu.memref_slice %arg5[%mul3A_2] : memref<327680xi32, #tpu.memory_space<hbm>> -> memref<10240xi32, #tpu.memory_space<hbm>>
      tpu.wait_dma2 semaphore(%run_scoped3A : memref<!tpu.dma_semaphore, #tpu.memory_space<semaphore_mem>>) src(%dma_wait3A_9 : memref<10240xi32, #tpu.memory_space<hbm>>) dst(%arg12 : memref<10240xi32, #tpu.memory_space<vmem>>)
      tpu.yield
    }) : () -> ()
    %scan3A = arith.constant 0 : i32
    %scan3A_3 = arith.constant 0 : i32
    %scan3A_4 = arith.constant 640 : i32
    %scan3A_5 = arith.addi %scan3A_3, %scan3A_4 : i32
    %scan3A_6 = arith.constant 1 : i32
    scf.for %scan3A_8 = %scan3A_3 to %scan3A_5 step %scan3A_6  : i32 {
      %mul3A_9 = arith.constant 16 : i32
      %mul3A_10 = arith.muli %scan3A_8, %mul3A_9 : i32
      %get3A = arith.index_cast %mul3A_10 : i32 to index
      %get3A_11 = tpu.vector_load %arg10[%get3A] {strides = array<i32>} : memref<10240xi32, #tpu.memory_space<vmem>>, vector<16xi32>,
      %gather3A = tpu.vector_load_idx %arg7[%get3A_11] : memref<10240xf32, #tpu.memory_space<vmem>>[vector<16xi32>], vector<16xf32>,
      %get3A_12 = arith.index_cast %mul3A_10 : i32 to index
      %get3A_13 = tpu.vector_load %arg11[%get3A_12] {strides = array<i32>} : memref<10240xi32, #tpu.memory_space<vmem>>, vector<16xi32>,
      %gather3A_14 = tpu.vector_load_idx %arg8[%get3A_13] : memref<10240xf32, #tpu.memory_space<vmem>>[vector<16xi32>], vector<16xf32>,
      %get3A_15 = arith.index_cast %mul3A_10 : i32 to index
      %get3A_16 = tpu.vector_load %arg12[%get3A_15] {strides = array<i32>} : memref<10240xi32, #tpu.memory_space<vmem>>, vector<16xi32>,
      %gather3A_17 = tpu.vector_load_idx %arg9[%get3A_16] : memref<10240xf32, #tpu.memory_space<vmem>>[vector<16xi32>], vector<16xf32>,
      %add3A_18 = arith.addf %gather3A, %gather3A_14 : vector<16xf32>
      %add3A_19 = arith.addf %add3A_18, %gather3A_17 : vector<16xf32>
      %swap3A = arith.index_cast %mul3A_10 : i32 to index
      %swap3A_20 = tpu.vector_load %arg13[%swap3A] {strides = array<i32>} : memref<10240xf32, #tpu.memory_space<vmem>>, vector<16xf32>,
      tpu.vector_store %arg13[%swap3A], %add3A_19 {strides = array<i32>} : memref<10240xf32, #tpu.memory_space<vmem>>, vector<16xf32>,
    }
    %scan3A_7 = arith.constant 640 : i32
    "tpu.region"() ({
      %run_scoped3A = tpu.sem_alloc : memref<!tpu.dma_semaphore, #tpu.memory_space<semaphore_mem>>
      %dma_start3A = tpu.memref_slice %arg6[%mul3A_2] : memref<327680xf32, #tpu.memory_space<hbm>> -> memref<10240xf32, #tpu.memory_space<hbm>>
      %dma_start3A_8 = tpu.memref_slice %arg6[%mul3A_2] : memref<327680xf32, #tpu.memory_space<hbm>> -> memref<10240xf32, #tpu.memory_space<hbm>>
      tpu.enqueue_dma source(%arg13 : memref<10240xf32, #tpu.memory_space<vmem>>) target(%dma_start3A_8 : memref<10240xf32, #tpu.memory_space<hbm>>) target_semaphore(%run_scoped3A : memref<!tpu.dma_semaphore, #tpu.memory_space<semaphore_mem>>)
      %dma_wait3A = tpu.memref_slice %arg6[%mul3A_2] : memref<327680xf32, #tpu.memory_space<hbm>> -> memref<10240xf32, #tpu.memory_space<hbm>>
      %dma_wait3A_9 = tpu.memref_slice %arg6[%mul3A_2] : memref<327680xf32, #tpu.memory_space<hbm>> -> memref<10240xf32, #tpu.memory_space<hbm>>
      tpu.wait_dma2 semaphore(%run_scoped3A : memref<!tpu.dma_semaphore, #tpu.memory_space<semaphore_mem>>) src(%arg13 : memref<10240xf32, #tpu.memory_space<vmem>>) dst(%dma_wait3A_9 : memref<10240xf32, #tpu.memory_space<hbm>>)
      tpu.yield
    }) : () -> ()
    return
  }
}

#map = affine_map<(d0, d1) -> (0, 0)>
#map1 = affine_map<(d0, d1) -> (0, 0, 0)>
module attributes {stable_mosaic.version = 14 : i64} {
  func.func @_agg_kernel(%arg0: i32, %arg1: i32, %arg2: memref<10240x128xf32, #tpu.memory_space<hbm>>, %arg3: memref<2560x128xi32, #tpu.memory_space<hbm>>, %arg4: memref<2560x128xi32, #tpu.memory_space<hbm>>, %arg5: memref<640x128xf32, #tpu.memory_space<hbm>>, %arg6: memref<2x10240x128xf32, #tpu.memory_space<hbm>>, %arg7: memref<40x128xi32, #tpu.memory_space<vmem>>, %arg8: memref<40x128xi32, #tpu.memory_space<vmem>>, %arg9: memref<128x128xf32, #tpu.memory_space<vmem>>, %arg10: memref<128x128xf32, #tpu.memory_space<vmem>>, %arg11: memref<10240x128xf32, #tpu.memory_space<vmem_shared>>, %arg12: memref<!tpu.dma_semaphore, #tpu.memory_space<semaphore_mem>>, %arg13: memref<!tpu.dma_semaphore, #tpu.memory_space<semaphore_mem>>) attributes {dimension_semantics = [#tpu.dimension_semantics<core_parallel>, #tpu.dimension_semantics<subcore_parallel>], iteration_bounds = array<i64: 2, 16>, scalar_prefetch = 0 : i64, scratch_operands = 7 : i64, tpu.core_type = #tpu.core_type<sc_vector_subcore>, window_params = [{transform_indices = #map}, {transform_indices = #map}, {transform_indices = #map}, {transform_indices = #map}, {transform_indices = #map1}]} {
    %mul3A = arith.constant 640 : i32
    %mul3A_0 = arith.muli %arg1, %mul3A : i32
    "tpu.region"() ({
      %run_scoped3A = tpu.sem_alloc : memref<!tpu.dma_semaphore, #tpu.memory_space<semaphore_mem>>
      %dma_start3A = arith.constant 0 : i32
      %dma_start3A_13 = tpu.memref_slice %arg11[%mul3A_0, %dma_start3A] : memref<10240x128xf32, #tpu.memory_space<vmem_shared>> -> memref<640x128xf32, #tpu.memory_space<vmem_shared>>
      tpu.enqueue_dma source(%arg5 : memref<640x128xf32, #tpu.memory_space<hbm>>) target(%dma_start3A_13 : memref<640x128xf32, #tpu.memory_space<vmem_shared>>) target_semaphore(%run_scoped3A : memref<!tpu.dma_semaphore, #tpu.memory_space<semaphore_mem>>)
      %dma_wait3A = arith.constant 0 : i32
      %dma_wait3A_14 = tpu.memref_slice %arg11[%mul3A_0, %dma_wait3A] : memref<10240x128xf32, #tpu.memory_space<vmem_shared>> -> memref<640x128xf32, #tpu.memory_space<vmem_shared>>
      tpu.wait_dma2 semaphore(%run_scoped3A : memref<!tpu.dma_semaphore, #tpu.memory_space<semaphore_mem>>) src(%arg5 : memref<640x128xf32, #tpu.memory_space<hbm>>) dst(%dma_wait3A_14 : memref<640x128xf32, #tpu.memory_space<vmem_shared>>)
      tpu.yield
    }) : () -> ()
    %barrier3A = arith.constant 0 : index
    tpu.barrier barrier_id(%barrier3A)
    %eq3A = arith.constant 0 : i32
    %eq3A_1 = arith.cmpi eq, %arg0, %eq3A : i32
    %convert_element_type3A = arith.extui %eq3A_1 : i1 to i32
    %cond3A = arith.constant 0 : i32
    %cond3A_2 = arith.cmpi ne, %convert_element_type3A, %cond3A : i32
    scf.if %cond3A_2 {
      %mul3A_13 = arith.constant 120 : i32
      %mul3A_14 = arith.muli %arg1, %mul3A_13 : i32
      %add3A = arith.constant 0 : i32
      %add3A_15 = arith.addi %mul3A_14, %add3A : i32
      "tpu.region"() ({
        %run_scoped3A = tpu.sem_alloc : memref<!tpu.dma_semaphore, #tpu.memory_space<semaphore_mem>>
        %dma_start3A_57 = arith.constant 0 : i32
        %dma_start3A_58 = tpu.memref_slice %arg3[%add3A_15, %dma_start3A_57] : memref<2560x128xi32, #tpu.memory_space<hbm>> -> memref<40x128xi32, #tpu.memory_space<hbm>>
        %dma_start3A_59 = arith.constant 0 : i32
        %dma_start3A_60 = tpu.memref_slice %arg3[%add3A_15, %dma_start3A_59] : memref<2560x128xi32, #tpu.memory_space<hbm>> -> memref<40x128xi32, #tpu.memory_space<hbm>>
        tpu.enqueue_dma source(%dma_start3A_60 : memref<40x128xi32, #tpu.memory_space<hbm>>) target(%arg7 : memref<40x128xi32, #tpu.memory_space<vmem>>) target_semaphore(%run_scoped3A : memref<!tpu.dma_semaphore, #tpu.memory_space<semaphore_mem>>)
        %dma_wait3A = arith.constant 0 : i32
        %dma_wait3A_61 = tpu.memref_slice %arg3[%add3A_15, %dma_wait3A] : memref<2560x128xi32, #tpu.memory_space<hbm>> -> memref<40x128xi32, #tpu.memory_space<hbm>>
        %dma_wait3A_62 = arith.constant 0 : i32
        %dma_wait3A_63 = tpu.memref_slice %arg3[%add3A_15, %dma_wait3A_62] : memref<2560x128xi32, #tpu.memory_space<hbm>> -> memref<40x128xi32, #tpu.memory_space<hbm>>
        tpu.wait_dma2 semaphore(%run_scoped3A : memref<!tpu.dma_semaphore, #tpu.memory_space<semaphore_mem>>) src(%dma_wait3A_63 : memref<40x128xi32, #tpu.memory_space<hbm>>) dst(%arg7 : memref<40x128xi32, #tpu.memory_space<vmem>>)
        tpu.yield
      }) : () -> ()
      "tpu.region"() ({
        %run_scoped3A = tpu.sem_alloc : memref<!tpu.dma_semaphore, #tpu.memory_space<semaphore_mem>>
        %dma_start3A_57 = arith.constant 0 : i32
        %dma_start3A_58 = tpu.memref_slice %arg4[%add3A_15, %dma_start3A_57] : memref<2560x128xi32, #tpu.memory_space<hbm>> -> memref<40x128xi32, #tpu.memory_space<hbm>>
        %dma_start3A_59 = arith.constant 0 : i32
        %dma_start3A_60 = tpu.memref_slice %arg4[%add3A_15, %dma_start3A_59] : memref<2560x128xi32, #tpu.memory_space<hbm>> -> memref<40x128xi32, #tpu.memory_space<hbm>>
        tpu.enqueue_dma source(%dma_start3A_60 : memref<40x128xi32, #tpu.memory_space<hbm>>) target(%arg8 : memref<40x128xi32, #tpu.memory_space<vmem>>) target_semaphore(%run_scoped3A : memref<!tpu.dma_semaphore, #tpu.memory_space<semaphore_mem>>)
        %dma_wait3A = arith.constant 0 : i32
        %dma_wait3A_61 = tpu.memref_slice %arg4[%add3A_15, %dma_wait3A] : memref<2560x128xi32, #tpu.memory_space<hbm>> -> memref<40x128xi32, #tpu.memory_space<hbm>>
        %dma_wait3A_62 = arith.constant 0 : i32
        %dma_wait3A_63 = tpu.memref_slice %arg4[%add3A_15, %dma_wait3A_62] : memref<2560x128xi32, #tpu.memory_space<hbm>> -> memref<40x128xi32, #tpu.memory_space<hbm>>
        tpu.wait_dma2 semaphore(%run_scoped3A : memref<!tpu.dma_semaphore, #tpu.memory_space<semaphore_mem>>) src(%dma_wait3A_63 : memref<40x128xi32, #tpu.memory_space<hbm>>) dst(%arg8 : memref<40x128xi32, #tpu.memory_space<vmem>>)
        tpu.yield
      }) : () -> ()
      %dma_start3A = arith.constant 0 : i32
      %dma_start3A_16 = arith.constant 0 : i32
      %dma_start3A_17 = tpu.memref_slice %arg7[%dma_start3A, %dma_start3A_16] : memref<40x128xi32, #tpu.memory_space<vmem>> -> memref<1x128xi32, #tpu.memory_space<vmem>>
      %dma_start3A_18 = tpu.memref_squeeze %dma_start3A_17 : memref<1x128xi32, #tpu.memory_space<vmem>> -> memref<128xi32, #tpu.memory_space<vmem>>
      %dma_start3A_19 = arith.constant 0 : i32
      %dma_start3A_20 = arith.constant 0 : i32
      %dma_start3A_21 = tpu.memref_slice %arg2[%dma_start3A_19, %dma_start3A_20] : memref<10240x128xf32, #tpu.memory_space<hbm>> -> memref<10240x128xf32, #tpu.memory_space<hbm>>
      tpu.enqueue_indirect_dma source(%dma_start3A_21 : memref<10240x128xf32, #tpu.memory_space<hbm>>) target(%arg9 : memref<128x128xf32, #tpu.memory_space<vmem>>) offsets(%dma_start3A_18 : memref<128xi32, #tpu.memory_space<vmem>>) semaphore(%arg12 : memref<!tpu.dma_semaphore, #tpu.memory_space<semaphore_mem>>)
      %scan3A = arith.constant 0 : i32
      %scan3A_22 = arith.constant 0 : i32
      %scan3A_23 = arith.constant 20 : i32
      %scan3A_24 = arith.addi %scan3A_22, %scan3A_23 : i32
      %scan3A_25 = arith.constant 1 : i32
      scf.for %scan3A_57 = %scan3A_22 to %scan3A_24 step %scan3A_25  : i32 {
        %mul3A_58 = arith.constant 2 : i32
        %mul3A_59 = arith.muli %mul3A_58, %scan3A_57 : i32
        %add3A_60 = arith.constant 1 : i32
        %add3A_61 = arith.addi %mul3A_59, %add3A_60 : i32
        %dma_start3A_62 = arith.constant 0 : i32
        %dma_start3A_63 = tpu.memref_slice %arg7[%add3A_61, %dma_start3A_62] : memref<40x128xi32, #tpu.memory_space<vmem>> -> memref<1x128xi32, #tpu.memory_space<vmem>>
        %dma_start3A_64 = tpu.memref_squeeze %dma_start3A_63 : memref<1x128xi32, #tpu.memory_space<vmem>> -> memref<128xi32, #tpu.memory_space<vmem>>
        %dma_start3A_65 = arith.constant 0 : i32
        %dma_start3A_66 = arith.constant 0 : i32
        %dma_start3A_67 = tpu.memref_slice %arg2[%dma_start3A_65, %dma_start3A_66] : memref<10240x128xf32, #tpu.memory_space<hbm>> -> memref<10240x128xf32, #tpu.memory_space<hbm>>
        tpu.enqueue_indirect_dma source(%dma_start3A_67 : memref<10240x128xf32, #tpu.memory_space<hbm>>) target(%arg10 : memref<128x128xf32, #tpu.memory_space<vmem>>) offsets(%dma_start3A_64 : memref<128xi32, #tpu.memory_space<vmem>>) semaphore(%arg13 : memref<!tpu.dma_semaphore, #tpu.memory_space<semaphore_mem>>)
        %dma_wait3A = arith.constant 0 : i32
        %dma_wait3A_68 = tpu.memref_slice %arg7[%mul3A_59, %dma_wait3A] : memref<40x128xi32, #tpu.memory_space<vmem>> -> memref<1x128xi32, #tpu.memory_space<vmem>>
        %dma_wait3A_69 = tpu.memref_squeeze %dma_wait3A_68 : memref<1x128xi32, #tpu.memory_space<vmem>> -> memref<128xi32, #tpu.memory_space<vmem>>
        %dma_wait3A_70 = arith.constant 0 : i32
        %dma_wait3A_71 = arith.constant 0 : i32
        %dma_wait3A_72 = tpu.memref_slice %arg2[%dma_wait3A_70, %dma_wait3A_71] : memref<10240x128xf32, #tpu.memory_space<hbm>> -> memref<10240x128xf32, #tpu.memory_space<hbm>>
        tpu.wait_indirect_dma semaphore(%arg12 : memref<!tpu.dma_semaphore, #tpu.memory_space<semaphore_mem>>) src(%dma_wait3A_72 : memref<10240x128xf32, #tpu.memory_space<hbm>>) dst(%arg9 : memref<128x128xf32, #tpu.memory_space<vmem>>)
        "tpu.region"() ({
          %run_scoped3A = tpu.sem_alloc : memref<!tpu.dma_semaphore, #tpu.memory_space<semaphore_mem>>
          %dma_start3A_83 = arith.constant 0 : i32
          %dma_start3A_84 = tpu.memref_slice %arg8[%mul3A_59, %dma_start3A_83] : memref<40x128xi32, #tpu.memory_space<vmem>> -> memref<1x128xi32, #tpu.memory_space<vmem>>
          %dma_start3A_85 = tpu.memref_squeeze %dma_start3A_84 : memref<1x128xi32, #tpu.memory_space<vmem>> -> memref<128xi32, #tpu.memory_space<vmem>>
          %dma_start3A_86 = arith.constant 0 : i32
          %dma_start3A_87 = arith.constant 0 : i32
          %dma_start3A_88 = tpu.memref_slice %arg11[%dma_start3A_86, %dma_start3A_87] : memref<10240x128xf32, #tpu.memory_space<vmem_shared>> -> memref<10240x128xf32, #tpu.memory_space<vmem_shared>>
          tpu.enqueue_indirect_dma source(%arg9 : memref<128x128xf32, #tpu.memory_space<vmem>>) target(%dma_start3A_88 : memref<10240x128xf32, #tpu.memory_space<vmem_shared>>) offsets(%dma_start3A_85 : memref<128xi32, #tpu.memory_space<vmem>>) semaphore(%run_scoped3A : memref<!tpu.dma_semaphore, #tpu.memory_space<semaphore_mem>>) {add = true}
          %dma_wait3A_89 = arith.constant 0 : i32
          %dma_wait3A_90 = tpu.memref_slice %arg8[%mul3A_59, %dma_wait3A_89] : memref<40x128xi32, #tpu.memory_space<vmem>> -> memref<1x128xi32, #tpu.memory_space<vmem>>
          %dma_wait3A_91 = tpu.memref_squeeze %dma_wait3A_90 : memref<1x128xi32, #tpu.memory_space<vmem>> -> memref<128xi32, #tpu.memory_space<vmem>>
          %dma_wait3A_92 = arith.constant 0 : i32
          %dma_wait3A_93 = arith.constant 0 : i32
          %dma_wait3A_94 = tpu.memref_slice %arg11[%dma_wait3A_92, %dma_wait3A_93] : memref<10240x128xf32, #tpu.memory_space<vmem_shared>> -> memref<10240x128xf32, #tpu.memory_space<vmem_shared>>
          tpu.wait_indirect_dma semaphore(%run_scoped3A : memref<!tpu.dma_semaphore, #tpu.memory_space<semaphore_mem>>) src(%arg9 : memref<128x128xf32, #tpu.memory_space<vmem>>) dst(%dma_wait3A_94 : memref<10240x128xf32, #tpu.memory_space<vmem_shared>>)
          tpu.yield
        }) : () -> ()
        %lt3A = arith.constant 19 : i32
        %lt3A_73 = arith.cmpi slt, %scan3A_57, %lt3A : i32
        %convert_element_type3A_74 = arith.extui %lt3A_73 : i1 to i32
        %cond3A_75 = arith.constant 0 : i32
        %cond3A_76 = arith.cmpi ne, %convert_element_type3A_74, %cond3A_75 : i32
        scf.if %cond3A_76 {
          %add3A_83 = arith.constant 2 : i32
          %add3A_84 = arith.addi %mul3A_59, %add3A_83 : i32
          %dma_start3A_85 = arith.constant 0 : i32
          %dma_start3A_86 = tpu.memref_slice %arg7[%add3A_84, %dma_start3A_85] : memref<40x128xi32, #tpu.memory_space<vmem>> -> memref<1x128xi32, #tpu.memory_space<vmem>>
          %dma_start3A_87 = tpu.memref_squeeze %dma_start3A_86 : memref<1x128xi32, #tpu.memory_space<vmem>> -> memref<128xi32, #tpu.memory_space<vmem>>
          %dma_start3A_88 = arith.constant 0 : i32
          %dma_start3A_89 = arith.constant 0 : i32
          %dma_start3A_90 = tpu.memref_slice %arg2[%dma_start3A_88, %dma_start3A_89] : memref<10240x128xf32, #tpu.memory_space<hbm>> -> memref<10240x128xf32, #tpu.memory_space<hbm>>
          tpu.enqueue_indirect_dma source(%dma_start3A_90 : memref<10240x128xf32, #tpu.memory_space<hbm>>) target(%arg9 : memref<128x128xf32, #tpu.memory_space<vmem>>) offsets(%dma_start3A_87 : memref<128xi32, #tpu.memory_space<vmem>>) semaphore(%arg12 : memref<!tpu.dma_semaphore, #tpu.memory_space<semaphore_mem>>)
        } else {
        }
        %dma_wait3A_77 = arith.constant 0 : i32
        %dma_wait3A_78 = tpu.memref_slice %arg7[%add3A_61, %dma_wait3A_77] : memref<40x128xi32, #tpu.memory_space<vmem>> -> memref<1x128xi32, #tpu.memory_space<vmem>>
        %dma_wait3A_79 = tpu.memref_squeeze %dma_wait3A_78 : memref<1x128xi32, #tpu.memory_space<vmem>> -> memref<128xi32, #tpu.memory_space<vmem>>
        %dma_wait3A_80 = arith.constant 0 : i32
        %dma_wait3A_81 = arith.constant 0 : i32
        %dma_wait3A_82 = tpu.memref_slice %arg2[%dma_wait3A_80, %dma_wait3A_81] : memref<10240x128xf32, #tpu.memory_space<hbm>> -> memref<10240x128xf32, #tpu.memory_space<hbm>>
        tpu.wait_indirect_dma semaphore(%arg13 : memref<!tpu.dma_semaphore, #tpu.memory_space<semaphore_mem>>) src(%dma_wait3A_82 : memref<10240x128xf32, #tpu.memory_space<hbm>>) dst(%arg10 : memref<128x128xf32, #tpu.memory_space<vmem>>)
        "tpu.region"() ({
          %run_scoped3A = tpu.sem_alloc : memref<!tpu.dma_semaphore, #tpu.memory_space<semaphore_mem>>
          %dma_start3A_83 = arith.constant 0 : i32
          %dma_start3A_84 = tpu.memref_slice %arg8[%add3A_61, %dma_start3A_83] : memref<40x128xi32, #tpu.memory_space<vmem>> -> memref<1x128xi32, #tpu.memory_space<vmem>>
          %dma_start3A_85 = tpu.memref_squeeze %dma_start3A_84 : memref<1x128xi32, #tpu.memory_space<vmem>> -> memref<128xi32, #tpu.memory_space<vmem>>
          %dma_start3A_86 = arith.constant 0 : i32
          %dma_start3A_87 = arith.constant 0 : i32
          %dma_start3A_88 = tpu.memref_slice %arg11[%dma_start3A_86, %dma_start3A_87] : memref<10240x128xf32, #tpu.memory_space<vmem_shared>> -> memref<10240x128xf32, #tpu.memory_space<vmem_shared>>
          tpu.enqueue_indirect_dma source(%arg10 : memref<128x128xf32, #tpu.memory_space<vmem>>) target(%dma_start3A_88 : memref<10240x128xf32, #tpu.memory_space<vmem_shared>>) offsets(%dma_start3A_85 : memref<128xi32, #tpu.memory_space<vmem>>) semaphore(%run_scoped3A : memref<!tpu.dma_semaphore, #tpu.memory_space<semaphore_mem>>) {add = true}
          %dma_wait3A_89 = arith.constant 0 : i32
          %dma_wait3A_90 = tpu.memref_slice %arg8[%add3A_61, %dma_wait3A_89] : memref<40x128xi32, #tpu.memory_space<vmem>> -> memref<1x128xi32, #tpu.memory_space<vmem>>
          %dma_wait3A_91 = tpu.memref_squeeze %dma_wait3A_90 : memref<1x128xi32, #tpu.memory_space<vmem>> -> memref<128xi32, #tpu.memory_space<vmem>>
          %dma_wait3A_92 = arith.constant 0 : i32
          %dma_wait3A_93 = arith.constant 0 : i32
          %dma_wait3A_94 = tpu.memref_slice %arg11[%dma_wait3A_92, %dma_wait3A_93] : memref<10240x128xf32, #tpu.memory_space<vmem_shared>> -> memref<10240x128xf32, #tpu.memory_space<vmem_shared>>
          tpu.wait_indirect_dma semaphore(%run_scoped3A : memref<!tpu.dma_semaphore, #tpu.memory_space<semaphore_mem>>) src(%arg10 : memref<128x128xf32, #tpu.memory_space<vmem>>) dst(%dma_wait3A_94 : memref<10240x128xf32, #tpu.memory_space<vmem_shared>>)
          tpu.yield
        }) : () -> ()
      }
      %scan3A_26 = arith.constant 20 : i32
      %add3A_27 = arith.constant 40 : i32
      %add3A_28 = arith.addi %mul3A_14, %add3A_27 : i32
      "tpu.region"() ({
        %run_scoped3A = tpu.sem_alloc : memref<!tpu.dma_semaphore, #tpu.memory_space<semaphore_mem>>
        %dma_start3A_57 = arith.constant 0 : i32
        %dma_start3A_58 = tpu.memref_slice %arg3[%add3A_28, %dma_start3A_57] : memref<2560x128xi32, #tpu.memory_space<hbm>> -> memref<40x128xi32, #tpu.memory_space<hbm>>
        %dma_start3A_59 = arith.constant 0 : i32
        %dma_start3A_60 = tpu.memref_slice %arg3[%add3A_28, %dma_start3A_59] : memref<2560x128xi32, #tpu.memory_space<hbm>> -> memref<40x128xi32, #tpu.memory_space<hbm>>
        tpu.enqueue_dma source(%dma_start3A_60 : memref<40x128xi32, #tpu.memory_space<hbm>>) target(%arg7 : memref<40x128xi32, #tpu.memory_space<vmem>>) target_semaphore(%run_scoped3A : memref<!tpu.dma_semaphore, #tpu.memory_space<semaphore_mem>>)
        %dma_wait3A = arith.constant 0 : i32
        %dma_wait3A_61 = tpu.memref_slice %arg3[%add3A_28, %dma_wait3A] : memref<2560x128xi32, #tpu.memory_space<hbm>> -> memref<40x128xi32, #tpu.memory_space<hbm>>
        %dma_wait3A_62 = arith.constant 0 : i32
        %dma_wait3A_63 = tpu.memref_slice %arg3[%add3A_28, %dma_wait3A_62] : memref<2560x128xi32, #tpu.memory_space<hbm>> -> memref<40x128xi32, #tpu.memory_space<hbm>>
        tpu.wait_dma2 semaphore(%run_scoped3A : memref<!tpu.dma_semaphore, #tpu.memory_space<semaphore_mem>>) src(%dma_wait3A_63 : memref<40x128xi32, #tpu.memory_space<hbm>>) dst(%arg7 : memref<40x128xi32, #tpu.memory_space<vmem>>)
        tpu.yield
      }) : () -> ()
      "tpu.region"() ({
        %run_scoped3A = tpu.sem_alloc : memref<!tpu.dma_semaphore, #tpu.memory_space<semaphore_mem>>
        %dma_start3A_57 = arith.constant 0 : i32
        %dma_start3A_58 = tpu.memref_slice %arg4[%add3A_28, %dma_start3A_57] : memref<2560x128xi32, #tpu.memory_space<hbm>> -> memref<40x128xi32, #tpu.memory_space<hbm>>
        %dma_start3A_59 = arith.constant 0 : i32
        %dma_start3A_60 = tpu.memref_slice %arg4[%add3A_28, %dma_start3A_59] : memref<2560x128xi32, #tpu.memory_space<hbm>> -> memref<40x128xi32, #tpu.memory_space<hbm>>
        tpu.enqueue_dma source(%dma_start3A_60 : memref<40x128xi32, #tpu.memory_space<hbm>>) target(%arg8 : memref<40x128xi32, #tpu.memory_space<vmem>>) target_semaphore(%run_scoped3A : memref<!tpu.dma_semaphore, #tpu.memory_space<semaphore_mem>>)
        %dma_wait3A = arith.constant 0 : i32
        %dma_wait3A_61 = tpu.memref_slice %arg4[%add3A_28, %dma_wait3A] : memref<2560x128xi32, #tpu.memory_space<hbm>> -> memref<40x128xi32, #tpu.memory_space<hbm>>
        %dma_wait3A_62 = arith.constant 0 : i32
        %dma_wait3A_63 = tpu.memref_slice %arg4[%add3A_28, %dma_wait3A_62] : memref<2560x128xi32, #tpu.memory_space<hbm>> -> memref<40x128xi32, #tpu.memory_space<hbm>>
        tpu.wait_dma2 semaphore(%run_scoped3A : memref<!tpu.dma_semaphore, #tpu.memory_space<semaphore_mem>>) src(%dma_wait3A_63 : memref<40x128xi32, #tpu.memory_space<hbm>>) dst(%arg8 : memref<40x128xi32, #tpu.memory_space<vmem>>)
        tpu.yield
      }) : () -> ()
      %dma_start3A_29 = arith.constant 0 : i32
      %dma_start3A_30 = arith.constant 0 : i32
      %dma_start3A_31 = tpu.memref_slice %arg7[%dma_start3A_29, %dma_start3A_30] : memref<40x128xi32, #tpu.memory_space<vmem>> -> memref<1x128xi32, #tpu.memory_space<vmem>>
      %dma_start3A_32 = tpu.memref_squeeze %dma_start3A_31 : memref<1x128xi32, #tpu.memory_space<vmem>> -> memref<128xi32, #tpu.memory_space<vmem>>
      %dma_start3A_33 = arith.constant 0 : i32
      %dma_start3A_34 = arith.constant 0 : i32
      %dma_start3A_35 = tpu.memref_slice %arg2[%dma_start3A_33, %dma_start3A_34] : memref<10240x128xf32, #tpu.memory_space<hbm>> -> memref<10240x128xf32, #tpu.memory_space<hbm>>
      tpu.enqueue_indirect_dma source(%dma_start3A_35 : memref<10240x128xf32, #tpu.memory_space<hbm>>) target(%arg9 : memref<128x128xf32, #tpu.memory_space<vmem>>) offsets(%dma_start3A_32 : memref<128xi32, #tpu.memory_space<vmem>>) semaphore(%arg12 : memref<!tpu.dma_semaphore, #tpu.memory_space<semaphore_mem>>)
      %scan3A_36 = arith.constant 0 : i32
      %scan3A_37 = arith.constant 0 : i32
      %scan3A_38 = arith.constant 20 : i32
      %scan3A_39 = arith.addi %scan3A_37, %scan3A_38 : i32
      %scan3A_40 = arith.constant 1 : i32
      scf.for %scan3A_57 = %scan3A_37 to %scan3A_39 step %scan3A_40  : i32 {
        %mul3A_58 = arith.constant 2 : i32
        %mul3A_59 = arith.muli %mul3A_58, %scan3A_57 : i32
        %add3A_60 = arith.constant 1 : i32
        %add3A_61 = arith.addi %mul3A_59, %add3A_60 : i32
        %dma_start3A_62 = arith.constant 0 : i32
        %dma_start3A_63 = tpu.memref_slice %arg7[%add3A_61, %dma_start3A_62] : memref<40x128xi32, #tpu.memory_space<vmem>> -> memref<1x128xi32, #tpu.memory_space<vmem>>
        %dma_start3A_64 = tpu.memref_squeeze %dma_start3A_63 : memref<1x128xi32, #tpu.memory_space<vmem>> -> memref<128xi32, #tpu.memory_space<vmem>>
        %dma_start3A_65 = arith.constant 0 : i32
        %dma_start3A_66 = arith.constant 0 : i32
        %dma_start3A_67 = tpu.memref_slice %arg2[%dma_start3A_65, %dma_start3A_66] : memref<10240x128xf32, #tpu.memory_space<hbm>> -> memref<10240x128xf32, #tpu.memory_space<hbm>>
        tpu.enqueue_indirect_dma source(%dma_start3A_67 : memref<10240x128xf32, #tpu.memory_space<hbm>>) target(%arg10 : memref<128x128xf32, #tpu.memory_space<vmem>>) offsets(%dma_start3A_64 : memref<128xi32, #tpu.memory_space<vmem>>) semaphore(%arg13 : memref<!tpu.dma_semaphore, #tpu.memory_space<semaphore_mem>>)
        %dma_wait3A = arith.constant 0 : i32
        %dma_wait3A_68 = tpu.memref_slice %arg7[%mul3A_59, %dma_wait3A] : memref<40x128xi32, #tpu.memory_space<vmem>> -> memref<1x128xi32, #tpu.memory_space<vmem>>
        %dma_wait3A_69 = tpu.memref_squeeze %dma_wait3A_68 : memref<1x128xi32, #tpu.memory_space<vmem>> -> memref<128xi32, #tpu.memory_space<vmem>>
        %dma_wait3A_70 = arith.constant 0 : i32
        %dma_wait3A_71 = arith.constant 0 : i32
        %dma_wait3A_72 = tpu.memref_slice %arg2[%dma_wait3A_70, %dma_wait3A_71] : memref<10240x128xf32, #tpu.memory_space<hbm>> -> memref<10240x128xf32, #tpu.memory_space<hbm>>
        tpu.wait_indirect_dma semaphore(%arg12 : memref<!tpu.dma_semaphore, #tpu.memory_space<semaphore_mem>>) src(%dma_wait3A_72 : memref<10240x128xf32, #tpu.memory_space<hbm>>) dst(%arg9 : memref<128x128xf32, #tpu.memory_space<vmem>>)
        "tpu.region"() ({
          %run_scoped3A = tpu.sem_alloc : memref<!tpu.dma_semaphore, #tpu.memory_space<semaphore_mem>>
          %dma_start3A_83 = arith.constant 0 : i32
          %dma_start3A_84 = tpu.memref_slice %arg8[%mul3A_59, %dma_start3A_83] : memref<40x128xi32, #tpu.memory_space<vmem>> -> memref<1x128xi32, #tpu.memory_space<vmem>>
          %dma_start3A_85 = tpu.memref_squeeze %dma_start3A_84 : memref<1x128xi32, #tpu.memory_space<vmem>> -> memref<128xi32, #tpu.memory_space<vmem>>
          %dma_start3A_86 = arith.constant 0 : i32
          %dma_start3A_87 = arith.constant 0 : i32
          %dma_start3A_88 = tpu.memref_slice %arg11[%dma_start3A_86, %dma_start3A_87] : memref<10240x128xf32, #tpu.memory_space<vmem_shared>> -> memref<10240x128xf32, #tpu.memory_space<vmem_shared>>
          tpu.enqueue_indirect_dma source(%arg9 : memref<128x128xf32, #tpu.memory_space<vmem>>) target(%dma_start3A_88 : memref<10240x128xf32, #tpu.memory_space<vmem_shared>>) offsets(%dma_start3A_85 : memref<128xi32, #tpu.memory_space<vmem>>) semaphore(%run_scoped3A : memref<!tpu.dma_semaphore, #tpu.memory_space<semaphore_mem>>) {add = true}
          %dma_wait3A_89 = arith.constant 0 : i32
          %dma_wait3A_90 = tpu.memref_slice %arg8[%mul3A_59, %dma_wait3A_89] : memref<40x128xi32, #tpu.memory_space<vmem>> -> memref<1x128xi32, #tpu.memory_space<vmem>>
          %dma_wait3A_91 = tpu.memref_squeeze %dma_wait3A_90 : memref<1x128xi32, #tpu.memory_space<vmem>> -> memref<128xi32, #tpu.memory_space<vmem>>
          %dma_wait3A_92 = arith.constant 0 : i32
          %dma_wait3A_93 = arith.constant 0 : i32
          %dma_wait3A_94 = tpu.memref_slice %arg11[%dma_wait3A_92, %dma_wait3A_93] : memref<10240x128xf32, #tpu.memory_space<vmem_shared>> -> memref<10240x128xf32, #tpu.memory_space<vmem_shared>>
          tpu.wait_indirect_dma semaphore(%run_scoped3A : memref<!tpu.dma_semaphore, #tpu.memory_space<semaphore_mem>>) src(%arg9 : memref<128x128xf32, #tpu.memory_space<vmem>>) dst(%dma_wait3A_94 : memref<10240x128xf32, #tpu.memory_space<vmem_shared>>)
          tpu.yield
        }) : () -> ()
        %lt3A = arith.constant 19 : i32
        %lt3A_73 = arith.cmpi slt, %scan3A_57, %lt3A : i32
        %convert_element_type3A_74 = arith.extui %lt3A_73 : i1 to i32
        %cond3A_75 = arith.constant 0 : i32
        %cond3A_76 = arith.cmpi ne, %convert_element_type3A_74, %cond3A_75 : i32
        scf.if %cond3A_76 {
          %add3A_83 = arith.constant 2 : i32
          %add3A_84 = arith.addi %mul3A_59, %add3A_83 : i32
          %dma_start3A_85 = arith.constant 0 : i32
          %dma_start3A_86 = tpu.memref_slice %arg7[%add3A_84, %dma_start3A_85] : memref<40x128xi32, #tpu.memory_space<vmem>> -> memref<1x128xi32, #tpu.memory_space<vmem>>
          %dma_start3A_87 = tpu.memref_squeeze %dma_start3A_86 : memref<1x128xi32, #tpu.memory_space<vmem>> -> memref<128xi32, #tpu.memory_space<vmem>>
          %dma_start3A_88 = arith.constant 0 : i32
          %dma_start3A_89 = arith.constant 0 : i32
          %dma_start3A_90 = tpu.memref_slice %arg2[%dma_start3A_88, %dma_start3A_89] : memref<10240x128xf32, #tpu.memory_space<hbm>> -> memref<10240x128xf32, #tpu.memory_space<hbm>>
          tpu.enqueue_indirect_dma source(%dma_start3A_90 : memref<10240x128xf32, #tpu.memory_space<hbm>>) target(%arg9 : memref<128x128xf32, #tpu.memory_space<vmem>>) offsets(%dma_start3A_87 : memref<128xi32, #tpu.memory_space<vmem>>) semaphore(%arg12 : memref<!tpu.dma_semaphore, #tpu.memory_space<semaphore_mem>>)
        } else {
        }
        %dma_wait3A_77 = arith.constant 0 : i32
        %dma_wait3A_78 = tpu.memref_slice %arg7[%add3A_61, %dma_wait3A_77] : memref<40x128xi32, #tpu.memory_space<vmem>> -> memref<1x128xi32, #tpu.memory_space<vmem>>
        %dma_wait3A_79 = tpu.memref_squeeze %dma_wait3A_78 : memref<1x128xi32, #tpu.memory_space<vmem>> -> memref<128xi32, #tpu.memory_space<vmem>>
        %dma_wait3A_80 = arith.constant 0 : i32
        %dma_wait3A_81 = arith.constant 0 : i32
        %dma_wait3A_82 = tpu.memref_slice %arg2[%dma_wait3A_80, %dma_wait3A_81] : memref<10240x128xf32, #tpu.memory_space<hbm>> -> memref<10240x128xf32, #tpu.memory_space<hbm>>
        tpu.wait_indirect_dma semaphore(%arg13 : memref<!tpu.dma_semaphore, #tpu.memory_space<semaphore_mem>>) src(%dma_wait3A_82 : memref<10240x128xf32, #tpu.memory_space<hbm>>) dst(%arg10 : memref<128x128xf32, #tpu.memory_space<vmem>>)
        "tpu.region"() ({
          %run_scoped3A = tpu.sem_alloc : memref<!tpu.dma_semaphore, #tpu.memory_space<semaphore_mem>>
          %dma_start3A_83 = arith.constant 0 : i32
          %dma_start3A_84 = tpu.memref_slice %arg8[%add3A_61, %dma_start3A_83] : memref<40x128xi32, #tpu.memory_space<vmem>> -> memref<1x128xi32, #tpu.memory_space<vmem>>
          %dma_start3A_85 = tpu.memref_squeeze %dma_start3A_84 : memref<1x128xi32, #tpu.memory_space<vmem>> -> memref<128xi32, #tpu.memory_space<vmem>>
          %dma_start3A_86 = arith.constant 0 : i32
          %dma_start3A_87 = arith.constant 0 : i32
          %dma_start3A_88 = tpu.memref_slice %arg11[%dma_start3A_86, %dma_start3A_87] : memref<10240x128xf32, #tpu.memory_space<vmem_shared>> -> memref<10240x128xf32, #tpu.memory_space<vmem_shared>>
          tpu.enqueue_indirect_dma source(%arg10 : memref<128x128xf32, #tpu.memory_space<vmem>>) target(%dma_start3A_88 : memref<10240x128xf32, #tpu.memory_space<vmem_shared>>) offsets(%dma_start3A_85 : memref<128xi32, #tpu.memory_space<vmem>>) semaphore(%run_scoped3A : memref<!tpu.dma_semaphore, #tpu.memory_space<semaphore_mem>>) {add = true}
          %dma_wait3A_89 = arith.constant 0 : i32
          %dma_wait3A_90 = tpu.memref_slice %arg8[%add3A_61, %dma_wait3A_89] : memref<40x128xi32, #tpu.memory_space<vmem>> -> memref<1x128xi32, #tpu.memory_space<vmem>>
          %dma_wait3A_91 = tpu.memref_squeeze %dma_wait3A_90 : memref<1x128xi32, #tpu.memory_space<vmem>> -> memref<128xi32, #tpu.memory_space<vmem>>
          %dma_wait3A_92 = arith.constant 0 : i32
          %dma_wait3A_93 = arith.constant 0 : i32
          %dma_wait3A_94 = tpu.memref_slice %arg11[%dma_wait3A_92, %dma_wait3A_93] : memref<10240x128xf32, #tpu.memory_space<vmem_shared>> -> memref<10240x128xf32, #tpu.memory_space<vmem_shared>>
          tpu.wait_indirect_dma semaphore(%run_scoped3A : memref<!tpu.dma_semaphore, #tpu.memory_space<semaphore_mem>>) src(%arg10 : memref<128x128xf32, #tpu.memory_space<vmem>>) dst(%dma_wait3A_94 : memref<10240x128xf32, #tpu.memory_space<vmem_shared>>)
          tpu.yield
        }) : () -> ()
      }
      %scan3A_41 = arith.constant 20 : i32
      %add3A_42 = arith.constant 80 : i32
      %add3A_43 = arith.addi %mul3A_14, %add3A_42 : i32
      "tpu.region"() ({
        %run_scoped3A = tpu.sem_alloc : memref<!tpu.dma_semaphore, #tpu.memory_space<semaphore_mem>>
        %dma_start3A_57 = arith.constant 0 : i32
        %dma_start3A_58 = tpu.memref_slice %arg3[%add3A_43, %dma_start3A_57] : memref<2560x128xi32, #tpu.memory_space<hbm>> -> memref<40x128xi32, #tpu.memory_space<hbm>>
        %dma_start3A_59 = arith.constant 0 : i32
        %dma_start3A_60 = tpu.memref_slice %arg3[%add3A_43, %dma_start3A_59] : memref<2560x128xi32, #tpu.memory_space<hbm>> -> memref<40x128xi32, #tpu.memory_space<hbm>>
        tpu.enqueue_dma source(%dma_start3A_60 : memref<40x128xi32, #tpu.memory_space<hbm>>) target(%arg7 : memref<40x128xi32, #tpu.memory_space<vmem>>) target_semaphore(%run_scoped3A : memref<!tpu.dma_semaphore, #tpu.memory_space<semaphore_mem>>)
        %dma_wait3A = arith.constant 0 : i32
        %dma_wait3A_61 = tpu.memref_slice %arg3[%add3A_43, %dma_wait3A] : memref<2560x128xi32, #tpu.memory_space<hbm>> -> memref<40x128xi32, #tpu.memory_space<hbm>>
        %dma_wait3A_62 = arith.constant 0 : i32
        %dma_wait3A_63 = tpu.memref_slice %arg3[%add3A_43, %dma_wait3A_62] : memref<2560x128xi32, #tpu.memory_space<hbm>> -> memref<40x128xi32, #tpu.memory_space<hbm>>
        tpu.wait_dma2 semaphore(%run_scoped3A : memref<!tpu.dma_semaphore, #tpu.memory_space<semaphore_mem>>) src(%dma_wait3A_63 : memref<40x128xi32, #tpu.memory_space<hbm>>) dst(%arg7 : memref<40x128xi32, #tpu.memory_space<vmem>>)
        tpu.yield
      }) : () -> ()
      "tpu.region"() ({
        %run_scoped3A = tpu.sem_alloc : memref<!tpu.dma_semaphore, #tpu.memory_space<semaphore_mem>>
        %dma_start3A_57 = arith.constant 0 : i32
        %dma_start3A_58 = tpu.memref_slice %arg4[%add3A_43, %dma_start3A_57] : memref<2560x128xi32, #tpu.memory_space<hbm>> -> memref<40x128xi32, #tpu.memory_space<hbm>>
        %dma_start3A_59 = arith.constant 0 : i32
        %dma_start3A_60 = tpu.memref_slice %arg4[%add3A_43, %dma_start3A_59] : memref<2560x128xi32, #tpu.memory_space<hbm>> -> memref<40x128xi32, #tpu.memory_space<hbm>>
        tpu.enqueue_dma source(%dma_start3A_60 : memref<40x128xi32, #tpu.memory_space<hbm>>) target(%arg8 : memref<40x128xi32, #tpu.memory_space<vmem>>) target_semaphore(%run_scoped3A : memref<!tpu.dma_semaphore, #tpu.memory_space<semaphore_mem>>)
        %dma_wait3A = arith.constant 0 : i32
        %dma_wait3A_61 = tpu.memref_slice %arg4[%add3A_43, %dma_wait3A] : memref<2560x128xi32, #tpu.memory_space<hbm>> -> memref<40x128xi32, #tpu.memory_space<hbm>>
        %dma_wait3A_62 = arith.constant 0 : i32
        %dma_wait3A_63 = tpu.memref_slice %arg4[%add3A_43, %dma_wait3A_62] : memref<2560x128xi32, #tpu.memory_space<hbm>> -> memref<40x128xi32, #tpu.memory_space<hbm>>
        tpu.wait_dma2 semaphore(%run_scoped3A : memref<!tpu.dma_semaphore, #tpu.memory_space<semaphore_mem>>) src(%dma_wait3A_63 : memref<40x128xi32, #tpu.memory_space<hbm>>) dst(%arg8 : memref<40x128xi32, #tpu.memory_space<vmem>>)
        tpu.yield
      }) : () -> ()
      %dma_start3A_44 = arith.constant 0 : i32
      %dma_start3A_45 = arith.constant 0 : i32
      %dma_start3A_46 = tpu.memref_slice %arg7[%dma_start3A_44, %dma_start3A_45] : memref<40x128xi32, #tpu.memory_space<vmem>> -> memref<1x128xi32, #tpu.memory_space<vmem>>
      %dma_start3A_47 = tpu.memref_squeeze %dma_start3A_46 : memref<1x128xi32, #tpu.memory_space<vmem>> -> memref<128xi32, #tpu.memory_space<vmem>>
      %dma_start3A_48 = arith.constant 0 : i32
      %dma_start3A_49 = arith.constant 0 : i32
      %dma_start3A_50 = tpu.memref_slice %arg2[%dma_start3A_48, %dma_start3A_49] : memref<10240x128xf32, #tpu.memory_space<hbm>> -> memref<10240x128xf32, #tpu.memory_space<hbm>>
      tpu.enqueue_indirect_dma source(%dma_start3A_50 : memref<10240x128xf32, #tpu.memory_space<hbm>>) target(%arg9 : memref<128x128xf32, #tpu.memory_space<vmem>>) offsets(%dma_start3A_47 : memref<128xi32, #tpu.memory_space<vmem>>) semaphore(%arg12 : memref<!tpu.dma_semaphore, #tpu.memory_space<semaphore_mem>>)
      %scan3A_51 = arith.constant 0 : i32
      %scan3A_52 = arith.constant 0 : i32
      %scan3A_53 = arith.constant 20 : i32
      %scan3A_54 = arith.addi %scan3A_52, %scan3A_53 : i32
      %scan3A_55 = arith.constant 1 : i32
      scf.for %scan3A_57 = %scan3A_52 to %scan3A_54 step %scan3A_55  : i32 {
        %mul3A_58 = arith.constant 2 : i32
        %mul3A_59 = arith.muli %mul3A_58, %scan3A_57 : i32
        %add3A_60 = arith.constant 1 : i32
        %add3A_61 = arith.addi %mul3A_59, %add3A_60 : i32
        %dma_start3A_62 = arith.constant 0 : i32
        %dma_start3A_63 = tpu.memref_slice %arg7[%add3A_61, %dma_start3A_62] : memref<40x128xi32, #tpu.memory_space<vmem>> -> memref<1x128xi32, #tpu.memory_space<vmem>>
        %dma_start3A_64 = tpu.memref_squeeze %dma_start3A_63 : memref<1x128xi32, #tpu.memory_space<vmem>> -> memref<128xi32, #tpu.memory_space<vmem>>
        %dma_start3A_65 = arith.constant 0 : i32
        %dma_start3A_66 = arith.constant 0 : i32
        %dma_start3A_67 = tpu.memref_slice %arg2[%dma_start3A_65, %dma_start3A_66] : memref<10240x128xf32, #tpu.memory_space<hbm>> -> memref<10240x128xf32, #tpu.memory_space<hbm>>
        tpu.enqueue_indirect_dma source(%dma_start3A_67 : memref<10240x128xf32, #tpu.memory_space<hbm>>) target(%arg10 : memref<128x128xf32, #tpu.memory_space<vmem>>) offsets(%dma_start3A_64 : memref<128xi32, #tpu.memory_space<vmem>>) semaphore(%arg13 : memref<!tpu.dma_semaphore, #tpu.memory_space<semaphore_mem>>)
        %dma_wait3A = arith.constant 0 : i32
        %dma_wait3A_68 = tpu.memref_slice %arg7[%mul3A_59, %dma_wait3A] : memref<40x128xi32, #tpu.memory_space<vmem>> -> memref<1x128xi32, #tpu.memory_space<vmem>>
        %dma_wait3A_69 = tpu.memref_squeeze %dma_wait3A_68 : memref<1x128xi32, #tpu.memory_space<vmem>> -> memref<128xi32, #tpu.memory_space<vmem>>
        %dma_wait3A_70 = arith.constant 0 : i32
        %dma_wait3A_71 = arith.constant 0 : i32
        %dma_wait3A_72 = tpu.memref_slice %arg2[%dma_wait3A_70, %dma_wait3A_71] : memref<10240x128xf32, #tpu.memory_space<hbm>> -> memref<10240x128xf32, #tpu.memory_space<hbm>>
        tpu.wait_indirect_dma semaphore(%arg12 : memref<!tpu.dma_semaphore, #tpu.memory_space<semaphore_mem>>) src(%dma_wait3A_72 : memref<10240x128xf32, #tpu.memory_space<hbm>>) dst(%arg9 : memref<128x128xf32, #tpu.memory_space<vmem>>)
        "tpu.region"() ({
          %run_scoped3A = tpu.sem_alloc : memref<!tpu.dma_semaphore, #tpu.memory_space<semaphore_mem>>
          %dma_start3A_83 = arith.constant 0 : i32
          %dma_start3A_84 = tpu.memref_slice %arg8[%mul3A_59, %dma_start3A_83] : memref<40x128xi32, #tpu.memory_space<vmem>> -> memref<1x128xi32, #tpu.memory_space<vmem>>
          %dma_start3A_85 = tpu.memref_squeeze %dma_start3A_84 : memref<1x128xi32, #tpu.memory_space<vmem>> -> memref<128xi32, #tpu.memory_space<vmem>>
          %dma_start3A_86 = arith.constant 0 : i32
          %dma_start3A_87 = arith.constant 0 : i32
          %dma_start3A_88 = tpu.memref_slice %arg11[%dma_start3A_86, %dma_start3A_87] : memref<10240x128xf32, #tpu.memory_space<vmem_shared>> -> memref<10240x128xf32, #tpu.memory_space<vmem_shared>>
          tpu.enqueue_indirect_dma source(%arg9 : memref<128x128xf32, #tpu.memory_space<vmem>>) target(%dma_start3A_88 : memref<10240x128xf32, #tpu.memory_space<vmem_shared>>) offsets(%dma_start3A_85 : memref<128xi32, #tpu.memory_space<vmem>>) semaphore(%run_scoped3A : memref<!tpu.dma_semaphore, #tpu.memory_space<semaphore_mem>>) {add = true}
          %dma_wait3A_89 = arith.constant 0 : i32
          %dma_wait3A_90 = tpu.memref_slice %arg8[%mul3A_59, %dma_wait3A_89] : memref<40x128xi32, #tpu.memory_space<vmem>> -> memref<1x128xi32, #tpu.memory_space<vmem>>
          %dma_wait3A_91 = tpu.memref_squeeze %dma_wait3A_90 : memref<1x128xi32, #tpu.memory_space<vmem>> -> memref<128xi32, #tpu.memory_space<vmem>>
          %dma_wait3A_92 = arith.constant 0 : i32
          %dma_wait3A_93 = arith.constant 0 : i32
          %dma_wait3A_94 = tpu.memref_slice %arg11[%dma_wait3A_92, %dma_wait3A_93] : memref<10240x128xf32, #tpu.memory_space<vmem_shared>> -> memref<10240x128xf32, #tpu.memory_space<vmem_shared>>
          tpu.wait_indirect_dma semaphore(%run_scoped3A : memref<!tpu.dma_semaphore, #tpu.memory_space<semaphore_mem>>) src(%arg9 : memref<128x128xf32, #tpu.memory_space<vmem>>) dst(%dma_wait3A_94 : memref<10240x128xf32, #tpu.memory_space<vmem_shared>>)
          tpu.yield
        }) : () -> ()
        %lt3A = arith.constant 19 : i32
        %lt3A_73 = arith.cmpi slt, %scan3A_57, %lt3A : i32
        %convert_element_type3A_74 = arith.extui %lt3A_73 : i1 to i32
        %cond3A_75 = arith.constant 0 : i32
        %cond3A_76 = arith.cmpi ne, %convert_element_type3A_74, %cond3A_75 : i32
        scf.if %cond3A_76 {
          %add3A_83 = arith.constant 2 : i32
          %add3A_84 = arith.addi %mul3A_59, %add3A_83 : i32
          %dma_start3A_85 = arith.constant 0 : i32
          %dma_start3A_86 = tpu.memref_slice %arg7[%add3A_84, %dma_start3A_85] : memref<40x128xi32, #tpu.memory_space<vmem>> -> memref<1x128xi32, #tpu.memory_space<vmem>>
          %dma_start3A_87 = tpu.memref_squeeze %dma_start3A_86 : memref<1x128xi32, #tpu.memory_space<vmem>> -> memref<128xi32, #tpu.memory_space<vmem>>
          %dma_start3A_88 = arith.constant 0 : i32
          %dma_start3A_89 = arith.constant 0 : i32
          %dma_start3A_90 = tpu.memref_slice %arg2[%dma_start3A_88, %dma_start3A_89] : memref<10240x128xf32, #tpu.memory_space<hbm>> -> memref<10240x128xf32, #tpu.memory_space<hbm>>
          tpu.enqueue_indirect_dma source(%dma_start3A_90 : memref<10240x128xf32, #tpu.memory_space<hbm>>) target(%arg9 : memref<128x128xf32, #tpu.memory_space<vmem>>) offsets(%dma_start3A_87 : memref<128xi32, #tpu.memory_space<vmem>>) semaphore(%arg12 : memref<!tpu.dma_semaphore, #tpu.memory_space<semaphore_mem>>)
        } else {
        }
        %dma_wait3A_77 = arith.constant 0 : i32
        %dma_wait3A_78 = tpu.memref_slice %arg7[%add3A_61, %dma_wait3A_77] : memref<40x128xi32, #tpu.memory_space<vmem>> -> memref<1x128xi32, #tpu.memory_space<vmem>>
        %dma_wait3A_79 = tpu.memref_squeeze %dma_wait3A_78 : memref<1x128xi32, #tpu.memory_space<vmem>> -> memref<128xi32, #tpu.memory_space<vmem>>
        %dma_wait3A_80 = arith.constant 0 : i32
        %dma_wait3A_81 = arith.constant 0 : i32
        %dma_wait3A_82 = tpu.memref_slice %arg2[%dma_wait3A_80, %dma_wait3A_81] : memref<10240x128xf32, #tpu.memory_space<hbm>> -> memref<10240x128xf32, #tpu.memory_space<hbm>>
        tpu.wait_indirect_dma semaphore(%arg13 : memref<!tpu.dma_semaphore, #tpu.memory_space<semaphore_mem>>) src(%dma_wait3A_82 : memref<10240x128xf32, #tpu.memory_space<hbm>>) dst(%arg10 : memref<128x128xf32, #tpu.memory_space<vmem>>)
        "tpu.region"() ({
          %run_scoped3A = tpu.sem_alloc : memref<!tpu.dma_semaphore, #tpu.memory_space<semaphore_mem>>
          %dma_start3A_83 = arith.constant 0 : i32
          %dma_start3A_84 = tpu.memref_slice %arg8[%add3A_61, %dma_start3A_83] : memref<40x128xi32, #tpu.memory_space<vmem>> -> memref<1x128xi32, #tpu.memory_space<vmem>>
          %dma_start3A_85 = tpu.memref_squeeze %dma_start3A_84 : memref<1x128xi32, #tpu.memory_space<vmem>> -> memref<128xi32, #tpu.memory_space<vmem>>
          %dma_start3A_86 = arith.constant 0 : i32
          %dma_start3A_87 = arith.constant 0 : i32
          %dma_start3A_88 = tpu.memref_slice %arg11[%dma_start3A_86, %dma_start3A_87] : memref<10240x128xf32, #tpu.memory_space<vmem_shared>> -> memref<10240x128xf32, #tpu.memory_space<vmem_shared>>
          tpu.enqueue_indirect_dma source(%arg10 : memref<128x128xf32, #tpu.memory_space<vmem>>) target(%dma_start3A_88 : memref<10240x128xf32, #tpu.memory_space<vmem_shared>>) offsets(%dma_start3A_85 : memref<128xi32, #tpu.memory_space<vmem>>) semaphore(%run_scoped3A : memref<!tpu.dma_semaphore, #tpu.memory_space<semaphore_mem>>) {add = true}
          %dma_wait3A_89 = arith.constant 0 : i32
          %dma_wait3A_90 = tpu.memref_slice %arg8[%add3A_61, %dma_wait3A_89] : memref<40x128xi32, #tpu.memory_space<vmem>> -> memref<1x128xi32, #tpu.memory_space<vmem>>
          %dma_wait3A_91 = tpu.memref_squeeze %dma_wait3A_90 : memref<1x128xi32, #tpu.memory_space<vmem>> -> memref<128xi32, #tpu.memory_space<vmem>>
          %dma_wait3A_92 = arith.constant 0 : i32
          %dma_wait3A_93 = arith.constant 0 : i32
          %dma_wait3A_94 = tpu.memref_slice %arg11[%dma_wait3A_92, %dma_wait3A_93] : memref<10240x128xf32, #tpu.memory_space<vmem_shared>> -> memref<10240x128xf32, #tpu.memory_space<vmem_shared>>
          tpu.wait_indirect_dma semaphore(%run_scoped3A : memref<!tpu.dma_semaphore, #tpu.memory_space<semaphore_mem>>) src(%arg10 : memref<128x128xf32, #tpu.memory_space<vmem>>) dst(%dma_wait3A_94 : memref<10240x128xf32, #tpu.memory_space<vmem_shared>>)
          tpu.yield
        }) : () -> ()
      }
      %scan3A_56 = arith.constant 20 : i32
    } else {
    }
    %eq3A_3 = arith.constant 1 : i32
    %eq3A_4 = arith.cmpi eq, %arg0, %eq3A_3 : i32
    %convert_element_type3A_5 = arith.extui %eq3A_4 : i1 to i32
    %cond3A_6 = arith.constant 0 : i32
    %cond3A_7 = arith.cmpi ne, %convert_element_type3A_5, %cond3A_6 : i32
    scf.if %cond3A_7 {
      %mul3A_13 = arith.constant 40 : i32
      %mul3A_14 = arith.muli %arg1, %mul3A_13 : i32
      %add3A = arith.constant 1920 : i32
      %add3A_15 = arith.addi %add3A, %mul3A_14 : i32
      %add3A_16 = arith.constant 0 : i32
      %add3A_17 = arith.addi %add3A_15, %add3A_16 : i32
      "tpu.region"() ({
        %run_scoped3A = tpu.sem_alloc : memref<!tpu.dma_semaphore, #tpu.memory_space<semaphore_mem>>
        %dma_start3A_29 = arith.constant 0 : i32
        %dma_start3A_30 = tpu.memref_slice %arg3[%add3A_17, %dma_start3A_29] : memref<2560x128xi32, #tpu.memory_space<hbm>> -> memref<40x128xi32, #tpu.memory_space<hbm>>
        %dma_start3A_31 = arith.constant 0 : i32
        %dma_start3A_32 = tpu.memref_slice %arg3[%add3A_17, %dma_start3A_31] : memref<2560x128xi32, #tpu.memory_space<hbm>> -> memref<40x128xi32, #tpu.memory_space<hbm>>
        tpu.enqueue_dma source(%dma_start3A_32 : memref<40x128xi32, #tpu.memory_space<hbm>>) target(%arg7 : memref<40x128xi32, #tpu.memory_space<vmem>>) target_semaphore(%run_scoped3A : memref<!tpu.dma_semaphore, #tpu.memory_space<semaphore_mem>>)
        %dma_wait3A = arith.constant 0 : i32
        %dma_wait3A_33 = tpu.memref_slice %arg3[%add3A_17, %dma_wait3A] : memref<2560x128xi32, #tpu.memory_space<hbm>> -> memref<40x128xi32, #tpu.memory_space<hbm>>
        %dma_wait3A_34 = arith.constant 0 : i32
        %dma_wait3A_35 = tpu.memref_slice %arg3[%add3A_17, %dma_wait3A_34] : memref<2560x128xi32, #tpu.memory_space<hbm>> -> memref<40x128xi32, #tpu.memory_space<hbm>>
        tpu.wait_dma2 semaphore(%run_scoped3A : memref<!tpu.dma_semaphore, #tpu.memory_space<semaphore_mem>>) src(%dma_wait3A_35 : memref<40x128xi32, #tpu.memory_space<hbm>>) dst(%arg7 : memref<40x128xi32, #tpu.memory_space<vmem>>)
        tpu.yield
      }) : () -> ()
      "tpu.region"() ({
        %run_scoped3A = tpu.sem_alloc : memref<!tpu.dma_semaphore, #tpu.memory_space<semaphore_mem>>
        %dma_start3A_29 = arith.constant 0 : i32
        %dma_start3A_30 = tpu.memref_slice %arg4[%add3A_17, %dma_start3A_29] : memref<2560x128xi32, #tpu.memory_space<hbm>> -> memref<40x128xi32, #tpu.memory_space<hbm>>
        %dma_start3A_31 = arith.constant 0 : i32
        %dma_start3A_32 = tpu.memref_slice %arg4[%add3A_17, %dma_start3A_31] : memref<2560x128xi32, #tpu.memory_space<hbm>> -> memref<40x128xi32, #tpu.memory_space<hbm>>
        tpu.enqueue_dma source(%dma_start3A_32 : memref<40x128xi32, #tpu.memory_space<hbm>>) target(%arg8 : memref<40x128xi32, #tpu.memory_space<vmem>>) target_semaphore(%run_scoped3A : memref<!tpu.dma_semaphore, #tpu.memory_space<semaphore_mem>>)
        %dma_wait3A = arith.constant 0 : i32
        %dma_wait3A_33 = tpu.memref_slice %arg4[%add3A_17, %dma_wait3A] : memref<2560x128xi32, #tpu.memory_space<hbm>> -> memref<40x128xi32, #tpu.memory_space<hbm>>
        %dma_wait3A_34 = arith.constant 0 : i32
        %dma_wait3A_35 = tpu.memref_slice %arg4[%add3A_17, %dma_wait3A_34] : memref<2560x128xi32, #tpu.memory_space<hbm>> -> memref<40x128xi32, #tpu.memory_space<hbm>>
        tpu.wait_dma2 semaphore(%run_scoped3A : memref<!tpu.dma_semaphore, #tpu.memory_space<semaphore_mem>>) src(%dma_wait3A_35 : memref<40x128xi32, #tpu.memory_space<hbm>>) dst(%arg8 : memref<40x128xi32, #tpu.memory_space<vmem>>)
        tpu.yield
      }) : () -> ()
      %dma_start3A = arith.constant 0 : i32
      %dma_start3A_18 = arith.constant 0 : i32
      %dma_start3A_19 = tpu.memref_slice %arg7[%dma_start3A, %dma_start3A_18] : memref<40x128xi32, #tpu.memory_space<vmem>> -> memref<1x128xi32, #tpu.memory_space<vmem>>
      %dma_start3A_20 = tpu.memref_squeeze %dma_start3A_19 : memref<1x128xi32, #tpu.memory_space<vmem>> -> memref<128xi32, #tpu.memory_space<vmem>>
      %dma_start3A_21 = arith.constant 0 : i32
      %dma_start3A_22 = arith.constant 0 : i32
      %dma_start3A_23 = tpu.memref_slice %arg2[%dma_start3A_21, %dma_start3A_22] : memref<10240x128xf32, #tpu.memory_space<hbm>> -> memref<10240x128xf32, #tpu.memory_space<hbm>>
      tpu.enqueue_indirect_dma source(%dma_start3A_23 : memref<10240x128xf32, #tpu.memory_space<hbm>>) target(%arg9 : memref<128x128xf32, #tpu.memory_space<vmem>>) offsets(%dma_start3A_20 : memref<128xi32, #tpu.memory_space<vmem>>) semaphore(%arg12 : memref<!tpu.dma_semaphore, #tpu.memory_space<semaphore_mem>>)
      %scan3A = arith.constant 0 : i32
      %scan3A_24 = arith.constant 0 : i32
      %scan3A_25 = arith.constant 20 : i32
      %scan3A_26 = arith.addi %scan3A_24, %scan3A_25 : i32
      %scan3A_27 = arith.constant 1 : i32
      scf.for %scan3A_29 = %scan3A_24 to %scan3A_26 step %scan3A_27  : i32 {
        %mul3A_30 = arith.constant 2 : i32
        %mul3A_31 = arith.muli %mul3A_30, %scan3A_29 : i32
        %add3A_32 = arith.constant 1 : i32
        %add3A_33 = arith.addi %mul3A_31, %add3A_32 : i32
        %dma_start3A_34 = arith.constant 0 : i32
        %dma_start3A_35 = tpu.memref_slice %arg7[%add3A_33, %dma_start3A_34] : memref<40x128xi32, #tpu.memory_space<vmem>> -> memref<1x128xi32, #tpu.memory_space<vmem>>
        %dma_start3A_36 = tpu.memref_squeeze %dma_start3A_35 : memref<1x128xi32, #tpu.memory_space<vmem>> -> memref<128xi32, #tpu.memory_space<vmem>>
        %dma_start3A_37 = arith.constant 0 : i32
        %dma_start3A_38 = arith.constant 0 : i32
        %dma_start3A_39 = tpu.memref_slice %arg2[%dma_start3A_37, %dma_start3A_38] : memref<10240x128xf32, #tpu.memory_space<hbm>> -> memref<10240x128xf32, #tpu.memory_space<hbm>>
        tpu.enqueue_indirect_dma source(%dma_start3A_39 : memref<10240x128xf32, #tpu.memory_space<hbm>>) target(%arg10 : memref<128x128xf32, #tpu.memory_space<vmem>>) offsets(%dma_start3A_36 : memref<128xi32, #tpu.memory_space<vmem>>) semaphore(%arg13 : memref<!tpu.dma_semaphore, #tpu.memory_space<semaphore_mem>>)
        %dma_wait3A = arith.constant 0 : i32
        %dma_wait3A_40 = tpu.memref_slice %arg7[%mul3A_31, %dma_wait3A] : memref<40x128xi32, #tpu.memory_space<vmem>> -> memref<1x128xi32, #tpu.memory_space<vmem>>
        %dma_wait3A_41 = tpu.memref_squeeze %dma_wait3A_40 : memref<1x128xi32, #tpu.memory_space<vmem>> -> memref<128xi32, #tpu.memory_space<vmem>>
        %dma_wait3A_42 = arith.constant 0 : i32
        %dma_wait3A_43 = arith.constant 0 : i32
        %dma_wait3A_44 = tpu.memref_slice %arg2[%dma_wait3A_42, %dma_wait3A_43] : memref<10240x128xf32, #tpu.memory_space<hbm>> -> memref<10240x128xf32, #tpu.memory_space<hbm>>
        tpu.wait_indirect_dma semaphore(%arg12 : memref<!tpu.dma_semaphore, #tpu.memory_space<semaphore_mem>>) src(%dma_wait3A_44 : memref<10240x128xf32, #tpu.memory_space<hbm>>) dst(%arg9 : memref<128x128xf32, #tpu.memory_space<vmem>>)
        "tpu.region"() ({
          %run_scoped3A = tpu.sem_alloc : memref<!tpu.dma_semaphore, #tpu.memory_space<semaphore_mem>>
          %dma_start3A_55 = arith.constant 0 : i32
          %dma_start3A_56 = tpu.memref_slice %arg8[%mul3A_31, %dma_start3A_55] : memref<40x128xi32, #tpu.memory_space<vmem>> -> memref<1x128xi32, #tpu.memory_space<vmem>>
          %dma_start3A_57 = tpu.memref_squeeze %dma_start3A_56 : memref<1x128xi32, #tpu.memory_space<vmem>> -> memref<128xi32, #tpu.memory_space<vmem>>
          %dma_start3A_58 = arith.constant 0 : i32
          %dma_start3A_59 = arith.constant 0 : i32
          %dma_start3A_60 = tpu.memref_slice %arg11[%dma_start3A_58, %dma_start3A_59] : memref<10240x128xf32, #tpu.memory_space<vmem_shared>> -> memref<10240x128xf32, #tpu.memory_space<vmem_shared>>
          tpu.enqueue_indirect_dma source(%arg9 : memref<128x128xf32, #tpu.memory_space<vmem>>) target(%dma_start3A_60 : memref<10240x128xf32, #tpu.memory_space<vmem_shared>>) offsets(%dma_start3A_57 : memref<128xi32, #tpu.memory_space<vmem>>) semaphore(%run_scoped3A : memref<!tpu.dma_semaphore, #tpu.memory_space<semaphore_mem>>) {add = true}
          %dma_wait3A_61 = arith.constant 0 : i32
          %dma_wait3A_62 = tpu.memref_slice %arg8[%mul3A_31, %dma_wait3A_61] : memref<40x128xi32, #tpu.memory_space<vmem>> -> memref<1x128xi32, #tpu.memory_space<vmem>>
          %dma_wait3A_63 = tpu.memref_squeeze %dma_wait3A_62 : memref<1x128xi32, #tpu.memory_space<vmem>> -> memref<128xi32, #tpu.memory_space<vmem>>
          %dma_wait3A_64 = arith.constant 0 : i32
          %dma_wait3A_65 = arith.constant 0 : i32
          %dma_wait3A_66 = tpu.memref_slice %arg11[%dma_wait3A_64, %dma_wait3A_65] : memref<10240x128xf32, #tpu.memory_space<vmem_shared>> -> memref<10240x128xf32, #tpu.memory_space<vmem_shared>>
          tpu.wait_indirect_dma semaphore(%run_scoped3A : memref<!tpu.dma_semaphore, #tpu.memory_space<semaphore_mem>>) src(%arg9 : memref<128x128xf32, #tpu.memory_space<vmem>>) dst(%dma_wait3A_66 : memref<10240x128xf32, #tpu.memory_space<vmem_shared>>)
          tpu.yield
        }) : () -> ()
        %lt3A = arith.constant 19 : i32
        %lt3A_45 = arith.cmpi slt, %scan3A_29, %lt3A : i32
        %convert_element_type3A_46 = arith.extui %lt3A_45 : i1 to i32
        %cond3A_47 = arith.constant 0 : i32
        %cond3A_48 = arith.cmpi ne, %convert_element_type3A_46, %cond3A_47 : i32
        scf.if %cond3A_48 {
          %add3A_55 = arith.constant 2 : i32
          %add3A_56 = arith.addi %mul3A_31, %add3A_55 : i32
          %dma_start3A_57 = arith.constant 0 : i32
          %dma_start3A_58 = tpu.memref_slice %arg7[%add3A_56, %dma_start3A_57] : memref<40x128xi32, #tpu.memory_space<vmem>> -> memref<1x128xi32, #tpu.memory_space<vmem>>
          %dma_start3A_59 = tpu.memref_squeeze %dma_start3A_58 : memref<1x128xi32, #tpu.memory_space<vmem>> -> memref<128xi32, #tpu.memory_space<vmem>>
          %dma_start3A_60 = arith.constant 0 : i32
          %dma_start3A_61 = arith.constant 0 : i32
          %dma_start3A_62 = tpu.memref_slice %arg2[%dma_start3A_60, %dma_start3A_61] : memref<10240x128xf32, #tpu.memory_space<hbm>> -> memref<10240x128xf32, #tpu.memory_space<hbm>>
          tpu.enqueue_indirect_dma source(%dma_start3A_62 : memref<10240x128xf32, #tpu.memory_space<hbm>>) target(%arg9 : memref<128x128xf32, #tpu.memory_space<vmem>>) offsets(%dma_start3A_59 : memref<128xi32, #tpu.memory_space<vmem>>) semaphore(%arg12 : memref<!tpu.dma_semaphore, #tpu.memory_space<semaphore_mem>>)
        } else {
        }
        %dma_wait3A_49 = arith.constant 0 : i32
        %dma_wait3A_50 = tpu.memref_slice %arg7[%add3A_33, %dma_wait3A_49] : memref<40x128xi32, #tpu.memory_space<vmem>> -> memref<1x128xi32, #tpu.memory_space<vmem>>
        %dma_wait3A_51 = tpu.memref_squeeze %dma_wait3A_50 : memref<1x128xi32, #tpu.memory_space<vmem>> -> memref<128xi32, #tpu.memory_space<vmem>>
        %dma_wait3A_52 = arith.constant 0 : i32
        %dma_wait3A_53 = arith.constant 0 : i32
        %dma_wait3A_54 = tpu.memref_slice %arg2[%dma_wait3A_52, %dma_wait3A_53] : memref<10240x128xf32, #tpu.memory_space<hbm>> -> memref<10240x128xf32, #tpu.memory_space<hbm>>
        tpu.wait_indirect_dma semaphore(%arg13 : memref<!tpu.dma_semaphore, #tpu.memory_space<semaphore_mem>>) src(%dma_wait3A_54 : memref<10240x128xf32, #tpu.memory_space<hbm>>) dst(%arg10 : memref<128x128xf32, #tpu.memory_space<vmem>>)
        "tpu.region"() ({
          %run_scoped3A = tpu.sem_alloc : memref<!tpu.dma_semaphore, #tpu.memory_space<semaphore_mem>>
          %dma_start3A_55 = arith.constant 0 : i32
          %dma_start3A_56 = tpu.memref_slice %arg8[%add3A_33, %dma_start3A_55] : memref<40x128xi32, #tpu.memory_space<vmem>> -> memref<1x128xi32, #tpu.memory_space<vmem>>
          %dma_start3A_57 = tpu.memref_squeeze %dma_start3A_56 : memref<1x128xi32, #tpu.memory_space<vmem>> -> memref<128xi32, #tpu.memory_space<vmem>>
          %dma_start3A_58 = arith.constant 0 : i32
          %dma_start3A_59 = arith.constant 0 : i32
          %dma_start3A_60 = tpu.memref_slice %arg11[%dma_start3A_58, %dma_start3A_59] : memref<10240x128xf32, #tpu.memory_space<vmem_shared>> -> memref<10240x128xf32, #tpu.memory_space<vmem_shared>>
          tpu.enqueue_indirect_dma source(%arg10 : memref<128x128xf32, #tpu.memory_space<vmem>>) target(%dma_start3A_60 : memref<10240x128xf32, #tpu.memory_space<vmem_shared>>) offsets(%dma_start3A_57 : memref<128xi32, #tpu.memory_space<vmem>>) semaphore(%run_scoped3A : memref<!tpu.dma_semaphore, #tpu.memory_space<semaphore_mem>>) {add = true}
          %dma_wait3A_61 = arith.constant 0 : i32
          %dma_wait3A_62 = tpu.memref_slice %arg8[%add3A_33, %dma_wait3A_61] : memref<40x128xi32, #tpu.memory_space<vmem>> -> memref<1x128xi32, #tpu.memory_space<vmem>>
          %dma_wait3A_63 = tpu.memref_squeeze %dma_wait3A_62 : memref<1x128xi32, #tpu.memory_space<vmem>> -> memref<128xi32, #tpu.memory_space<vmem>>
          %dma_wait3A_64 = arith.constant 0 : i32
          %dma_wait3A_65 = arith.constant 0 : i32
          %dma_wait3A_66 = tpu.memref_slice %arg11[%dma_wait3A_64, %dma_wait3A_65] : memref<10240x128xf32, #tpu.memory_space<vmem_shared>> -> memref<10240x128xf32, #tpu.memory_space<vmem_shared>>
          tpu.wait_indirect_dma semaphore(%run_scoped3A : memref<!tpu.dma_semaphore, #tpu.memory_space<semaphore_mem>>) src(%arg10 : memref<128x128xf32, #tpu.memory_space<vmem>>) dst(%dma_wait3A_66 : memref<10240x128xf32, #tpu.memory_space<vmem_shared>>)
          tpu.yield
        }) : () -> ()
      }
      %scan3A_28 = arith.constant 20 : i32
    } else {
    }
    %barrier3A_8 = arith.constant 0 : index
    tpu.barrier barrier_id(%barrier3A_8)
    %mul3A_9 = arith.constant 640 : i32
    %mul3A_10 = arith.muli %arg1, %mul3A_9 : i32
    %mul3A_11 = arith.constant 640 : i32
    %mul3A_12 = arith.muli %arg1, %mul3A_11 : i32
    "tpu.region"() ({
      %run_scoped3A = tpu.sem_alloc : memref<!tpu.dma_semaphore, #tpu.memory_space<semaphore_mem>>
      %dma_start3A = arith.constant 0 : i32
      %dma_start3A_13 = tpu.memref_slice %arg6[%arg0, %mul3A_12, %dma_start3A] : memref<2x10240x128xf32, #tpu.memory_space<hbm>> -> memref<1x640x128xf32, #tpu.memory_space<hbm>>
      %dma_start3A_14 = tpu.memref_squeeze %dma_start3A_13 : memref<1x640x128xf32, #tpu.memory_space<hbm>> -> memref<640x128xf32, #tpu.memory_space<hbm>>
      %dma_start3A_15 = arith.constant 0 : i32
      %dma_start3A_16 = tpu.memref_slice %arg11[%mul3A_10, %dma_start3A_15] : memref<10240x128xf32, #tpu.memory_space<vmem_shared>> -> memref<640x128xf32, #tpu.memory_space<vmem_shared>>
      tpu.enqueue_dma source(%dma_start3A_16 : memref<640x128xf32, #tpu.memory_space<vmem_shared>>) target(%dma_start3A_14 : memref<640x128xf32, #tpu.memory_space<hbm>>) target_semaphore(%run_scoped3A : memref<!tpu.dma_semaphore, #tpu.memory_space<semaphore_mem>>)
      %dma_wait3A = arith.constant 0 : i32
      %dma_wait3A_17 = tpu.memref_slice %arg6[%arg0, %mul3A_12, %dma_wait3A] : memref<2x10240x128xf32, #tpu.memory_space<hbm>> -> memref<1x640x128xf32, #tpu.memory_space<hbm>>
      %dma_wait3A_18 = tpu.memref_squeeze %dma_wait3A_17 : memref<1x640x128xf32, #tpu.memory_space<hbm>> -> memref<640x128xf32, #tpu.memory_space<hbm>>
      %dma_wait3A_19 = arith.constant 0 : i32
      %dma_wait3A_20 = tpu.memref_slice %arg11[%mul3A_10, %dma_wait3A_19] : memref<10240x128xf32, #tpu.memory_space<vmem_shared>> -> memref<640x128xf32, #tpu.memory_space<vmem_shared>>
      tpu.wait_dma2 semaphore(%run_scoped3A : memref<!tpu.dma_semaphore, #tpu.memory_space<semaphore_mem>>) src(%dma_wait3A_20 : memref<640x128xf32, #tpu.memory_space<vmem_shared>>) dst(%dma_wait3A_18 : memref<640x128xf32, #tpu.memory_space<hbm>>)
      tpu.yield
    }) : () -> ()
    return
  }
}

#map = affine_map<(d0, d1) -> (0, 0)>
#map1 = affine_map<(d0, d1) -> (0)>
module attributes {stable_mosaic.version = 14 : i64} {
  func.func @_deg_kernel(%arg0: i32, %arg1: i32, %arg2: memref<2560x128xi32, #tpu.memory_space<hbm>>, %arg3: memref<128xf32, #tpu.memory_space<hbm>>, %arg4: memref<640xf32, #tpu.memory_space<hbm>>, %arg5: memref<20480xf32, #tpu.memory_space<hbm>>, %arg6: memref<80x128xi32, #tpu.memory_space<vmem>>, %arg7: memref<128xf32, #tpu.memory_space<vmem>>, %arg8: memref<10240xf32, #tpu.memory_space<vmem_shared>>) attributes {dimension_semantics = [#tpu.dimension_semantics<core_parallel>, #tpu.dimension_semantics<subcore_parallel>], iteration_bounds = array<i64: 2, 16>, scalar_prefetch = 0 : i64, scratch_operands = 3 : i64, tpu.core_type = #tpu.core_type<sc_vector_subcore>, window_params = [{transform_indices = #map}, {transform_indices = #map1}, {transform_indices = #map1}, {transform_indices = #map1}]} {
    %mul3A = arith.constant 2 : i32
    %mul3A_0 = arith.muli %arg1, %mul3A : i32
    %add3A = arith.addi %mul3A_0, %arg0 : i32
    %mul3A_1 = arith.constant 640 : i32
    %mul3A_2 = arith.muli %arg1, %mul3A_1 : i32
    "tpu.region"() ({
      %run_scoped3A = tpu.sem_alloc : memref<!tpu.dma_semaphore, #tpu.memory_space<semaphore_mem>>
      %dma_start3A = tpu.memref_slice %arg8[%mul3A_2] : memref<10240xf32, #tpu.memory_space<vmem_shared>> -> memref<640xf32, #tpu.memory_space<vmem_shared>>
      tpu.enqueue_dma source(%arg4 : memref<640xf32, #tpu.memory_space<hbm>>) target(%dma_start3A : memref<640xf32, #tpu.memory_space<vmem_shared>>) target_semaphore(%run_scoped3A : memref<!tpu.dma_semaphore, #tpu.memory_space<semaphore_mem>>)
      %dma_wait3A = tpu.memref_slice %arg8[%mul3A_2] : memref<10240xf32, #tpu.memory_space<vmem_shared>> -> memref<640xf32, #tpu.memory_space<vmem_shared>>
      tpu.wait_dma2 semaphore(%run_scoped3A : memref<!tpu.dma_semaphore, #tpu.memory_space<semaphore_mem>>) src(%arg4 : memref<640xf32, #tpu.memory_space<hbm>>) dst(%dma_wait3A : memref<640xf32, #tpu.memory_space<vmem_shared>>)
      tpu.yield
    }) : () -> ()
    "tpu.region"() ({
      %run_scoped3A = tpu.sem_alloc : memref<!tpu.dma_semaphore, #tpu.memory_space<semaphore_mem>>
      tpu.enqueue_dma source(%arg3 : memref<128xf32, #tpu.memory_space<hbm>>) target(%arg7 : memref<128xf32, #tpu.memory_space<vmem>>) target_semaphore(%run_scoped3A : memref<!tpu.dma_semaphore, #tpu.memory_space<semaphore_mem>>)
      tpu.wait_dma2 semaphore(%run_scoped3A : memref<!tpu.dma_semaphore, #tpu.memory_space<semaphore_mem>>) src(%arg3 : memref<128xf32, #tpu.memory_space<hbm>>) dst(%arg7 : memref<128xf32, #tpu.memory_space<vmem>>)
      tpu.yield
    }) : () -> ()
    %mul3A_3 = arith.constant 80 : i32
    %mul3A_4 = arith.muli %add3A, %mul3A_3 : i32
    "tpu.region"() ({
      %run_scoped3A = tpu.sem_alloc : memref<!tpu.dma_semaphore, #tpu.memory_space<semaphore_mem>>
      %dma_start3A = arith.constant 0 : i32
      %dma_start3A_18 = tpu.memref_slice %arg2[%mul3A_4, %dma_start3A] : memref<2560x128xi32, #tpu.memory_space<hbm>> -> memref<80x128xi32, #tpu.memory_space<hbm>>
      %dma_start3A_19 = arith.constant 0 : i32
      %dma_start3A_20 = tpu.memref_slice %arg2[%mul3A_4, %dma_start3A_19] : memref<2560x128xi32, #tpu.memory_space<hbm>> -> memref<80x128xi32, #tpu.memory_space<hbm>>
      tpu.enqueue_dma source(%dma_start3A_20 : memref<80x128xi32, #tpu.memory_space<hbm>>) target(%arg6 : memref<80x128xi32, #tpu.memory_space<vmem>>) target_semaphore(%run_scoped3A : memref<!tpu.dma_semaphore, #tpu.memory_space<semaphore_mem>>)
      %dma_wait3A = arith.constant 0 : i32
      %dma_wait3A_21 = tpu.memref_slice %arg2[%mul3A_4, %dma_wait3A] : memref<2560x128xi32, #tpu.memory_space<hbm>> -> memref<80x128xi32, #tpu.memory_space<hbm>>
      %dma_wait3A_22 = arith.constant 0 : i32
      %dma_wait3A_23 = tpu.memref_slice %arg2[%mul3A_4, %dma_wait3A_22] : memref<2560x128xi32, #tpu.memory_space<hbm>> -> memref<80x128xi32, #tpu.memory_space<hbm>>
      tpu.wait_dma2 semaphore(%run_scoped3A : memref<!tpu.dma_semaphore, #tpu.memory_space<semaphore_mem>>) src(%dma_wait3A_23 : memref<80x128xi32, #tpu.memory_space<hbm>>) dst(%arg6 : memref<80x128xi32, #tpu.memory_space<vmem>>)
      tpu.yield
    }) : () -> ()
    %barrier3A = arith.constant 0 : index
    tpu.barrier barrier_id(%barrier3A)
    %scan3A = arith.constant 0 : i32
    %scan3A_5 = arith.constant 0 : i32
    %scan3A_6 = arith.constant 80 : i32
    %scan3A_7 = arith.addi %scan3A_5, %scan3A_6 : i32
    %scan3A_8 = arith.constant 1 : i32
    scf.for %scan3A_18 = %scan3A_5 to %scan3A_7 step %scan3A_8  : i32 {
      "tpu.region"() ({
        %run_scoped3A = tpu.sem_alloc : memref<!tpu.dma_semaphore, #tpu.memory_space<semaphore_mem>>
        %dma_start3A = arith.constant 0 : i32
        %dma_start3A_19 = tpu.memref_slice %arg6[%scan3A_18, %dma_start3A] : memref<80x128xi32, #tpu.memory_space<vmem>> -> memref<1x128xi32, #tpu.memory_space<vmem>>
        %dma_start3A_20 = tpu.memref_squeeze %dma_start3A_19 : memref<1x128xi32, #tpu.memory_space<vmem>> -> memref<128xi32, #tpu.memory_space<vmem>>
        %dma_start3A_21 = arith.constant 0 : i32
        %dma_start3A_22 = tpu.memref_slice %arg8[%dma_start3A_21] : memref<10240xf32, #tpu.memory_space<vmem_shared>> -> memref<10240xf32, #tpu.memory_space<vmem_shared>>
        tpu.enqueue_indirect_dma source(%arg7 : memref<128xf32, #tpu.memory_space<vmem>>) target(%dma_start3A_22 : memref<10240xf32, #tpu.memory_space<vmem_shared>>) offsets(%dma_start3A_20 : memref<128xi32, #tpu.memory_space<vmem>>) semaphore(%run_scoped3A : memref<!tpu.dma_semaphore, #tpu.memory_space<semaphore_mem>>) {add = true}
        %dma_wait3A = arith.constant 0 : i32
        %dma_wait3A_23 = tpu.memref_slice %arg6[%scan3A_18, %dma_wait3A] : memref<80x128xi32, #tpu.memory_space<vmem>> -> memref<1x128xi32, #tpu.memory_space<vmem>>
        %dma_wait3A_24 = tpu.memref_squeeze %dma_wait3A_23 : memref<1x128xi32, #tpu.memory_space<vmem>> -> memref<128xi32, #tpu.memory_space<vmem>>
        %dma_wait3A_25 = arith.constant 0 : i32
        %dma_wait3A_26 = tpu.memref_slice %arg8[%dma_wait3A_25] : memref<10240xf32, #tpu.memory_space<vmem_shared>> -> memref<10240xf32, #tpu.memory_space<vmem_shared>>
        tpu.wait_indirect_dma semaphore(%run_scoped3A : memref<!tpu.dma_semaphore, #tpu.memory_space<semaphore_mem>>) src(%arg7 : memref<128xf32, #tpu.memory_space<vmem>>) dst(%dma_wait3A_26 : memref<10240xf32, #tpu.memory_space<vmem_shared>>)
        tpu.yield
      }) : () -> ()
    }
    %scan3A_9 = arith.constant 80 : i32
    %barrier3A_10 = arith.constant 0 : index
    tpu.barrier barrier_id(%barrier3A_10)
    %mul3A_11 = arith.constant 640 : i32
    %mul3A_12 = arith.muli %arg1, %mul3A_11 : i32
    %mul3A_13 = arith.constant 10240 : i32
    %mul3A_14 = arith.muli %arg0, %mul3A_13 : i32
    %mul3A_15 = arith.constant 640 : i32
    %mul3A_16 = arith.muli %arg1, %mul3A_15 : i32
    %add3A_17 = arith.addi %mul3A_14, %mul3A_16 : i32
    "tpu.region"() ({
      %run_scoped3A = tpu.sem_alloc : memref<!tpu.dma_semaphore, #tpu.memory_space<semaphore_mem>>
      %dma_start3A = tpu.memref_slice %arg5[%add3A_17] : memref<20480xf32, #tpu.memory_space<hbm>> -> memref<640xf32, #tpu.memory_space<hbm>>
      %dma_start3A_18 = tpu.memref_slice %arg8[%mul3A_12] : memref<10240xf32, #tpu.memory_space<vmem_shared>> -> memref<640xf32, #tpu.memory_space<vmem_shared>>
      tpu.enqueue_dma source(%dma_start3A_18 : memref<640xf32, #tpu.memory_space<vmem_shared>>) target(%dma_start3A : memref<640xf32, #tpu.memory_space<hbm>>) target_semaphore(%run_scoped3A : memref<!tpu.dma_semaphore, #tpu.memory_space<semaphore_mem>>)
      %dma_wait3A = tpu.memref_slice %arg5[%add3A_17] : memref<20480xf32, #tpu.memory_space<hbm>> -> memref<640xf32, #tpu.memory_space<hbm>>
      %dma_wait3A_19 = tpu.memref_slice %arg8[%mul3A_12] : memref<10240xf32, #tpu.memory_space<vmem_shared>> -> memref<640xf32, #tpu.memory_space<vmem_shared>>
      tpu.wait_dma2 semaphore(%run_scoped3A : memref<!tpu.dma_semaphore, #tpu.memory_space<semaphore_mem>>) src(%dma_wait3A_19 : memref<640xf32, #tpu.memory_space<vmem_shared>>) dst(%dma_wait3A : memref<640xf32, #tpu.memory_space<hbm>>)
      tpu.yield
    }) : () -> ()
    return
  }
}

#map = affine_map<(d0, d1) -> (0, 0)>
#map1 = affine_map<(d0, d1) -> (0, 0, 0)>
module attributes {stable_mosaic.version = 14 : i64} {
  func.func @_agg_kernel(%arg0: i32, %arg1: i32, %arg2: memref<10240x128xf32, #tpu.memory_space<hbm>>, %arg3: memref<2560x128xi32, #tpu.memory_space<hbm>>, %arg4: memref<2560x128xi32, #tpu.memory_space<hbm>>, %arg5: memref<640x128xf32, #tpu.memory_space<hbm>>, %arg6: memref<2x10240x128xf32, #tpu.memory_space<hbm>>, %arg7: memref<40x128xi32, #tpu.memory_space<vmem>>, %arg8: memref<40x128xi32, #tpu.memory_space<vmem>>, %arg9: memref<128x128xf32, #tpu.memory_space<vmem>>, %arg10: memref<128x128xf32, #tpu.memory_space<vmem>>, %arg11: memref<10240x128xf32, #tpu.memory_space<vmem_shared>>, %arg12: memref<!tpu.dma_semaphore, #tpu.memory_space<semaphore_mem>>, %arg13: memref<!tpu.dma_semaphore, #tpu.memory_space<semaphore_mem>>) attributes {dimension_semantics = [#tpu.dimension_semantics<core_parallel>, #tpu.dimension_semantics<subcore_parallel>], iteration_bounds = array<i64: 2, 16>, scalar_prefetch = 0 : i64, scratch_operands = 7 : i64, tpu.core_type = #tpu.core_type<sc_vector_subcore>, window_params = [{transform_indices = #map}, {transform_indices = #map}, {transform_indices = #map}, {transform_indices = #map}, {transform_indices = #map1}]} {
    %mul3A = arith.constant 640 : i32
    %mul3A_0 = arith.muli %arg1, %mul3A : i32
    "tpu.region"() ({
      %run_scoped3A = tpu.sem_alloc : memref<!tpu.dma_semaphore, #tpu.memory_space<semaphore_mem>>
      %dma_start3A = arith.constant 0 : i32
      %dma_start3A_13 = tpu.memref_slice %arg11[%mul3A_0, %dma_start3A] : memref<10240x128xf32, #tpu.memory_space<vmem_shared>> -> memref<640x128xf32, #tpu.memory_space<vmem_shared>>
      tpu.enqueue_dma source(%arg5 : memref<640x128xf32, #tpu.memory_space<hbm>>) target(%dma_start3A_13 : memref<640x128xf32, #tpu.memory_space<vmem_shared>>) target_semaphore(%run_scoped3A : memref<!tpu.dma_semaphore, #tpu.memory_space<semaphore_mem>>)
      %dma_wait3A = arith.constant 0 : i32
      %dma_wait3A_14 = tpu.memref_slice %arg11[%mul3A_0, %dma_wait3A] : memref<10240x128xf32, #tpu.memory_space<vmem_shared>> -> memref<640x128xf32, #tpu.memory_space<vmem_shared>>
      tpu.wait_dma2 semaphore(%run_scoped3A : memref<!tpu.dma_semaphore, #tpu.memory_space<semaphore_mem>>) src(%arg5 : memref<640x128xf32, #tpu.memory_space<hbm>>) dst(%dma_wait3A_14 : memref<640x128xf32, #tpu.memory_space<vmem_shared>>)
      tpu.yield
    }) : () -> ()
    %barrier3A = arith.constant 0 : index
    tpu.barrier barrier_id(%barrier3A)
    %eq3A = arith.constant 0 : i32
    %eq3A_1 = arith.cmpi eq, %arg0, %eq3A : i32
    %convert_element_type3A = arith.extui %eq3A_1 : i1 to i32
    %cond3A = arith.constant 0 : i32
    %cond3A_2 = arith.cmpi ne, %convert_element_type3A, %cond3A : i32
    scf.if %cond3A_2 {
      %mul3A_13 = arith.constant 120 : i32
      %mul3A_14 = arith.muli %arg1, %mul3A_13 : i32
      %add3A = arith.constant 0 : i32
      %add3A_15 = arith.addi %mul3A_14, %add3A : i32
      "tpu.region"() ({
        %run_scoped3A = tpu.sem_alloc : memref<!tpu.dma_semaphore, #tpu.memory_space<semaphore_mem>>
        %dma_start3A_57 = arith.constant 0 : i32
        %dma_start3A_58 = tpu.memref_slice %arg3[%add3A_15, %dma_start3A_57] : memref<2560x128xi32, #tpu.memory_space<hbm>> -> memref<40x128xi32, #tpu.memory_space<hbm>>
        %dma_start3A_59 = arith.constant 0 : i32
        %dma_start3A_60 = tpu.memref_slice %arg3[%add3A_15, %dma_start3A_59] : memref<2560x128xi32, #tpu.memory_space<hbm>> -> memref<40x128xi32, #tpu.memory_space<hbm>>
        tpu.enqueue_dma source(%dma_start3A_60 : memref<40x128xi32, #tpu.memory_space<hbm>>) target(%arg7 : memref<40x128xi32, #tpu.memory_space<vmem>>) target_semaphore(%run_scoped3A : memref<!tpu.dma_semaphore, #tpu.memory_space<semaphore_mem>>)
        %dma_wait3A = arith.constant 0 : i32
        %dma_wait3A_61 = tpu.memref_slice %arg3[%add3A_15, %dma_wait3A] : memref<2560x128xi32, #tpu.memory_space<hbm>> -> memref<40x128xi32, #tpu.memory_space<hbm>>
        %dma_wait3A_62 = arith.constant 0 : i32
        %dma_wait3A_63 = tpu.memref_slice %arg3[%add3A_15, %dma_wait3A_62] : memref<2560x128xi32, #tpu.memory_space<hbm>> -> memref<40x128xi32, #tpu.memory_space<hbm>>
        tpu.wait_dma2 semaphore(%run_scoped3A : memref<!tpu.dma_semaphore, #tpu.memory_space<semaphore_mem>>) src(%dma_wait3A_63 : memref<40x128xi32, #tpu.memory_space<hbm>>) dst(%arg7 : memref<40x128xi32, #tpu.memory_space<vmem>>)
        tpu.yield
      }) : () -> ()
      "tpu.region"() ({
        %run_scoped3A = tpu.sem_alloc : memref<!tpu.dma_semaphore, #tpu.memory_space<semaphore_mem>>
        %dma_start3A_57 = arith.constant 0 : i32
        %dma_start3A_58 = tpu.memref_slice %arg4[%add3A_15, %dma_start3A_57] : memref<2560x128xi32, #tpu.memory_space<hbm>> -> memref<40x128xi32, #tpu.memory_space<hbm>>
        %dma_start3A_59 = arith.constant 0 : i32
        %dma_start3A_60 = tpu.memref_slice %arg4[%add3A_15, %dma_start3A_59] : memref<2560x128xi32, #tpu.memory_space<hbm>> -> memref<40x128xi32, #tpu.memory_space<hbm>>
        tpu.enqueue_dma source(%dma_start3A_60 : memref<40x128xi32, #tpu.memory_space<hbm>>) target(%arg8 : memref<40x128xi32, #tpu.memory_space<vmem>>) target_semaphore(%run_scoped3A : memref<!tpu.dma_semaphore, #tpu.memory_space<semaphore_mem>>)
        %dma_wait3A = arith.constant 0 : i32
        %dma_wait3A_61 = tpu.memref_slice %arg4[%add3A_15, %dma_wait3A] : memref<2560x128xi32, #tpu.memory_space<hbm>> -> memref<40x128xi32, #tpu.memory_space<hbm>>
        %dma_wait3A_62 = arith.constant 0 : i32
        %dma_wait3A_63 = tpu.memref_slice %arg4[%add3A_15, %dma_wait3A_62] : memref<2560x128xi32, #tpu.memory_space<hbm>> -> memref<40x128xi32, #tpu.memory_space<hbm>>
        tpu.wait_dma2 semaphore(%run_scoped3A : memref<!tpu.dma_semaphore, #tpu.memory_space<semaphore_mem>>) src(%dma_wait3A_63 : memref<40x128xi32, #tpu.memory_space<hbm>>) dst(%arg8 : memref<40x128xi32, #tpu.memory_space<vmem>>)
        tpu.yield
      }) : () -> ()
      %dma_start3A = arith.constant 0 : i32
      %dma_start3A_16 = arith.constant 0 : i32
      %dma_start3A_17 = tpu.memref_slice %arg7[%dma_start3A, %dma_start3A_16] : memref<40x128xi32, #tpu.memory_space<vmem>> -> memref<1x128xi32, #tpu.memory_space<vmem>>
      %dma_start3A_18 = tpu.memref_squeeze %dma_start3A_17 : memref<1x128xi32, #tpu.memory_space<vmem>> -> memref<128xi32, #tpu.memory_space<vmem>>
      %dma_start3A_19 = arith.constant 0 : i32
      %dma_start3A_20 = arith.constant 0 : i32
      %dma_start3A_21 = tpu.memref_slice %arg2[%dma_start3A_19, %dma_start3A_20] : memref<10240x128xf32, #tpu.memory_space<hbm>> -> memref<10240x128xf32, #tpu.memory_space<hbm>>
      tpu.enqueue_indirect_dma source(%dma_start3A_21 : memref<10240x128xf32, #tpu.memory_space<hbm>>) target(%arg9 : memref<128x128xf32, #tpu.memory_space<vmem>>) offsets(%dma_start3A_18 : memref<128xi32, #tpu.memory_space<vmem>>) semaphore(%arg12 : memref<!tpu.dma_semaphore, #tpu.memory_space<semaphore_mem>>)
      %scan3A = arith.constant 0 : i32
      %scan3A_22 = arith.constant 0 : i32
      %scan3A_23 = arith.constant 20 : i32
      %scan3A_24 = arith.addi %scan3A_22, %scan3A_23 : i32
      %scan3A_25 = arith.constant 1 : i32
      scf.for %scan3A_57 = %scan3A_22 to %scan3A_24 step %scan3A_25  : i32 {
        %mul3A_58 = arith.constant 2 : i32
        %mul3A_59 = arith.muli %mul3A_58, %scan3A_57 : i32
        %add3A_60 = arith.constant 1 : i32
        %add3A_61 = arith.addi %mul3A_59, %add3A_60 : i32
        %dma_start3A_62 = arith.constant 0 : i32
        %dma_start3A_63 = tpu.memref_slice %arg7[%add3A_61, %dma_start3A_62] : memref<40x128xi32, #tpu.memory_space<vmem>> -> memref<1x128xi32, #tpu.memory_space<vmem>>
        %dma_start3A_64 = tpu.memref_squeeze %dma_start3A_63 : memref<1x128xi32, #tpu.memory_space<vmem>> -> memref<128xi32, #tpu.memory_space<vmem>>
        %dma_start3A_65 = arith.constant 0 : i32
        %dma_start3A_66 = arith.constant 0 : i32
        %dma_start3A_67 = tpu.memref_slice %arg2[%dma_start3A_65, %dma_start3A_66] : memref<10240x128xf32, #tpu.memory_space<hbm>> -> memref<10240x128xf32, #tpu.memory_space<hbm>>
        tpu.enqueue_indirect_dma source(%dma_start3A_67 : memref<10240x128xf32, #tpu.memory_space<hbm>>) target(%arg10 : memref<128x128xf32, #tpu.memory_space<vmem>>) offsets(%dma_start3A_64 : memref<128xi32, #tpu.memory_space<vmem>>) semaphore(%arg13 : memref<!tpu.dma_semaphore, #tpu.memory_space<semaphore_mem>>)
        %dma_wait3A = arith.constant 0 : i32
        %dma_wait3A_68 = tpu.memref_slice %arg7[%mul3A_59, %dma_wait3A] : memref<40x128xi32, #tpu.memory_space<vmem>> -> memref<1x128xi32, #tpu.memory_space<vmem>>
        %dma_wait3A_69 = tpu.memref_squeeze %dma_wait3A_68 : memref<1x128xi32, #tpu.memory_space<vmem>> -> memref<128xi32, #tpu.memory_space<vmem>>
        %dma_wait3A_70 = arith.constant 0 : i32
        %dma_wait3A_71 = arith.constant 0 : i32
        %dma_wait3A_72 = tpu.memref_slice %arg2[%dma_wait3A_70, %dma_wait3A_71] : memref<10240x128xf32, #tpu.memory_space<hbm>> -> memref<10240x128xf32, #tpu.memory_space<hbm>>
        tpu.wait_indirect_dma semaphore(%arg12 : memref<!tpu.dma_semaphore, #tpu.memory_space<semaphore_mem>>) src(%dma_wait3A_72 : memref<10240x128xf32, #tpu.memory_space<hbm>>) dst(%arg9 : memref<128x128xf32, #tpu.memory_space<vmem>>)
        "tpu.region"() ({
          %run_scoped3A = tpu.sem_alloc : memref<!tpu.dma_semaphore, #tpu.memory_space<semaphore_mem>>
          %dma_start3A_83 = arith.constant 0 : i32
          %dma_start3A_84 = tpu.memref_slice %arg8[%mul3A_59, %dma_start3A_83] : memref<40x128xi32, #tpu.memory_space<vmem>> -> memref<1x128xi32, #tpu.memory_space<vmem>>
          %dma_start3A_85 = tpu.memref_squeeze %dma_start3A_84 : memref<1x128xi32, #tpu.memory_space<vmem>> -> memref<128xi32, #tpu.memory_space<vmem>>
          %dma_start3A_86 = arith.constant 0 : i32
          %dma_start3A_87 = arith.constant 0 : i32
          %dma_start3A_88 = tpu.memref_slice %arg11[%dma_start3A_86, %dma_start3A_87] : memref<10240x128xf32, #tpu.memory_space<vmem_shared>> -> memref<10240x128xf32, #tpu.memory_space<vmem_shared>>
          tpu.enqueue_indirect_dma source(%arg9 : memref<128x128xf32, #tpu.memory_space<vmem>>) target(%dma_start3A_88 : memref<10240x128xf32, #tpu.memory_space<vmem_shared>>) offsets(%dma_start3A_85 : memref<128xi32, #tpu.memory_space<vmem>>) semaphore(%run_scoped3A : memref<!tpu.dma_semaphore, #tpu.memory_space<semaphore_mem>>) {add = true}
          %dma_wait3A_89 = arith.constant 0 : i32
          %dma_wait3A_90 = tpu.memref_slice %arg8[%mul3A_59, %dma_wait3A_89] : memref<40x128xi32, #tpu.memory_space<vmem>> -> memref<1x128xi32, #tpu.memory_space<vmem>>
          %dma_wait3A_91 = tpu.memref_squeeze %dma_wait3A_90 : memref<1x128xi32, #tpu.memory_space<vmem>> -> memref<128xi32, #tpu.memory_space<vmem>>
          %dma_wait3A_92 = arith.constant 0 : i32
          %dma_wait3A_93 = arith.constant 0 : i32
          %dma_wait3A_94 = tpu.memref_slice %arg11[%dma_wait3A_92, %dma_wait3A_93] : memref<10240x128xf32, #tpu.memory_space<vmem_shared>> -> memref<10240x128xf32, #tpu.memory_space<vmem_shared>>
          tpu.wait_indirect_dma semaphore(%run_scoped3A : memref<!tpu.dma_semaphore, #tpu.memory_space<semaphore_mem>>) src(%arg9 : memref<128x128xf32, #tpu.memory_space<vmem>>) dst(%dma_wait3A_94 : memref<10240x128xf32, #tpu.memory_space<vmem_shared>>)
          tpu.yield
        }) : () -> ()
        %lt3A = arith.constant 19 : i32
        %lt3A_73 = arith.cmpi slt, %scan3A_57, %lt3A : i32
        %convert_element_type3A_74 = arith.extui %lt3A_73 : i1 to i32
        %cond3A_75 = arith.constant 0 : i32
        %cond3A_76 = arith.cmpi ne, %convert_element_type3A_74, %cond3A_75 : i32
        scf.if %cond3A_76 {
          %add3A_83 = arith.constant 2 : i32
          %add3A_84 = arith.addi %mul3A_59, %add3A_83 : i32
          %dma_start3A_85 = arith.constant 0 : i32
          %dma_start3A_86 = tpu.memref_slice %arg7[%add3A_84, %dma_start3A_85] : memref<40x128xi32, #tpu.memory_space<vmem>> -> memref<1x128xi32, #tpu.memory_space<vmem>>
          %dma_start3A_87 = tpu.memref_squeeze %dma_start3A_86 : memref<1x128xi32, #tpu.memory_space<vmem>> -> memref<128xi32, #tpu.memory_space<vmem>>
          %dma_start3A_88 = arith.constant 0 : i32
          %dma_start3A_89 = arith.constant 0 : i32
          %dma_start3A_90 = tpu.memref_slice %arg2[%dma_start3A_88, %dma_start3A_89] : memref<10240x128xf32, #tpu.memory_space<hbm>> -> memref<10240x128xf32, #tpu.memory_space<hbm>>
          tpu.enqueue_indirect_dma source(%dma_start3A_90 : memref<10240x128xf32, #tpu.memory_space<hbm>>) target(%arg9 : memref<128x128xf32, #tpu.memory_space<vmem>>) offsets(%dma_start3A_87 : memref<128xi32, #tpu.memory_space<vmem>>) semaphore(%arg12 : memref<!tpu.dma_semaphore, #tpu.memory_space<semaphore_mem>>)
        } else {
        }
        %dma_wait3A_77 = arith.constant 0 : i32
        %dma_wait3A_78 = tpu.memref_slice %arg7[%add3A_61, %dma_wait3A_77] : memref<40x128xi32, #tpu.memory_space<vmem>> -> memref<1x128xi32, #tpu.memory_space<vmem>>
        %dma_wait3A_79 = tpu.memref_squeeze %dma_wait3A_78 : memref<1x128xi32, #tpu.memory_space<vmem>> -> memref<128xi32, #tpu.memory_space<vmem>>
        %dma_wait3A_80 = arith.constant 0 : i32
        %dma_wait3A_81 = arith.constant 0 : i32
        %dma_wait3A_82 = tpu.memref_slice %arg2[%dma_wait3A_80, %dma_wait3A_81] : memref<10240x128xf32, #tpu.memory_space<hbm>> -> memref<10240x128xf32, #tpu.memory_space<hbm>>
        tpu.wait_indirect_dma semaphore(%arg13 : memref<!tpu.dma_semaphore, #tpu.memory_space<semaphore_mem>>) src(%dma_wait3A_82 : memref<10240x128xf32, #tpu.memory_space<hbm>>) dst(%arg10 : memref<128x128xf32, #tpu.memory_space<vmem>>)
        "tpu.region"() ({
          %run_scoped3A = tpu.sem_alloc : memref<!tpu.dma_semaphore, #tpu.memory_space<semaphore_mem>>
          %dma_start3A_83 = arith.constant 0 : i32
          %dma_start3A_84 = tpu.memref_slice %arg8[%add3A_61, %dma_start3A_83] : memref<40x128xi32, #tpu.memory_space<vmem>> -> memref<1x128xi32, #tpu.memory_space<vmem>>
          %dma_start3A_85 = tpu.memref_squeeze %dma_start3A_84 : memref<1x128xi32, #tpu.memory_space<vmem>> -> memref<128xi32, #tpu.memory_space<vmem>>
          %dma_start3A_86 = arith.constant 0 : i32
          %dma_start3A_87 = arith.constant 0 : i32
          %dma_start3A_88 = tpu.memref_slice %arg11[%dma_start3A_86, %dma_start3A_87] : memref<10240x128xf32, #tpu.memory_space<vmem_shared>> -> memref<10240x128xf32, #tpu.memory_space<vmem_shared>>
          tpu.enqueue_indirect_dma source(%arg10 : memref<128x128xf32, #tpu.memory_space<vmem>>) target(%dma_start3A_88 : memref<10240x128xf32, #tpu.memory_space<vmem_shared>>) offsets(%dma_start3A_85 : memref<128xi32, #tpu.memory_space<vmem>>) semaphore(%run_scoped3A : memref<!tpu.dma_semaphore, #tpu.memory_space<semaphore_mem>>) {add = true}
          %dma_wait3A_89 = arith.constant 0 : i32
          %dma_wait3A_90 = tpu.memref_slice %arg8[%add3A_61, %dma_wait3A_89] : memref<40x128xi32, #tpu.memory_space<vmem>> -> memref<1x128xi32, #tpu.memory_space<vmem>>
          %dma_wait3A_91 = tpu.memref_squeeze %dma_wait3A_90 : memref<1x128xi32, #tpu.memory_space<vmem>> -> memref<128xi32, #tpu.memory_space<vmem>>
          %dma_wait3A_92 = arith.constant 0 : i32
          %dma_wait3A_93 = arith.constant 0 : i32
          %dma_wait3A_94 = tpu.memref_slice %arg11[%dma_wait3A_92, %dma_wait3A_93] : memref<10240x128xf32, #tpu.memory_space<vmem_shared>> -> memref<10240x128xf32, #tpu.memory_space<vmem_shared>>
          tpu.wait_indirect_dma semaphore(%run_scoped3A : memref<!tpu.dma_semaphore, #tpu.memory_space<semaphore_mem>>) src(%arg10 : memref<128x128xf32, #tpu.memory_space<vmem>>) dst(%dma_wait3A_94 : memref<10240x128xf32, #tpu.memory_space<vmem_shared>>)
          tpu.yield
        }) : () -> ()
      }
      %scan3A_26 = arith.constant 20 : i32
      %add3A_27 = arith.constant 40 : i32
      %add3A_28 = arith.addi %mul3A_14, %add3A_27 : i32
      "tpu.region"() ({
        %run_scoped3A = tpu.sem_alloc : memref<!tpu.dma_semaphore, #tpu.memory_space<semaphore_mem>>
        %dma_start3A_57 = arith.constant 0 : i32
        %dma_start3A_58 = tpu.memref_slice %arg3[%add3A_28, %dma_start3A_57] : memref<2560x128xi32, #tpu.memory_space<hbm>> -> memref<40x128xi32, #tpu.memory_space<hbm>>
        %dma_start3A_59 = arith.constant 0 : i32
        %dma_start3A_60 = tpu.memref_slice %arg3[%add3A_28, %dma_start3A_59] : memref<2560x128xi32, #tpu.memory_space<hbm>> -> memref<40x128xi32, #tpu.memory_space<hbm>>
        tpu.enqueue_dma source(%dma_start3A_60 : memref<40x128xi32, #tpu.memory_space<hbm>>) target(%arg7 : memref<40x128xi32, #tpu.memory_space<vmem>>) target_semaphore(%run_scoped3A : memref<!tpu.dma_semaphore, #tpu.memory_space<semaphore_mem>>)
        %dma_wait3A = arith.constant 0 : i32
        %dma_wait3A_61 = tpu.memref_slice %arg3[%add3A_28, %dma_wait3A] : memref<2560x128xi32, #tpu.memory_space<hbm>> -> memref<40x128xi32, #tpu.memory_space<hbm>>
        %dma_wait3A_62 = arith.constant 0 : i32
        %dma_wait3A_63 = tpu.memref_slice %arg3[%add3A_28, %dma_wait3A_62] : memref<2560x128xi32, #tpu.memory_space<hbm>> -> memref<40x128xi32, #tpu.memory_space<hbm>>
        tpu.wait_dma2 semaphore(%run_scoped3A : memref<!tpu.dma_semaphore, #tpu.memory_space<semaphore_mem>>) src(%dma_wait3A_63 : memref<40x128xi32, #tpu.memory_space<hbm>>) dst(%arg7 : memref<40x128xi32, #tpu.memory_space<vmem>>)
        tpu.yield
      }) : () -> ()
      "tpu.region"() ({
        %run_scoped3A = tpu.sem_alloc : memref<!tpu.dma_semaphore, #tpu.memory_space<semaphore_mem>>
        %dma_start3A_57 = arith.constant 0 : i32
        %dma_start3A_58 = tpu.memref_slice %arg4[%add3A_28, %dma_start3A_57] : memref<2560x128xi32, #tpu.memory_space<hbm>> -> memref<40x128xi32, #tpu.memory_space<hbm>>
        %dma_start3A_59 = arith.constant 0 : i32
        %dma_start3A_60 = tpu.memref_slice %arg4[%add3A_28, %dma_start3A_59] : memref<2560x128xi32, #tpu.memory_space<hbm>> -> memref<40x128xi32, #tpu.memory_space<hbm>>
        tpu.enqueue_dma source(%dma_start3A_60 : memref<40x128xi32, #tpu.memory_space<hbm>>) target(%arg8 : memref<40x128xi32, #tpu.memory_space<vmem>>) target_semaphore(%run_scoped3A : memref<!tpu.dma_semaphore, #tpu.memory_space<semaphore_mem>>)
        %dma_wait3A = arith.constant 0 : i32
        %dma_wait3A_61 = tpu.memref_slice %arg4[%add3A_28, %dma_wait3A] : memref<2560x128xi32, #tpu.memory_space<hbm>> -> memref<40x128xi32, #tpu.memory_space<hbm>>
        %dma_wait3A_62 = arith.constant 0 : i32
        %dma_wait3A_63 = tpu.memref_slice %arg4[%add3A_28, %dma_wait3A_62] : memref<2560x128xi32, #tpu.memory_space<hbm>> -> memref<40x128xi32, #tpu.memory_space<hbm>>
        tpu.wait_dma2 semaphore(%run_scoped3A : memref<!tpu.dma_semaphore, #tpu.memory_space<semaphore_mem>>) src(%dma_wait3A_63 : memref<40x128xi32, #tpu.memory_space<hbm>>) dst(%arg8 : memref<40x128xi32, #tpu.memory_space<vmem>>)
        tpu.yield
      }) : () -> ()
      %dma_start3A_29 = arith.constant 0 : i32
      %dma_start3A_30 = arith.constant 0 : i32
      %dma_start3A_31 = tpu.memref_slice %arg7[%dma_start3A_29, %dma_start3A_30] : memref<40x128xi32, #tpu.memory_space<vmem>> -> memref<1x128xi32, #tpu.memory_space<vmem>>
      %dma_start3A_32 = tpu.memref_squeeze %dma_start3A_31 : memref<1x128xi32, #tpu.memory_space<vmem>> -> memref<128xi32, #tpu.memory_space<vmem>>
      %dma_start3A_33 = arith.constant 0 : i32
      %dma_start3A_34 = arith.constant 0 : i32
      %dma_start3A_35 = tpu.memref_slice %arg2[%dma_start3A_33, %dma_start3A_34] : memref<10240x128xf32, #tpu.memory_space<hbm>> -> memref<10240x128xf32, #tpu.memory_space<hbm>>
      tpu.enqueue_indirect_dma source(%dma_start3A_35 : memref<10240x128xf32, #tpu.memory_space<hbm>>) target(%arg9 : memref<128x128xf32, #tpu.memory_space<vmem>>) offsets(%dma_start3A_32 : memref<128xi32, #tpu.memory_space<vmem>>) semaphore(%arg12 : memref<!tpu.dma_semaphore, #tpu.memory_space<semaphore_mem>>)
      %scan3A_36 = arith.constant 0 : i32
      %scan3A_37 = arith.constant 0 : i32
      %scan3A_38 = arith.constant 20 : i32
      %scan3A_39 = arith.addi %scan3A_37, %scan3A_38 : i32
      %scan3A_40 = arith.constant 1 : i32
      scf.for %scan3A_57 = %scan3A_37 to %scan3A_39 step %scan3A_40  : i32 {
        %mul3A_58 = arith.constant 2 : i32
        %mul3A_59 = arith.muli %mul3A_58, %scan3A_57 : i32
        %add3A_60 = arith.constant 1 : i32
        %add3A_61 = arith.addi %mul3A_59, %add3A_60 : i32
        %dma_start3A_62 = arith.constant 0 : i32
        %dma_start3A_63 = tpu.memref_slice %arg7[%add3A_61, %dma_start3A_62] : memref<40x128xi32, #tpu.memory_space<vmem>> -> memref<1x128xi32, #tpu.memory_space<vmem>>
        %dma_start3A_64 = tpu.memref_squeeze %dma_start3A_63 : memref<1x128xi32, #tpu.memory_space<vmem>> -> memref<128xi32, #tpu.memory_space<vmem>>
        %dma_start3A_65 = arith.constant 0 : i32
        %dma_start3A_66 = arith.constant 0 : i32
        %dma_start3A_67 = tpu.memref_slice %arg2[%dma_start3A_65, %dma_start3A_66] : memref<10240x128xf32, #tpu.memory_space<hbm>> -> memref<10240x128xf32, #tpu.memory_space<hbm>>
        tpu.enqueue_indirect_dma source(%dma_start3A_67 : memref<10240x128xf32, #tpu.memory_space<hbm>>) target(%arg10 : memref<128x128xf32, #tpu.memory_space<vmem>>) offsets(%dma_start3A_64 : memref<128xi32, #tpu.memory_space<vmem>>) semaphore(%arg13 : memref<!tpu.dma_semaphore, #tpu.memory_space<semaphore_mem>>)
        %dma_wait3A = arith.constant 0 : i32
        %dma_wait3A_68 = tpu.memref_slice %arg7[%mul3A_59, %dma_wait3A] : memref<40x128xi32, #tpu.memory_space<vmem>> -> memref<1x128xi32, #tpu.memory_space<vmem>>
        %dma_wait3A_69 = tpu.memref_squeeze %dma_wait3A_68 : memref<1x128xi32, #tpu.memory_space<vmem>> -> memref<128xi32, #tpu.memory_space<vmem>>
        %dma_wait3A_70 = arith.constant 0 : i32
        %dma_wait3A_71 = arith.constant 0 : i32
        %dma_wait3A_72 = tpu.memref_slice %arg2[%dma_wait3A_70, %dma_wait3A_71] : memref<10240x128xf32, #tpu.memory_space<hbm>> -> memref<10240x128xf32, #tpu.memory_space<hbm>>
        tpu.wait_indirect_dma semaphore(%arg12 : memref<!tpu.dma_semaphore, #tpu.memory_space<semaphore_mem>>) src(%dma_wait3A_72 : memref<10240x128xf32, #tpu.memory_space<hbm>>) dst(%arg9 : memref<128x128xf32, #tpu.memory_space<vmem>>)
        "tpu.region"() ({
          %run_scoped3A = tpu.sem_alloc : memref<!tpu.dma_semaphore, #tpu.memory_space<semaphore_mem>>
          %dma_start3A_83 = arith.constant 0 : i32
          %dma_start3A_84 = tpu.memref_slice %arg8[%mul3A_59, %dma_start3A_83] : memref<40x128xi32, #tpu.memory_space<vmem>> -> memref<1x128xi32, #tpu.memory_space<vmem>>
          %dma_start3A_85 = tpu.memref_squeeze %dma_start3A_84 : memref<1x128xi32, #tpu.memory_space<vmem>> -> memref<128xi32, #tpu.memory_space<vmem>>
          %dma_start3A_86 = arith.constant 0 : i32
          %dma_start3A_87 = arith.constant 0 : i32
          %dma_start3A_88 = tpu.memref_slice %arg11[%dma_start3A_86, %dma_start3A_87] : memref<10240x128xf32, #tpu.memory_space<vmem_shared>> -> memref<10240x128xf32, #tpu.memory_space<vmem_shared>>
          tpu.enqueue_indirect_dma source(%arg9 : memref<128x128xf32, #tpu.memory_space<vmem>>) target(%dma_start3A_88 : memref<10240x128xf32, #tpu.memory_space<vmem_shared>>) offsets(%dma_start3A_85 : memref<128xi32, #tpu.memory_space<vmem>>) semaphore(%run_scoped3A : memref<!tpu.dma_semaphore, #tpu.memory_space<semaphore_mem>>) {add = true}
          %dma_wait3A_89 = arith.constant 0 : i32
          %dma_wait3A_90 = tpu.memref_slice %arg8[%mul3A_59, %dma_wait3A_89] : memref<40x128xi32, #tpu.memory_space<vmem>> -> memref<1x128xi32, #tpu.memory_space<vmem>>
          %dma_wait3A_91 = tpu.memref_squeeze %dma_wait3A_90 : memref<1x128xi32, #tpu.memory_space<vmem>> -> memref<128xi32, #tpu.memory_space<vmem>>
          %dma_wait3A_92 = arith.constant 0 : i32
          %dma_wait3A_93 = arith.constant 0 : i32
          %dma_wait3A_94 = tpu.memref_slice %arg11[%dma_wait3A_92, %dma_wait3A_93] : memref<10240x128xf32, #tpu.memory_space<vmem_shared>> -> memref<10240x128xf32, #tpu.memory_space<vmem_shared>>
          tpu.wait_indirect_dma semaphore(%run_scoped3A : memref<!tpu.dma_semaphore, #tpu.memory_space<semaphore_mem>>) src(%arg9 : memref<128x128xf32, #tpu.memory_space<vmem>>) dst(%dma_wait3A_94 : memref<10240x128xf32, #tpu.memory_space<vmem_shared>>)
          tpu.yield
        }) : () -> ()
        %lt3A = arith.constant 19 : i32
        %lt3A_73 = arith.cmpi slt, %scan3A_57, %lt3A : i32
        %convert_element_type3A_74 = arith.extui %lt3A_73 : i1 to i32
        %cond3A_75 = arith.constant 0 : i32
        %cond3A_76 = arith.cmpi ne, %convert_element_type3A_74, %cond3A_75 : i32
        scf.if %cond3A_76 {
          %add3A_83 = arith.constant 2 : i32
          %add3A_84 = arith.addi %mul3A_59, %add3A_83 : i32
          %dma_start3A_85 = arith.constant 0 : i32
          %dma_start3A_86 = tpu.memref_slice %arg7[%add3A_84, %dma_start3A_85] : memref<40x128xi32, #tpu.memory_space<vmem>> -> memref<1x128xi32, #tpu.memory_space<vmem>>
          %dma_start3A_87 = tpu.memref_squeeze %dma_start3A_86 : memref<1x128xi32, #tpu.memory_space<vmem>> -> memref<128xi32, #tpu.memory_space<vmem>>
          %dma_start3A_88 = arith.constant 0 : i32
          %dma_start3A_89 = arith.constant 0 : i32
          %dma_start3A_90 = tpu.memref_slice %arg2[%dma_start3A_88, %dma_start3A_89] : memref<10240x128xf32, #tpu.memory_space<hbm>> -> memref<10240x128xf32, #tpu.memory_space<hbm>>
          tpu.enqueue_indirect_dma source(%dma_start3A_90 : memref<10240x128xf32, #tpu.memory_space<hbm>>) target(%arg9 : memref<128x128xf32, #tpu.memory_space<vmem>>) offsets(%dma_start3A_87 : memref<128xi32, #tpu.memory_space<vmem>>) semaphore(%arg12 : memref<!tpu.dma_semaphore, #tpu.memory_space<semaphore_mem>>)
        } else {
        }
        %dma_wait3A_77 = arith.constant 0 : i32
        %dma_wait3A_78 = tpu.memref_slice %arg7[%add3A_61, %dma_wait3A_77] : memref<40x128xi32, #tpu.memory_space<vmem>> -> memref<1x128xi32, #tpu.memory_space<vmem>>
        %dma_wait3A_79 = tpu.memref_squeeze %dma_wait3A_78 : memref<1x128xi32, #tpu.memory_space<vmem>> -> memref<128xi32, #tpu.memory_space<vmem>>
        %dma_wait3A_80 = arith.constant 0 : i32
        %dma_wait3A_81 = arith.constant 0 : i32
        %dma_wait3A_82 = tpu.memref_slice %arg2[%dma_wait3A_80, %dma_wait3A_81] : memref<10240x128xf32, #tpu.memory_space<hbm>> -> memref<10240x128xf32, #tpu.memory_space<hbm>>
        tpu.wait_indirect_dma semaphore(%arg13 : memref<!tpu.dma_semaphore, #tpu.memory_space<semaphore_mem>>) src(%dma_wait3A_82 : memref<10240x128xf32, #tpu.memory_space<hbm>>) dst(%arg10 : memref<128x128xf32, #tpu.memory_space<vmem>>)
        "tpu.region"() ({
          %run_scoped3A = tpu.sem_alloc : memref<!tpu.dma_semaphore, #tpu.memory_space<semaphore_mem>>
          %dma_start3A_83 = arith.constant 0 : i32
          %dma_start3A_84 = tpu.memref_slice %arg8[%add3A_61, %dma_start3A_83] : memref<40x128xi32, #tpu.memory_space<vmem>> -> memref<1x128xi32, #tpu.memory_space<vmem>>
          %dma_start3A_85 = tpu.memref_squeeze %dma_start3A_84 : memref<1x128xi32, #tpu.memory_space<vmem>> -> memref<128xi32, #tpu.memory_space<vmem>>
          %dma_start3A_86 = arith.constant 0 : i32
          %dma_start3A_87 = arith.constant 0 : i32
          %dma_start3A_88 = tpu.memref_slice %arg11[%dma_start3A_86, %dma_start3A_87] : memref<10240x128xf32, #tpu.memory_space<vmem_shared>> -> memref<10240x128xf32, #tpu.memory_space<vmem_shared>>
          tpu.enqueue_indirect_dma source(%arg10 : memref<128x128xf32, #tpu.memory_space<vmem>>) target(%dma_start3A_88 : memref<10240x128xf32, #tpu.memory_space<vmem_shared>>) offsets(%dma_start3A_85 : memref<128xi32, #tpu.memory_space<vmem>>) semaphore(%run_scoped3A : memref<!tpu.dma_semaphore, #tpu.memory_space<semaphore_mem>>) {add = true}
          %dma_wait3A_89 = arith.constant 0 : i32
          %dma_wait3A_90 = tpu.memref_slice %arg8[%add3A_61, %dma_wait3A_89] : memref<40x128xi32, #tpu.memory_space<vmem>> -> memref<1x128xi32, #tpu.memory_space<vmem>>
          %dma_wait3A_91 = tpu.memref_squeeze %dma_wait3A_90 : memref<1x128xi32, #tpu.memory_space<vmem>> -> memref<128xi32, #tpu.memory_space<vmem>>
          %dma_wait3A_92 = arith.constant 0 : i32
          %dma_wait3A_93 = arith.constant 0 : i32
          %dma_wait3A_94 = tpu.memref_slice %arg11[%dma_wait3A_92, %dma_wait3A_93] : memref<10240x128xf32, #tpu.memory_space<vmem_shared>> -> memref<10240x128xf32, #tpu.memory_space<vmem_shared>>
          tpu.wait_indirect_dma semaphore(%run_scoped3A : memref<!tpu.dma_semaphore, #tpu.memory_space<semaphore_mem>>) src(%arg10 : memref<128x128xf32, #tpu.memory_space<vmem>>) dst(%dma_wait3A_94 : memref<10240x128xf32, #tpu.memory_space<vmem_shared>>)
          tpu.yield
        }) : () -> ()
      }
      %scan3A_41 = arith.constant 20 : i32
      %add3A_42 = arith.constant 80 : i32
      %add3A_43 = arith.addi %mul3A_14, %add3A_42 : i32
      "tpu.region"() ({
        %run_scoped3A = tpu.sem_alloc : memref<!tpu.dma_semaphore, #tpu.memory_space<semaphore_mem>>
        %dma_start3A_57 = arith.constant 0 : i32
        %dma_start3A_58 = tpu.memref_slice %arg3[%add3A_43, %dma_start3A_57] : memref<2560x128xi32, #tpu.memory_space<hbm>> -> memref<40x128xi32, #tpu.memory_space<hbm>>
        %dma_start3A_59 = arith.constant 0 : i32
        %dma_start3A_60 = tpu.memref_slice %arg3[%add3A_43, %dma_start3A_59] : memref<2560x128xi32, #tpu.memory_space<hbm>> -> memref<40x128xi32, #tpu.memory_space<hbm>>
        tpu.enqueue_dma source(%dma_start3A_60 : memref<40x128xi32, #tpu.memory_space<hbm>>) target(%arg7 : memref<40x128xi32, #tpu.memory_space<vmem>>) target_semaphore(%run_scoped3A : memref<!tpu.dma_semaphore, #tpu.memory_space<semaphore_mem>>)
        %dma_wait3A = arith.constant 0 : i32
        %dma_wait3A_61 = tpu.memref_slice %arg3[%add3A_43, %dma_wait3A] : memref<2560x128xi32, #tpu.memory_space<hbm>> -> memref<40x128xi32, #tpu.memory_space<hbm>>
        %dma_wait3A_62 = arith.constant 0 : i32
        %dma_wait3A_63 = tpu.memref_slice %arg3[%add3A_43, %dma_wait3A_62] : memref<2560x128xi32, #tpu.memory_space<hbm>> -> memref<40x128xi32, #tpu.memory_space<hbm>>
        tpu.wait_dma2 semaphore(%run_scoped3A : memref<!tpu.dma_semaphore, #tpu.memory_space<semaphore_mem>>) src(%dma_wait3A_63 : memref<40x128xi32, #tpu.memory_space<hbm>>) dst(%arg7 : memref<40x128xi32, #tpu.memory_space<vmem>>)
        tpu.yield
      }) : () -> ()
      "tpu.region"() ({
        %run_scoped3A = tpu.sem_alloc : memref<!tpu.dma_semaphore, #tpu.memory_space<semaphore_mem>>
        %dma_start3A_57 = arith.constant 0 : i32
        %dma_start3A_58 = tpu.memref_slice %arg4[%add3A_43, %dma_start3A_57] : memref<2560x128xi32, #tpu.memory_space<hbm>> -> memref<40x128xi32, #tpu.memory_space<hbm>>
        %dma_start3A_59 = arith.constant 0 : i32
        %dma_start3A_60 = tpu.memref_slice %arg4[%add3A_43, %dma_start3A_59] : memref<2560x128xi32, #tpu.memory_space<hbm>> -> memref<40x128xi32, #tpu.memory_space<hbm>>
        tpu.enqueue_dma source(%dma_start3A_60 : memref<40x128xi32, #tpu.memory_space<hbm>>) target(%arg8 : memref<40x128xi32, #tpu.memory_space<vmem>>) target_semaphore(%run_scoped3A : memref<!tpu.dma_semaphore, #tpu.memory_space<semaphore_mem>>)
        %dma_wait3A = arith.constant 0 : i32
        %dma_wait3A_61 = tpu.memref_slice %arg4[%add3A_43, %dma_wait3A] : memref<2560x128xi32, #tpu.memory_space<hbm>> -> memref<40x128xi32, #tpu.memory_space<hbm>>
        %dma_wait3A_62 = arith.constant 0 : i32
        %dma_wait3A_63 = tpu.memref_slice %arg4[%add3A_43, %dma_wait3A_62] : memref<2560x128xi32, #tpu.memory_space<hbm>> -> memref<40x128xi32, #tpu.memory_space<hbm>>
        tpu.wait_dma2 semaphore(%run_scoped3A : memref<!tpu.dma_semaphore, #tpu.memory_space<semaphore_mem>>) src(%dma_wait3A_63 : memref<40x128xi32, #tpu.memory_space<hbm>>) dst(%arg8 : memref<40x128xi32, #tpu.memory_space<vmem>>)
        tpu.yield
      }) : () -> ()
      %dma_start3A_44 = arith.constant 0 : i32
      %dma_start3A_45 = arith.constant 0 : i32
      %dma_start3A_46 = tpu.memref_slice %arg7[%dma_start3A_44, %dma_start3A_45] : memref<40x128xi32, #tpu.memory_space<vmem>> -> memref<1x128xi32, #tpu.memory_space<vmem>>
      %dma_start3A_47 = tpu.memref_squeeze %dma_start3A_46 : memref<1x128xi32, #tpu.memory_space<vmem>> -> memref<128xi32, #tpu.memory_space<vmem>>
      %dma_start3A_48 = arith.constant 0 : i32
      %dma_start3A_49 = arith.constant 0 : i32
      %dma_start3A_50 = tpu.memref_slice %arg2[%dma_start3A_48, %dma_start3A_49] : memref<10240x128xf32, #tpu.memory_space<hbm>> -> memref<10240x128xf32, #tpu.memory_space<hbm>>
      tpu.enqueue_indirect_dma source(%dma_start3A_50 : memref<10240x128xf32, #tpu.memory_space<hbm>>) target(%arg9 : memref<128x128xf32, #tpu.memory_space<vmem>>) offsets(%dma_start3A_47 : memref<128xi32, #tpu.memory_space<vmem>>) semaphore(%arg12 : memref<!tpu.dma_semaphore, #tpu.memory_space<semaphore_mem>>)
      %scan3A_51 = arith.constant 0 : i32
      %scan3A_52 = arith.constant 0 : i32
      %scan3A_53 = arith.constant 20 : i32
      %scan3A_54 = arith.addi %scan3A_52, %scan3A_53 : i32
      %scan3A_55 = arith.constant 1 : i32
      scf.for %scan3A_57 = %scan3A_52 to %scan3A_54 step %scan3A_55  : i32 {
        %mul3A_58 = arith.constant 2 : i32
        %mul3A_59 = arith.muli %mul3A_58, %scan3A_57 : i32
        %add3A_60 = arith.constant 1 : i32
        %add3A_61 = arith.addi %mul3A_59, %add3A_60 : i32
        %dma_start3A_62 = arith.constant 0 : i32
        %dma_start3A_63 = tpu.memref_slice %arg7[%add3A_61, %dma_start3A_62] : memref<40x128xi32, #tpu.memory_space<vmem>> -> memref<1x128xi32, #tpu.memory_space<vmem>>
        %dma_start3A_64 = tpu.memref_squeeze %dma_start3A_63 : memref<1x128xi32, #tpu.memory_space<vmem>> -> memref<128xi32, #tpu.memory_space<vmem>>
        %dma_start3A_65 = arith.constant 0 : i32
        %dma_start3A_66 = arith.constant 0 : i32
        %dma_start3A_67 = tpu.memref_slice %arg2[%dma_start3A_65, %dma_start3A_66] : memref<10240x128xf32, #tpu.memory_space<hbm>> -> memref<10240x128xf32, #tpu.memory_space<hbm>>
        tpu.enqueue_indirect_dma source(%dma_start3A_67 : memref<10240x128xf32, #tpu.memory_space<hbm>>) target(%arg10 : memref<128x128xf32, #tpu.memory_space<vmem>>) offsets(%dma_start3A_64 : memref<128xi32, #tpu.memory_space<vmem>>) semaphore(%arg13 : memref<!tpu.dma_semaphore, #tpu.memory_space<semaphore_mem>>)
        %dma_wait3A = arith.constant 0 : i32
        %dma_wait3A_68 = tpu.memref_slice %arg7[%mul3A_59, %dma_wait3A] : memref<40x128xi32, #tpu.memory_space<vmem>> -> memref<1x128xi32, #tpu.memory_space<vmem>>
        %dma_wait3A_69 = tpu.memref_squeeze %dma_wait3A_68 : memref<1x128xi32, #tpu.memory_space<vmem>> -> memref<128xi32, #tpu.memory_space<vmem>>
        %dma_wait3A_70 = arith.constant 0 : i32
        %dma_wait3A_71 = arith.constant 0 : i32
        %dma_wait3A_72 = tpu.memref_slice %arg2[%dma_wait3A_70, %dma_wait3A_71] : memref<10240x128xf32, #tpu.memory_space<hbm>> -> memref<10240x128xf32, #tpu.memory_space<hbm>>
        tpu.wait_indirect_dma semaphore(%arg12 : memref<!tpu.dma_semaphore, #tpu.memory_space<semaphore_mem>>) src(%dma_wait3A_72 : memref<10240x128xf32, #tpu.memory_space<hbm>>) dst(%arg9 : memref<128x128xf32, #tpu.memory_space<vmem>>)
        "tpu.region"() ({
          %run_scoped3A = tpu.sem_alloc : memref<!tpu.dma_semaphore, #tpu.memory_space<semaphore_mem>>
          %dma_start3A_83 = arith.constant 0 : i32
          %dma_start3A_84 = tpu.memref_slice %arg8[%mul3A_59, %dma_start3A_83] : memref<40x128xi32, #tpu.memory_space<vmem>> -> memref<1x128xi32, #tpu.memory_space<vmem>>
          %dma_start3A_85 = tpu.memref_squeeze %dma_start3A_84 : memref<1x128xi32, #tpu.memory_space<vmem>> -> memref<128xi32, #tpu.memory_space<vmem>>
          %dma_start3A_86 = arith.constant 0 : i32
          %dma_start3A_87 = arith.constant 0 : i32
          %dma_start3A_88 = tpu.memref_slice %arg11[%dma_start3A_86, %dma_start3A_87] : memref<10240x128xf32, #tpu.memory_space<vmem_shared>> -> memref<10240x128xf32, #tpu.memory_space<vmem_shared>>
          tpu.enqueue_indirect_dma source(%arg9 : memref<128x128xf32, #tpu.memory_space<vmem>>) target(%dma_start3A_88 : memref<10240x128xf32, #tpu.memory_space<vmem_shared>>) offsets(%dma_start3A_85 : memref<128xi32, #tpu.memory_space<vmem>>) semaphore(%run_scoped3A : memref<!tpu.dma_semaphore, #tpu.memory_space<semaphore_mem>>) {add = true}
          %dma_wait3A_89 = arith.constant 0 : i32
          %dma_wait3A_90 = tpu.memref_slice %arg8[%mul3A_59, %dma_wait3A_89] : memref<40x128xi32, #tpu.memory_space<vmem>> -> memref<1x128xi32, #tpu.memory_space<vmem>>
          %dma_wait3A_91 = tpu.memref_squeeze %dma_wait3A_90 : memref<1x128xi32, #tpu.memory_space<vmem>> -> memref<128xi32, #tpu.memory_space<vmem>>
          %dma_wait3A_92 = arith.constant 0 : i32
          %dma_wait3A_93 = arith.constant 0 : i32
          %dma_wait3A_94 = tpu.memref_slice %arg11[%dma_wait3A_92, %dma_wait3A_93] : memref<10240x128xf32, #tpu.memory_space<vmem_shared>> -> memref<10240x128xf32, #tpu.memory_space<vmem_shared>>
          tpu.wait_indirect_dma semaphore(%run_scoped3A : memref<!tpu.dma_semaphore, #tpu.memory_space<semaphore_mem>>) src(%arg9 : memref<128x128xf32, #tpu.memory_space<vmem>>) dst(%dma_wait3A_94 : memref<10240x128xf32, #tpu.memory_space<vmem_shared>>)
          tpu.yield
        }) : () -> ()
        %lt3A = arith.constant 19 : i32
        %lt3A_73 = arith.cmpi slt, %scan3A_57, %lt3A : i32
        %convert_element_type3A_74 = arith.extui %lt3A_73 : i1 to i32
        %cond3A_75 = arith.constant 0 : i32
        %cond3A_76 = arith.cmpi ne, %convert_element_type3A_74, %cond3A_75 : i32
        scf.if %cond3A_76 {
          %add3A_83 = arith.constant 2 : i32
          %add3A_84 = arith.addi %mul3A_59, %add3A_83 : i32
          %dma_start3A_85 = arith.constant 0 : i32
          %dma_start3A_86 = tpu.memref_slice %arg7[%add3A_84, %dma_start3A_85] : memref<40x128xi32, #tpu.memory_space<vmem>> -> memref<1x128xi32, #tpu.memory_space<vmem>>
          %dma_start3A_87 = tpu.memref_squeeze %dma_start3A_86 : memref<1x128xi32, #tpu.memory_space<vmem>> -> memref<128xi32, #tpu.memory_space<vmem>>
          %dma_start3A_88 = arith.constant 0 : i32
          %dma_start3A_89 = arith.constant 0 : i32
          %dma_start3A_90 = tpu.memref_slice %arg2[%dma_start3A_88, %dma_start3A_89] : memref<10240x128xf32, #tpu.memory_space<hbm>> -> memref<10240x128xf32, #tpu.memory_space<hbm>>
          tpu.enqueue_indirect_dma source(%dma_start3A_90 : memref<10240x128xf32, #tpu.memory_space<hbm>>) target(%arg9 : memref<128x128xf32, #tpu.memory_space<vmem>>) offsets(%dma_start3A_87 : memref<128xi32, #tpu.memory_space<vmem>>) semaphore(%arg12 : memref<!tpu.dma_semaphore, #tpu.memory_space<semaphore_mem>>)
        } else {
        }
        %dma_wait3A_77 = arith.constant 0 : i32
        %dma_wait3A_78 = tpu.memref_slice %arg7[%add3A_61, %dma_wait3A_77] : memref<40x128xi32, #tpu.memory_space<vmem>> -> memref<1x128xi32, #tpu.memory_space<vmem>>
        %dma_wait3A_79 = tpu.memref_squeeze %dma_wait3A_78 : memref<1x128xi32, #tpu.memory_space<vmem>> -> memref<128xi32, #tpu.memory_space<vmem>>
        %dma_wait3A_80 = arith.constant 0 : i32
        %dma_wait3A_81 = arith.constant 0 : i32
        %dma_wait3A_82 = tpu.memref_slice %arg2[%dma_wait3A_80, %dma_wait3A_81] : memref<10240x128xf32, #tpu.memory_space<hbm>> -> memref<10240x128xf32, #tpu.memory_space<hbm>>
        tpu.wait_indirect_dma semaphore(%arg13 : memref<!tpu.dma_semaphore, #tpu.memory_space<semaphore_mem>>) src(%dma_wait3A_82 : memref<10240x128xf32, #tpu.memory_space<hbm>>) dst(%arg10 : memref<128x128xf32, #tpu.memory_space<vmem>>)
        "tpu.region"() ({
          %run_scoped3A = tpu.sem_alloc : memref<!tpu.dma_semaphore, #tpu.memory_space<semaphore_mem>>
          %dma_start3A_83 = arith.constant 0 : i32
          %dma_start3A_84 = tpu.memref_slice %arg8[%add3A_61, %dma_start3A_83] : memref<40x128xi32, #tpu.memory_space<vmem>> -> memref<1x128xi32, #tpu.memory_space<vmem>>
          %dma_start3A_85 = tpu.memref_squeeze %dma_start3A_84 : memref<1x128xi32, #tpu.memory_space<vmem>> -> memref<128xi32, #tpu.memory_space<vmem>>
          %dma_start3A_86 = arith.constant 0 : i32
          %dma_start3A_87 = arith.constant 0 : i32
          %dma_start3A_88 = tpu.memref_slice %arg11[%dma_start3A_86, %dma_start3A_87] : memref<10240x128xf32, #tpu.memory_space<vmem_shared>> -> memref<10240x128xf32, #tpu.memory_space<vmem_shared>>
          tpu.enqueue_indirect_dma source(%arg10 : memref<128x128xf32, #tpu.memory_space<vmem>>) target(%dma_start3A_88 : memref<10240x128xf32, #tpu.memory_space<vmem_shared>>) offsets(%dma_start3A_85 : memref<128xi32, #tpu.memory_space<vmem>>) semaphore(%run_scoped3A : memref<!tpu.dma_semaphore, #tpu.memory_space<semaphore_mem>>) {add = true}
          %dma_wait3A_89 = arith.constant 0 : i32
          %dma_wait3A_90 = tpu.memref_slice %arg8[%add3A_61, %dma_wait3A_89] : memref<40x128xi32, #tpu.memory_space<vmem>> -> memref<1x128xi32, #tpu.memory_space<vmem>>
          %dma_wait3A_91 = tpu.memref_squeeze %dma_wait3A_90 : memref<1x128xi32, #tpu.memory_space<vmem>> -> memref<128xi32, #tpu.memory_space<vmem>>
          %dma_wait3A_92 = arith.constant 0 : i32
          %dma_wait3A_93 = arith.constant 0 : i32
          %dma_wait3A_94 = tpu.memref_slice %arg11[%dma_wait3A_92, %dma_wait3A_93] : memref<10240x128xf32, #tpu.memory_space<vmem_shared>> -> memref<10240x128xf32, #tpu.memory_space<vmem_shared>>
          tpu.wait_indirect_dma semaphore(%run_scoped3A : memref<!tpu.dma_semaphore, #tpu.memory_space<semaphore_mem>>) src(%arg10 : memref<128x128xf32, #tpu.memory_space<vmem>>) dst(%dma_wait3A_94 : memref<10240x128xf32, #tpu.memory_space<vmem_shared>>)
          tpu.yield
        }) : () -> ()
      }
      %scan3A_56 = arith.constant 20 : i32
    } else {
    }
    %eq3A_3 = arith.constant 1 : i32
    %eq3A_4 = arith.cmpi eq, %arg0, %eq3A_3 : i32
    %convert_element_type3A_5 = arith.extui %eq3A_4 : i1 to i32
    %cond3A_6 = arith.constant 0 : i32
    %cond3A_7 = arith.cmpi ne, %convert_element_type3A_5, %cond3A_6 : i32
    scf.if %cond3A_7 {
      %mul3A_13 = arith.constant 40 : i32
      %mul3A_14 = arith.muli %arg1, %mul3A_13 : i32
      %add3A = arith.constant 1920 : i32
      %add3A_15 = arith.addi %add3A, %mul3A_14 : i32
      %add3A_16 = arith.constant 0 : i32
      %add3A_17 = arith.addi %add3A_15, %add3A_16 : i32
      "tpu.region"() ({
        %run_scoped3A = tpu.sem_alloc : memref<!tpu.dma_semaphore, #tpu.memory_space<semaphore_mem>>
        %dma_start3A_29 = arith.constant 0 : i32
        %dma_start3A_30 = tpu.memref_slice %arg3[%add3A_17, %dma_start3A_29] : memref<2560x128xi32, #tpu.memory_space<hbm>> -> memref<40x128xi32, #tpu.memory_space<hbm>>
        %dma_start3A_31 = arith.constant 0 : i32
        %dma_start3A_32 = tpu.memref_slice %arg3[%add3A_17, %dma_start3A_31] : memref<2560x128xi32, #tpu.memory_space<hbm>> -> memref<40x128xi32, #tpu.memory_space<hbm>>
        tpu.enqueue_dma source(%dma_start3A_32 : memref<40x128xi32, #tpu.memory_space<hbm>>) target(%arg7 : memref<40x128xi32, #tpu.memory_space<vmem>>) target_semaphore(%run_scoped3A : memref<!tpu.dma_semaphore, #tpu.memory_space<semaphore_mem>>)
        %dma_wait3A = arith.constant 0 : i32
        %dma_wait3A_33 = tpu.memref_slice %arg3[%add3A_17, %dma_wait3A] : memref<2560x128xi32, #tpu.memory_space<hbm>> -> memref<40x128xi32, #tpu.memory_space<hbm>>
        %dma_wait3A_34 = arith.constant 0 : i32
        %dma_wait3A_35 = tpu.memref_slice %arg3[%add3A_17, %dma_wait3A_34] : memref<2560x128xi32, #tpu.memory_space<hbm>> -> memref<40x128xi32, #tpu.memory_space<hbm>>
        tpu.wait_dma2 semaphore(%run_scoped3A : memref<!tpu.dma_semaphore, #tpu.memory_space<semaphore_mem>>) src(%dma_wait3A_35 : memref<40x128xi32, #tpu.memory_space<hbm>>) dst(%arg7 : memref<40x128xi32, #tpu.memory_space<vmem>>)
        tpu.yield
      }) : () -> ()
      "tpu.region"() ({
        %run_scoped3A = tpu.sem_alloc : memref<!tpu.dma_semaphore, #tpu.memory_space<semaphore_mem>>
        %dma_start3A_29 = arith.constant 0 : i32
        %dma_start3A_30 = tpu.memref_slice %arg4[%add3A_17, %dma_start3A_29] : memref<2560x128xi32, #tpu.memory_space<hbm>> -> memref<40x128xi32, #tpu.memory_space<hbm>>
        %dma_start3A_31 = arith.constant 0 : i32
        %dma_start3A_32 = tpu.memref_slice %arg4[%add3A_17, %dma_start3A_31] : memref<2560x128xi32, #tpu.memory_space<hbm>> -> memref<40x128xi32, #tpu.memory_space<hbm>>
        tpu.enqueue_dma source(%dma_start3A_32 : memref<40x128xi32, #tpu.memory_space<hbm>>) target(%arg8 : memref<40x128xi32, #tpu.memory_space<vmem>>) target_semaphore(%run_scoped3A : memref<!tpu.dma_semaphore, #tpu.memory_space<semaphore_mem>>)
        %dma_wait3A = arith.constant 0 : i32
        %dma_wait3A_33 = tpu.memref_slice %arg4[%add3A_17, %dma_wait3A] : memref<2560x128xi32, #tpu.memory_space<hbm>> -> memref<40x128xi32, #tpu.memory_space<hbm>>
        %dma_wait3A_34 = arith.constant 0 : i32
        %dma_wait3A_35 = tpu.memref_slice %arg4[%add3A_17, %dma_wait3A_34] : memref<2560x128xi32, #tpu.memory_space<hbm>> -> memref<40x128xi32, #tpu.memory_space<hbm>>
        tpu.wait_dma2 semaphore(%run_scoped3A : memref<!tpu.dma_semaphore, #tpu.memory_space<semaphore_mem>>) src(%dma_wait3A_35 : memref<40x128xi32, #tpu.memory_space<hbm>>) dst(%arg8 : memref<40x128xi32, #tpu.memory_space<vmem>>)
        tpu.yield
      }) : () -> ()
      %dma_start3A = arith.constant 0 : i32
      %dma_start3A_18 = arith.constant 0 : i32
      %dma_start3A_19 = tpu.memref_slice %arg7[%dma_start3A, %dma_start3A_18] : memref<40x128xi32, #tpu.memory_space<vmem>> -> memref<1x128xi32, #tpu.memory_space<vmem>>
      %dma_start3A_20 = tpu.memref_squeeze %dma_start3A_19 : memref<1x128xi32, #tpu.memory_space<vmem>> -> memref<128xi32, #tpu.memory_space<vmem>>
      %dma_start3A_21 = arith.constant 0 : i32
      %dma_start3A_22 = arith.constant 0 : i32
      %dma_start3A_23 = tpu.memref_slice %arg2[%dma_start3A_21, %dma_start3A_22] : memref<10240x128xf32, #tpu.memory_space<hbm>> -> memref<10240x128xf32, #tpu.memory_space<hbm>>
      tpu.enqueue_indirect_dma source(%dma_start3A_23 : memref<10240x128xf32, #tpu.memory_space<hbm>>) target(%arg9 : memref<128x128xf32, #tpu.memory_space<vmem>>) offsets(%dma_start3A_20 : memref<128xi32, #tpu.memory_space<vmem>>) semaphore(%arg12 : memref<!tpu.dma_semaphore, #tpu.memory_space<semaphore_mem>>)
      %scan3A = arith.constant 0 : i32
      %scan3A_24 = arith.constant 0 : i32
      %scan3A_25 = arith.constant 20 : i32
      %scan3A_26 = arith.addi %scan3A_24, %scan3A_25 : i32
      %scan3A_27 = arith.constant 1 : i32
      scf.for %scan3A_29 = %scan3A_24 to %scan3A_26 step %scan3A_27  : i32 {
        %mul3A_30 = arith.constant 2 : i32
        %mul3A_31 = arith.muli %mul3A_30, %scan3A_29 : i32
        %add3A_32 = arith.constant 1 : i32
        %add3A_33 = arith.addi %mul3A_31, %add3A_32 : i32
        %dma_start3A_34 = arith.constant 0 : i32
        %dma_start3A_35 = tpu.memref_slice %arg7[%add3A_33, %dma_start3A_34] : memref<40x128xi32, #tpu.memory_space<vmem>> -> memref<1x128xi32, #tpu.memory_space<vmem>>
        %dma_start3A_36 = tpu.memref_squeeze %dma_start3A_35 : memref<1x128xi32, #tpu.memory_space<vmem>> -> memref<128xi32, #tpu.memory_space<vmem>>
        %dma_start3A_37 = arith.constant 0 : i32
        %dma_start3A_38 = arith.constant 0 : i32
        %dma_start3A_39 = tpu.memref_slice %arg2[%dma_start3A_37, %dma_start3A_38] : memref<10240x128xf32, #tpu.memory_space<hbm>> -> memref<10240x128xf32, #tpu.memory_space<hbm>>
        tpu.enqueue_indirect_dma source(%dma_start3A_39 : memref<10240x128xf32, #tpu.memory_space<hbm>>) target(%arg10 : memref<128x128xf32, #tpu.memory_space<vmem>>) offsets(%dma_start3A_36 : memref<128xi32, #tpu.memory_space<vmem>>) semaphore(%arg13 : memref<!tpu.dma_semaphore, #tpu.memory_space<semaphore_mem>>)
        %dma_wait3A = arith.constant 0 : i32
        %dma_wait3A_40 = tpu.memref_slice %arg7[%mul3A_31, %dma_wait3A] : memref<40x128xi32, #tpu.memory_space<vmem>> -> memref<1x128xi32, #tpu.memory_space<vmem>>
        %dma_wait3A_41 = tpu.memref_squeeze %dma_wait3A_40 : memref<1x128xi32, #tpu.memory_space<vmem>> -> memref<128xi32, #tpu.memory_space<vmem>>
        %dma_wait3A_42 = arith.constant 0 : i32
        %dma_wait3A_43 = arith.constant 0 : i32
        %dma_wait3A_44 = tpu.memref_slice %arg2[%dma_wait3A_42, %dma_wait3A_43] : memref<10240x128xf32, #tpu.memory_space<hbm>> -> memref<10240x128xf32, #tpu.memory_space<hbm>>
        tpu.wait_indirect_dma semaphore(%arg12 : memref<!tpu.dma_semaphore, #tpu.memory_space<semaphore_mem>>) src(%dma_wait3A_44 : memref<10240x128xf32, #tpu.memory_space<hbm>>) dst(%arg9 : memref<128x128xf32, #tpu.memory_space<vmem>>)
        "tpu.region"() ({
          %run_scoped3A = tpu.sem_alloc : memref<!tpu.dma_semaphore, #tpu.memory_space<semaphore_mem>>
          %dma_start3A_55 = arith.constant 0 : i32
          %dma_start3A_56 = tpu.memref_slice %arg8[%mul3A_31, %dma_start3A_55] : memref<40x128xi32, #tpu.memory_space<vmem>> -> memref<1x128xi32, #tpu.memory_space<vmem>>
          %dma_start3A_57 = tpu.memref_squeeze %dma_start3A_56 : memref<1x128xi32, #tpu.memory_space<vmem>> -> memref<128xi32, #tpu.memory_space<vmem>>
          %dma_start3A_58 = arith.constant 0 : i32
          %dma_start3A_59 = arith.constant 0 : i32
          %dma_start3A_60 = tpu.memref_slice %arg11[%dma_start3A_58, %dma_start3A_59] : memref<10240x128xf32, #tpu.memory_space<vmem_shared>> -> memref<10240x128xf32, #tpu.memory_space<vmem_shared>>
          tpu.enqueue_indirect_dma source(%arg9 : memref<128x128xf32, #tpu.memory_space<vmem>>) target(%dma_start3A_60 : memref<10240x128xf32, #tpu.memory_space<vmem_shared>>) offsets(%dma_start3A_57 : memref<128xi32, #tpu.memory_space<vmem>>) semaphore(%run_scoped3A : memref<!tpu.dma_semaphore, #tpu.memory_space<semaphore_mem>>) {add = true}
          %dma_wait3A_61 = arith.constant 0 : i32
          %dma_wait3A_62 = tpu.memref_slice %arg8[%mul3A_31, %dma_wait3A_61] : memref<40x128xi32, #tpu.memory_space<vmem>> -> memref<1x128xi32, #tpu.memory_space<vmem>>
          %dma_wait3A_63 = tpu.memref_squeeze %dma_wait3A_62 : memref<1x128xi32, #tpu.memory_space<vmem>> -> memref<128xi32, #tpu.memory_space<vmem>>
          %dma_wait3A_64 = arith.constant 0 : i32
          %dma_wait3A_65 = arith.constant 0 : i32
          %dma_wait3A_66 = tpu.memref_slice %arg11[%dma_wait3A_64, %dma_wait3A_65] : memref<10240x128xf32, #tpu.memory_space<vmem_shared>> -> memref<10240x128xf32, #tpu.memory_space<vmem_shared>>
          tpu.wait_indirect_dma semaphore(%run_scoped3A : memref<!tpu.dma_semaphore, #tpu.memory_space<semaphore_mem>>) src(%arg9 : memref<128x128xf32, #tpu.memory_space<vmem>>) dst(%dma_wait3A_66 : memref<10240x128xf32, #tpu.memory_space<vmem_shared>>)
          tpu.yield
        }) : () -> ()
        %lt3A = arith.constant 19 : i32
        %lt3A_45 = arith.cmpi slt, %scan3A_29, %lt3A : i32
        %convert_element_type3A_46 = arith.extui %lt3A_45 : i1 to i32
        %cond3A_47 = arith.constant 0 : i32
        %cond3A_48 = arith.cmpi ne, %convert_element_type3A_46, %cond3A_47 : i32
        scf.if %cond3A_48 {
          %add3A_55 = arith.constant 2 : i32
          %add3A_56 = arith.addi %mul3A_31, %add3A_55 : i32
          %dma_start3A_57 = arith.constant 0 : i32
          %dma_start3A_58 = tpu.memref_slice %arg7[%add3A_56, %dma_start3A_57] : memref<40x128xi32, #tpu.memory_space<vmem>> -> memref<1x128xi32, #tpu.memory_space<vmem>>
          %dma_start3A_59 = tpu.memref_squeeze %dma_start3A_58 : memref<1x128xi32, #tpu.memory_space<vmem>> -> memref<128xi32, #tpu.memory_space<vmem>>
          %dma_start3A_60 = arith.constant 0 : i32
          %dma_start3A_61 = arith.constant 0 : i32
          %dma_start3A_62 = tpu.memref_slice %arg2[%dma_start3A_60, %dma_start3A_61] : memref<10240x128xf32, #tpu.memory_space<hbm>> -> memref<10240x128xf32, #tpu.memory_space<hbm>>
          tpu.enqueue_indirect_dma source(%dma_start3A_62 : memref<10240x128xf32, #tpu.memory_space<hbm>>) target(%arg9 : memref<128x128xf32, #tpu.memory_space<vmem>>) offsets(%dma_start3A_59 : memref<128xi32, #tpu.memory_space<vmem>>) semaphore(%arg12 : memref<!tpu.dma_semaphore, #tpu.memory_space<semaphore_mem>>)
        } else {
        }
        %dma_wait3A_49 = arith.constant 0 : i32
        %dma_wait3A_50 = tpu.memref_slice %arg7[%add3A_33, %dma_wait3A_49] : memref<40x128xi32, #tpu.memory_space<vmem>> -> memref<1x128xi32, #tpu.memory_space<vmem>>
        %dma_wait3A_51 = tpu.memref_squeeze %dma_wait3A_50 : memref<1x128xi32, #tpu.memory_space<vmem>> -> memref<128xi32, #tpu.memory_space<vmem>>
        %dma_wait3A_52 = arith.constant 0 : i32
        %dma_wait3A_53 = arith.constant 0 : i32
        %dma_wait3A_54 = tpu.memref_slice %arg2[%dma_wait3A_52, %dma_wait3A_53] : memref<10240x128xf32, #tpu.memory_space<hbm>> -> memref<10240x128xf32, #tpu.memory_space<hbm>>
        tpu.wait_indirect_dma semaphore(%arg13 : memref<!tpu.dma_semaphore, #tpu.memory_space<semaphore_mem>>) src(%dma_wait3A_54 : memref<10240x128xf32, #tpu.memory_space<hbm>>) dst(%arg10 : memref<128x128xf32, #tpu.memory_space<vmem>>)
        "tpu.region"() ({
          %run_scoped3A = tpu.sem_alloc : memref<!tpu.dma_semaphore, #tpu.memory_space<semaphore_mem>>
          %dma_start3A_55 = arith.constant 0 : i32
          %dma_start3A_56 = tpu.memref_slice %arg8[%add3A_33, %dma_start3A_55] : memref<40x128xi32, #tpu.memory_space<vmem>> -> memref<1x128xi32, #tpu.memory_space<vmem>>
          %dma_start3A_57 = tpu.memref_squeeze %dma_start3A_56 : memref<1x128xi32, #tpu.memory_space<vmem>> -> memref<128xi32, #tpu.memory_space<vmem>>
          %dma_start3A_58 = arith.constant 0 : i32
          %dma_start3A_59 = arith.constant 0 : i32
          %dma_start3A_60 = tpu.memref_slice %arg11[%dma_start3A_58, %dma_start3A_59] : memref<10240x128xf32, #tpu.memory_space<vmem_shared>> -> memref<10240x128xf32, #tpu.memory_space<vmem_shared>>
          tpu.enqueue_indirect_dma source(%arg10 : memref<128x128xf32, #tpu.memory_space<vmem>>) target(%dma_start3A_60 : memref<10240x128xf32, #tpu.memory_space<vmem_shared>>) offsets(%dma_start3A_57 : memref<128xi32, #tpu.memory_space<vmem>>) semaphore(%run_scoped3A : memref<!tpu.dma_semaphore, #tpu.memory_space<semaphore_mem>>) {add = true}
          %dma_wait3A_61 = arith.constant 0 : i32
          %dma_wait3A_62 = tpu.memref_slice %arg8[%add3A_33, %dma_wait3A_61] : memref<40x128xi32, #tpu.memory_space<vmem>> -> memref<1x128xi32, #tpu.memory_space<vmem>>
          %dma_wait3A_63 = tpu.memref_squeeze %dma_wait3A_62 : memref<1x128xi32, #tpu.memory_space<vmem>> -> memref<128xi32, #tpu.memory_space<vmem>>
          %dma_wait3A_64 = arith.constant 0 : i32
          %dma_wait3A_65 = arith.constant 0 : i32
          %dma_wait3A_66 = tpu.memref_slice %arg11[%dma_wait3A_64, %dma_wait3A_65] : memref<10240x128xf32, #tpu.memory_space<vmem_shared>> -> memref<10240x128xf32, #tpu.memory_space<vmem_shared>>
          tpu.wait_indirect_dma semaphore(%run_scoped3A : memref<!tpu.dma_semaphore, #tpu.memory_space<semaphore_mem>>) src(%arg10 : memref<128x128xf32, #tpu.memory_space<vmem>>) dst(%dma_wait3A_66 : memref<10240x128xf32, #tpu.memory_space<vmem_shared>>)
          tpu.yield
        }) : () -> ()
      }
      %scan3A_28 = arith.constant 20 : i32
    } else {
    }
    %barrier3A_8 = arith.constant 0 : index
    tpu.barrier barrier_id(%barrier3A_8)
    %mul3A_9 = arith.constant 640 : i32
    %mul3A_10 = arith.muli %arg1, %mul3A_9 : i32
    %mul3A_11 = arith.constant 640 : i32
    %mul3A_12 = arith.muli %arg1, %mul3A_11 : i32
    "tpu.region"() ({
      %run_scoped3A = tpu.sem_alloc : memref<!tpu.dma_semaphore, #tpu.memory_space<semaphore_mem>>
      %dma_start3A = arith.constant 0 : i32
      %dma_start3A_13 = tpu.memref_slice %arg6[%arg0, %mul3A_12, %dma_start3A] : memref<2x10240x128xf32, #tpu.memory_space<hbm>> -> memref<1x640x128xf32, #tpu.memory_space<hbm>>
      %dma_start3A_14 = tpu.memref_squeeze %dma_start3A_13 : memref<1x640x128xf32, #tpu.memory_space<hbm>> -> memref<640x128xf32, #tpu.memory_space<hbm>>
      %dma_start3A_15 = arith.constant 0 : i32
      %dma_start3A_16 = tpu.memref_slice %arg11[%mul3A_10, %dma_start3A_15] : memref<10240x128xf32, #tpu.memory_space<vmem_shared>> -> memref<640x128xf32, #tpu.memory_space<vmem_shared>>
      tpu.enqueue_dma source(%dma_start3A_16 : memref<640x128xf32, #tpu.memory_space<vmem_shared>>) target(%dma_start3A_14 : memref<640x128xf32, #tpu.memory_space<hbm>>) target_semaphore(%run_scoped3A : memref<!tpu.dma_semaphore, #tpu.memory_space<semaphore_mem>>)
      %dma_wait3A = arith.constant 0 : i32
      %dma_wait3A_17 = tpu.memref_slice %arg6[%arg0, %mul3A_12, %dma_wait3A] : memref<2x10240x128xf32, #tpu.memory_space<hbm>> -> memref<1x640x128xf32, #tpu.memory_space<hbm>>
      %dma_wait3A_18 = tpu.memref_squeeze %dma_wait3A_17 : memref<1x640x128xf32, #tpu.memory_space<hbm>> -> memref<640x128xf32, #tpu.memory_space<hbm>>
      %dma_wait3A_19 = arith.constant 0 : i32
      %dma_wait3A_20 = tpu.memref_slice %arg11[%mul3A_10, %dma_wait3A_19] : memref<10240x128xf32, #tpu.memory_space<vmem_shared>> -> memref<640x128xf32, #tpu.memory_space<vmem_shared>>
      tpu.wait_dma2 semaphore(%run_scoped3A : memref<!tpu.dma_semaphore, #tpu.memory_space<semaphore_mem>>) src(%dma_wait3A_20 : memref<640x128xf32, #tpu.memory_space<vmem_shared>>) dst(%dma_wait3A_18 : memref<640x128xf32, #tpu.memory_space<hbm>>)
      tpu.yield
    }) : () -> ()
    return
  }
}

module attributes {stable_mosaic.version = 14 : i64} {
  func.func @_k1_body(%arg0: i32, %arg1: memref<2x1024xf32, #tpu.memory_space<vmem>>, %arg2: memref<1024x128xf32, #tpu.memory_space<vmem>>, %arg3: memref<128x128xf32, #tpu.memory_space<vmem>>, %arg4: memref<1024x128xf32, #tpu.memory_space<vmem>>) attributes {dimension_semantics = [#tpu.dimension_semantics<arbitrary>], iteration_bounds = array<i64: 10>, scalar_prefetch = 0 : i64, scratch_operands = 0 : i64, tpu.core_type = #tpu.core_type<tc>, window_params = [{transform_indices = @transform_0, window_bounds = array<i64: 2, 1024>}, {transform_indices = @transform_1, window_bounds = array<i64: 1024, 128>}, {pipeline_mode = #tpu.pipeline_mode<synchronous>, transform_indices = @transform_2, window_bounds = array<i64: 128, 128>}, {transform_indices = @transform_3, window_bounds = array<i64: 1024, 128>}]} {
    %get3A = arith.constant 0 : index
    %get3A_0 = arith.constant 0 : index
    %get3A_1 = vector.load %arg1[%get3A, %get3A_0] : memref<2x1024xf32, #tpu.memory_space<vmem>>, vector<1x1024xf32>
    %get3A_2 = vector.shape_cast %get3A_1 : vector<1x1024xf32> to vector<1024xf32>
    %get3A_3 = arith.constant 1 : index
    %get3A_4 = arith.constant 0 : index
    %get3A_5 = vector.load %arg1[%get3A_3, %get3A_4] : memref<2x1024xf32, #tpu.memory_space<vmem>>, vector<1x1024xf32>
    %get3A_6 = vector.shape_cast %get3A_5 : vector<1x1024xf32> to vector<1024xf32>
    %add3A = arith.addf %get3A_2, %get3A_6 : vector<1024xf32>
    %add3A_7 = arith.constant 1.000000e+00 : f32
    %add3A_8 = vector.broadcast %add3A_7 : f32 to vector<1024xf32>
    %add3A_9 = arith.addf %add3A, %add3A_8 : vector<1024xf32>
    %rsqrt3A = math.rsqrt %add3A_9 : vector<1024xf32>
    %get3A_10 = arith.constant 0 : index
    %get3A_11 = arith.constant 0 : index
    %get3A_12 = vector.load %arg2[%get3A_10, %get3A_11] : memref<1024x128xf32, #tpu.memory_space<vmem>>, vector<1024x128xf32>
    %get3A_13 = arith.constant 0 : index
    %get3A_14 = arith.constant 0 : index
    %get3A_15 = vector.load %arg3[%get3A_13, %get3A_14] : memref<128x128xf32, #tpu.memory_space<vmem>>, vector<128x128xf32>
    %dot_general3A = arith.constant dense<0.000000e+00> : vector<1024x128xf32>
    %dot_general3A_16 = tpu.matmul %get3A_12, %get3A_15, %dot_general3A {dimension_numbers = #tpu.dot_dimension_numbers<[1], [0], [0], [1], [0, 0, 1, 1], [], []>, transpose_lhs_hint = false} : vector<1024x128xf32>, vector<128x128xf32>, vector<1024x128xf32> -> vector<1024x128xf32>
    %broadcast_in_dim3A = vector.shape_cast %rsqrt3A : vector<1024xf32> to vector<1024x1xf32>
    %mul3A = vector.broadcast %broadcast_in_dim3A : vector<1024x1xf32> to vector<1024x128xf32>
    %mul3A_17 = arith.mulf %dot_general3A_16, %mul3A : vector<1024x128xf32>
    %swap3A = arith.constant 0 : index
    %swap3A_18 = arith.constant 0 : index
    %swap3A_19 = vector.load %arg4[%swap3A, %swap3A_18] : memref<1024x128xf32, #tpu.memory_space<vmem>>, vector<1024x128xf32>
    tpu.vector_store %arg4[%swap3A, %swap3A_18], %mul3A_17 {strides = array<i32>} : memref<1024x128xf32, #tpu.memory_space<vmem>>, vector<1024x128xf32>,
    return
  }
  func.func @transform_0(%arg0: i32) -> (i32, i32) {
    %c0_i32 = arith.constant 0 : i32
    %c0_i32_0 = arith.constant 0 : i32
    return %c0_i32, %arg0 : i32, i32
  }
  func.func @transform_1(%arg0: i32) -> (i32, i32) {
    %c0_i32 = arith.constant 0 : i32
    %c0_i32_0 = arith.constant 0 : i32
    return %arg0, %c0_i32 : i32, i32
  }
  func.func @transform_2(%arg0: i32) -> (i32, i32) {
    %c0_i32 = arith.constant 0 : i32
    %c0_i32_0 = arith.constant 0 : i32
    %c0_i32_1 = arith.constant 0 : i32
    return %c0_i32, %c0_i32_0 : i32, i32
  }
  func.func @transform_3(%arg0: i32) -> (i32, i32) {
    %c0_i32 = arith.constant 0 : i32
    %c0_i32_0 = arith.constant 0 : i32
    return %arg0, %c0_i32 : i32, i32
  }
}

module attributes {stable_mosaic.version = 14 : i64} {
  func.func @_k2_body(%arg0: i32, %arg1: memref<2x1024xf32, #tpu.memory_space<vmem>>, %arg2: memref<2x1024x128xf32, #tpu.memory_space<vmem>>, %arg3: memref<1024x128xf32, #tpu.memory_space<vmem>>, %arg4: memref<1x128xf32, #tpu.memory_space<vmem>>, %arg5: memref<1024x128xf32, #tpu.memory_space<vmem>>) attributes {dimension_semantics = [#tpu.dimension_semantics<arbitrary>], iteration_bounds = array<i64: 10>, scalar_prefetch = 0 : i64, scratch_operands = 0 : i64, tpu.core_type = #tpu.core_type<tc>, window_params = [{transform_indices = @transform_0, window_bounds = array<i64: 2, 1024>}, {transform_indices = @transform_1, window_bounds = array<i64: 2, 1024, 128>}, {transform_indices = @transform_2, window_bounds = array<i64: 1024, 128>}, {pipeline_mode = #tpu.pipeline_mode<synchronous>, transform_indices = @transform_3, window_bounds = array<i64: 1, 128>}, {transform_indices = @transform_4, window_bounds = array<i64: 1024, 128>}]} {
    %get3A = arith.constant 0 : index
    %get3A_0 = arith.constant 0 : index
    %get3A_1 = vector.load %arg1[%get3A, %get3A_0] : memref<2x1024xf32, #tpu.memory_space<vmem>>, vector<1x1024xf32>
    %get3A_2 = vector.shape_cast %get3A_1 : vector<1x1024xf32> to vector<1024xf32>
    %get3A_3 = arith.constant 1 : index
    %get3A_4 = arith.constant 0 : index
    %get3A_5 = vector.load %arg1[%get3A_3, %get3A_4] : memref<2x1024xf32, #tpu.memory_space<vmem>>, vector<1x1024xf32>
    %get3A_6 = vector.shape_cast %get3A_5 : vector<1x1024xf32> to vector<1024xf32>
    %add3A = arith.addf %get3A_2, %get3A_6 : vector<1024xf32>
    %add3A_7 = arith.constant 1.000000e+00 : f32
    %add3A_8 = vector.broadcast %add3A_7 : f32 to vector<1024xf32>
    %add3A_9 = arith.addf %add3A, %add3A_8 : vector<1024xf32>
    %rsqrt3A = math.rsqrt %add3A_9 : vector<1024xf32>
    %broadcast_in_dim3A = vector.shape_cast %rsqrt3A : vector<1024xf32> to vector<1024x1xf32>
    %get3A_10 = arith.constant 0 : index
    %get3A_11 = arith.constant 0 : index
    %get3A_12 = arith.constant 0 : index
    %get3A_13 = vector.load %arg2[%get3A_10, %get3A_11, %get3A_12] : memref<2x1024x128xf32, #tpu.memory_space<vmem>>, vector<1x1024x128xf32>
    %get3A_14 = vector.shape_cast %get3A_13 : vector<1x1024x128xf32> to vector<1024x128xf32>
    %get3A_15 = arith.constant 1 : index
    %get3A_16 = arith.constant 0 : index
    %get3A_17 = arith.constant 0 : index
    %get3A_18 = vector.load %arg2[%get3A_15, %get3A_16, %get3A_17] : memref<2x1024x128xf32, #tpu.memory_space<vmem>>, vector<1x1024x128xf32>
    %get3A_19 = vector.shape_cast %get3A_18 : vector<1x1024x128xf32> to vector<1024x128xf32>
    %add3A_20 = arith.addf %get3A_14, %get3A_19 : vector<1024x128xf32>
    %get3A_21 = arith.constant 0 : index
    %get3A_22 = arith.constant 0 : index
    %get3A_23 = vector.load %arg3[%get3A_21, %get3A_22] : memref<1024x128xf32, #tpu.memory_space<vmem>>, vector<1024x128xf32>
    %add3A_24 = arith.addf %add3A_20, %get3A_23 : vector<1024x128xf32>
    %mul3A = vector.broadcast %broadcast_in_dim3A : vector<1024x1xf32> to vector<1024x128xf32>
    %mul3A_25 = arith.mulf %add3A_24, %mul3A : vector<1024x128xf32>
    %get3A_26 = arith.constant 0 : index
    %get3A_27 = arith.constant 0 : index
    %get3A_28 = vector.load %arg4[%get3A_26, %get3A_27] : memref<1x128xf32, #tpu.memory_space<vmem>>, vector<1x128xf32>
    %add3A_29 = vector.broadcast %get3A_28 : vector<1x128xf32> to vector<1024x128xf32>
    %add3A_30 = arith.addf %mul3A_25, %add3A_29 : vector<1024x128xf32>
    %max3A = arith.constant 0.000000e+00 : f32
    %max3A_31 = vector.broadcast %max3A : f32 to vector<1024x128xf32>
    %max3A_32 = arith.maximumf %add3A_30, %max3A_31 : vector<1024x128xf32>
    %mul3A_33 = vector.broadcast %broadcast_in_dim3A : vector<1024x1xf32> to vector<1024x128xf32>
    %mul3A_34 = arith.mulf %max3A_32, %mul3A_33 : vector<1024x128xf32>
    %swap3A = arith.constant 0 : index
    %swap3A_35 = arith.constant 0 : index
    %swap3A_36 = vector.load %arg5[%swap3A, %swap3A_35] : memref<1024x128xf32, #tpu.memory_space<vmem>>, vector<1024x128xf32>
    tpu.vector_store %arg5[%swap3A, %swap3A_35], %mul3A_34 {strides = array<i32>} : memref<1024x128xf32, #tpu.memory_space<vmem>>, vector<1024x128xf32>,
    return
  }
  func.func @transform_0(%arg0: i32) -> (i32, i32) {
    %c0_i32 = arith.constant 0 : i32
    %c0_i32_0 = arith.constant 0 : i32
    return %c0_i32, %arg0 : i32, i32
  }
  func.func @transform_1(%arg0: i32) -> (i32, i32, i32) {
    %c0_i32 = arith.constant 0 : i32
    %c0_i32_0 = arith.constant 0 : i32
    %c0_i32_1 = arith.constant 0 : i32
    return %c0_i32, %arg0, %c0_i32_0 : i32, i32, i32
  }
  func.func @transform_2(%arg0: i32) -> (i32, i32) {
    %c0_i32 = arith.constant 0 : i32
    %c0_i32_0 = arith.constant 0 : i32
    return %arg0, %c0_i32 : i32, i32
  }
  func.func @transform_3(%arg0: i32) -> (i32, i32) {
    %c0_i32 = arith.constant 0 : i32
    %c0_i32_0 = arith.constant 0 : i32
    %c0_i32_1 = arith.constant 0 : i32
    return %c0_i32, %c0_i32_0 : i32, i32
  }
  func.func @transform_4(%arg0: i32) -> (i32, i32) {
    %c0_i32 = arith.constant 0 : i32
    %c0_i32_0 = arith.constant 0 : i32
    return %arg0, %c0_i32 : i32, i32
  }
}

module attributes {stable_mosaic.version = 14 : i64} {
  func.func @_k3_body(%arg0: i32, %arg1: memref<2x1024xf32, #tpu.memory_space<vmem>>, %arg2: memref<2x1024x128xf32, #tpu.memory_space<vmem>>, %arg3: memref<1024x128xf32, #tpu.memory_space<vmem>>, %arg4: memref<1x64xf32, #tpu.memory_space<vmem>>, %arg5: memref<128x64xf32, #tpu.memory_space<vmem>>, %arg6: memref<3x64xf32, #tpu.memory_space<vmem>>, %arg7: memref<3x1xf32, #tpu.memory_space<vmem>>, %arg8: memref<3x1024xf32, #tpu.memory_space<vmem>>) attributes {dimension_semantics = [#tpu.dimension_semantics<arbitrary>], iteration_bounds = array<i64: 10>, scalar_prefetch = 0 : i64, scratch_operands = 0 : i64, tpu.core_type = #tpu.core_type<tc>, window_params = [{transform_indices = @transform_0, window_bounds = array<i64: 2, 1024>}, {transform_indices = @transform_1, window_bounds = array<i64: 2, 1024, 128>}, {transform_indices = @transform_2, window_bounds = array<i64: 1024, 128>}, {pipeline_mode = #tpu.pipeline_mode<synchronous>, transform_indices = @transform_3, window_bounds = array<i64: 1, 64>}, {pipeline_mode = #tpu.pipeline_mode<synchronous>, transform_indices = @transform_4, window_bounds = array<i64: 128, 64>}, {pipeline_mode = #tpu.pipeline_mode<synchronous>, transform_indices = @transform_5, window_bounds = array<i64: 3, 64>}, {pipeline_mode = #tpu.pipeline_mode<synchronous>, transform_indices = @transform_6, window_bounds = array<i64: 3, 1>}, {transform_indices = @transform_7, window_bounds = array<i64: 3, 1024>}]} {
    %get3A = arith.constant 0 : index
    %get3A_0 = arith.constant 0 : index
    %get3A_1 = vector.load %arg1[%get3A, %get3A_0] : memref<2x1024xf32, #tpu.memory_space<vmem>>, vector<1x1024xf32>
    %get3A_2 = vector.shape_cast %get3A_1 : vector<1x1024xf32> to vector<1024xf32>
    %get3A_3 = arith.constant 1 : index
    %get3A_4 = arith.constant 0 : index
    %get3A_5 = vector.load %arg1[%get3A_3, %get3A_4] : memref<2x1024xf32, #tpu.memory_space<vmem>>, vector<1x1024xf32>
    %get3A_6 = vector.shape_cast %get3A_5 : vector<1x1024xf32> to vector<1024xf32>
    %add3A = arith.addf %get3A_2, %get3A_6 : vector<1024xf32>
    %add3A_7 = arith.constant 1.000000e+00 : f32
    %add3A_8 = vector.broadcast %add3A_7 : f32 to vector<1024xf32>
    %add3A_9 = arith.addf %add3A, %add3A_8 : vector<1024xf32>
    %rsqrt3A = math.rsqrt %add3A_9 : vector<1024xf32>
    %broadcast_in_dim3A = vector.shape_cast %rsqrt3A : vector<1024xf32> to vector<1024x1xf32>
    %get3A_10 = arith.constant 0 : index
    %get3A_11 = arith.constant 0 : index
    %get3A_12 = arith.constant 0 : index
    %get3A_13 = vector.load %arg2[%get3A_10, %get3A_11, %get3A_12] : memref<2x1024x128xf32, #tpu.memory_space<vmem>>, vector<1x1024x128xf32>
    %get3A_14 = vector.shape_cast %get3A_13 : vector<1x1024x128xf32> to vector<1024x128xf32>
    %get3A_15 = arith.constant 1 : index
    %get3A_16 = arith.constant 0 : index
    %get3A_17 = arith.constant 0 : index
    %get3A_18 = vector.load %arg2[%get3A_15, %get3A_16, %get3A_17] : memref<2x1024x128xf32, #tpu.memory_space<vmem>>, vector<1x1024x128xf32>
    %get3A_19 = vector.shape_cast %get3A_18 : vector<1x1024x128xf32> to vector<1024x128xf32>
    %add3A_20 = arith.addf %get3A_14, %get3A_19 : vector<1024x128xf32>
    %get3A_21 = arith.constant 0 : index
    %get3A_22 = arith.constant 0 : index
    %get3A_23 = vector.load %arg3[%get3A_21, %get3A_22] : memref<1024x128xf32, #tpu.memory_space<vmem>>, vector<1024x128xf32>
    %add3A_24 = arith.addf %add3A_20, %get3A_23 : vector<1024x128xf32>
    %get3A_25 = arith.constant 0 : index
    %get3A_26 = arith.constant 0 : index
    %get3A_27 = vector.load %arg5[%get3A_25, %get3A_26] : memref<128x64xf32, #tpu.memory_space<vmem>>, vector<128x64xf32>
    %dot_general3A = arith.constant dense<0.000000e+00> : vector<1024x64xf32>
    %dot_general3A_28 = tpu.matmul %add3A_24, %get3A_27, %dot_general3A {dimension_numbers = #tpu.dot_dimension_numbers<[1], [0], [0], [1], [0, 0, 1, 1], [], []>, transpose_lhs_hint = false} : vector<1024x128xf32>, vector<128x64xf32>, vector<1024x64xf32> -> vector<1024x64xf32>
    %mul3A = vector.broadcast %broadcast_in_dim3A : vector<1024x1xf32> to vector<1024x64xf32>
    %mul3A_29 = arith.mulf %dot_general3A_28, %mul3A : vector<1024x64xf32>
    %get3A_30 = arith.constant 0 : index
    %get3A_31 = arith.constant 0 : index
    %get3A_32 = vector.load %arg4[%get3A_30, %get3A_31] : memref<1x64xf32, #tpu.memory_space<vmem>>, vector<1x64xf32>
    %add3A_33 = vector.broadcast %get3A_32 : vector<1x64xf32> to vector<1024x64xf32>
    %add3A_34 = arith.addf %mul3A_29, %add3A_33 : vector<1024x64xf32>
    %get3A_35 = arith.constant 0 : index
    %get3A_36 = arith.constant 0 : index
    %get3A_37 = vector.load %arg6[%get3A_35, %get3A_36] : memref<3x64xf32, #tpu.memory_space<vmem>>, vector<3x64xf32>
    %dot_general3A_38 = arith.constant dense<0.000000e+00> : vector<3x1024xf32>
    %dot_general3A_39 = tpu.matmul %get3A_37, %add3A_34, %dot_general3A_38 {dimension_numbers = #tpu.dot_dimension_numbers<[1], [1], [0], [0], [0, 0, 1, 0], [], []>, transpose_lhs_hint = false} : vector<3x64xf32>, vector<1024x64xf32>, vector<3x1024xf32> -> vector<3x1024xf32>
    %get3A_40 = arith.constant 0 : index
    %get3A_41 = arith.constant 0 : index
    %get3A_42 = vector.load %arg7[%get3A_40, %get3A_41] : memref<3x1xf32, #tpu.memory_space<vmem>>, vector<3x1xf32>
    %add3A_43 = vector.broadcast %get3A_42 : vector<3x1xf32> to vector<3x1024xf32>
    %add3A_44 = arith.addf %dot_general3A_39, %add3A_43 : vector<3x1024xf32>
    %swap3A = arith.constant 0 : index
    %swap3A_45 = arith.constant 0 : index
    %swap3A_46 = vector.load %arg8[%swap3A, %swap3A_45] : memref<3x1024xf32, #tpu.memory_space<vmem>>, vector<3x1024xf32>
    tpu.vector_store %arg8[%swap3A, %swap3A_45], %add3A_44 {strides = array<i32>} : memref<3x1024xf32, #tpu.memory_space<vmem>>, vector<3x1024xf32>,
    return
  }
  func.func @transform_0(%arg0: i32) -> (i32, i32) {
    %c0_i32 = arith.constant 0 : i32
    %c0_i32_0 = arith.constant 0 : i32
    return %c0_i32, %arg0 : i32, i32
  }
  func.func @transform_1(%arg0: i32) -> (i32, i32, i32) {
    %c0_i32 = arith.constant 0 : i32
    %c0_i32_0 = arith.constant 0 : i32
    %c0_i32_1 = arith.constant 0 : i32
    return %c0_i32, %arg0, %c0_i32_0 : i32, i32, i32
  }
  func.func @transform_2(%arg0: i32) -> (i32, i32) {
    %c0_i32 = arith.constant 0 : i32
    %c0_i32_0 = arith.constant 0 : i32
    return %arg0, %c0_i32 : i32, i32
  }
  func.func @transform_3(%arg0: i32) -> (i32, i32) {
    %c0_i32 = arith.constant 0 : i32
    %c0_i32_0 = arith.constant 0 : i32
    %c0_i32_1 = arith.constant 0 : i32
    return %c0_i32, %c0_i32_0 : i32, i32
  }
  func.func @transform_4(%arg0: i32) -> (i32, i32) {
    %c0_i32 = arith.constant 0 : i32
    %c0_i32_0 = arith.constant 0 : i32
    %c0_i32_1 = arith.constant 0 : i32
    return %c0_i32, %c0_i32_0 : i32, i32
  }
  func.func @transform_5(%arg0: i32) -> (i32, i32) {
    %c0_i32 = arith.constant 0 : i32
    %c0_i32_0 = arith.constant 0 : i32
    %c0_i32_1 = arith.constant 0 : i32
    return %c0_i32, %c0_i32_0 : i32, i32
  }
  func.func @transform_6(%arg0: i32) -> (i32, i32) {
    %c0_i32 = arith.constant 0 : i32
    %c0_i32_0 = arith.constant 0 : i32
    %c0_i32_1 = arith.constant 0 : i32
    return %c0_i32, %c0_i32_0 : i32, i32
  }
  func.func @transform_7(%arg0: i32) -> (i32, i32) {
    %c0_i32 = arith.constant 0 : i32
    %c0_i32_0 = arith.constant 0 : i32
    return %c0_i32, %arg0 : i32, i32
  }
}

</mosaic_0001>

<sc_bundles>
// kernel: kernel.12.cloned.1.call-start
scs
__scs_entry_jumppad:
0x0: {  	(pc) =	sbr.rel $0x88, $3  }
0x1: {  	(tag) =	ssettag $0x0;
	lr =	simm.s32 $0x1  }
0x2: {  	[smem:$0x3F98] =	sst lr;
	_ =	strace $0xD0000000  }
0x3: {  	_ = 	snop  }
0x4: {  	_ = 	snop  }
0x5: {  	_ = 	snop  }
0x6: {  	_ = 	snop  }
0x7: {  	_ = 	snop  }
__scs_overlays_trampoline_lowered:
0x8: {  	[smem:$0x3FA7] =	sst s0  }
0x9: {  	[smem:$0x3FA8] =	sst s1  }
0xa: {  	[smem:$0x3FA9] =	sst s2  }
0xb: {  	[smem:$0x3FAA] =	sst s3  }
0xc: {  	[smem:$0x3FAB] =	sst s4  }
0xd: {  	[smem:$0x3FAC] =	sst s5  }
0xe: {  	[smem:$0x3FAD] =	sst s6  }
0xf: {  	[smem:$0x3FAE] =	sst s7  }
0x10: {  	[smem:$0x3FAF] =	sst s8  }
0x11: {  	[smem:$0x3FB0] =	sst s9;
	s0 =	simm.s32 @!p0 $0x0  }
0x12: {  	s1 =	sld [smem:$0x3F96];
	s0 =	simm.s32 @p0 $0x1  }
0x13: {  	[smem:$0x3FB1] =	sst s0;
	s0 =	simm.s32 @!p1 $0x0  }
0x14: {  	s2 =	sld [smem:$0x3F95];
	s0 =	simm.s32 @p1 $0x1  }
0x15: {  	[smem:$0x3FB2] =	sst s0;
	s0 =	simm.s32 @!p2 $0x0  }
0x16: {  	s3 =	sld [smem:$0x3FDB];
	s0 =	simm.s32 @p2 $0x1  }
0x17: {  	s4 =	simm.s32 $0x1BF5;
	[smem:$0x3FB4] =	sst s0  }
0x18: {  	s0 =	sld [smem:$0x3F97];
	_ =	swait.ge [sflag:s4], $0x0  }
0x19: {  	s7 =	sld [smem:$0x3F98]  }
0x1a: {  	s8 =	sadd.s32 $0xFFFFE003, lr  }
0x1b: {  	s9 =	sadd.s32 $0xFFFFFEF7, lr;
	s5 =	simm.s32 $0xFFFFFFFF;
	p2 =	slt.u32 s8, $0xFFFFF086  }
0x1c: {  	p1 =	slt.u32 s9, $0xF7A;
	s5 =	simm.s32 @!p2 $0x0  }
0x1d: {  	s5 =	simm.s32 @p1 $0x1;
	p0 =	seq.s32 s7, s2  }
0x1e: {  	s7 =	smul.u32 @!p0 $0xF7A, s2;
	p2 =	seq.s32 @!p0 s5, $0x0  }
0x1f: {  	s9 =	smul.u32 $0xF7A, s1;
	s8 =	simm.s32 @!p0 $0x1BF5;
	p2 =	por !p2, p0  }
0x20: {  	[sflag:s8] =	ssyncset.s32 @!p0 $0xFFFFF086;
	s6 =	sadd.s32 @!p0 s3, s7;
	s7 =	simm.s32 @!p0 $0x108  }
0x21: {  	s3 =	sadd.s32 s3, s9;
	s6 =	sadd.s32 @!p0 $0x88, s6;
	s7 =	simm.s32 @p2 $0x1082  }
0x22: {  	[simem:s7], [sflag:s8] =	dma.local @!p0 [hbm:s6], $0xF7A  }
0x23: {  	s9 =	sor.u32 $0xD0000000, s2;
	s6 =	simm.s32 $0x108;
	_ =	swait.ge @!p0 [sflag:s8], $0x0  }
0x24: {  	s3 =	sadd.s32 $0x88, s3;
	s6 =	simm.s32 @!p1 $0x1082;
	[sflag:s4] =	ssyncset.s32 $0xFFFFF086  }
0x25: {  	[simem:s6], [sflag:s4] =	dma.local [hbm:s3], $0xF7A  }
0x26: {  	[smem:$0x3F98] =	sst s1;
	(tag) =	ssettag s2;
	_ =	strace s9  }
0x27: {  	s1 =	sld [smem:$0x3FA8]  }
0x28: {  	s2 =	sld [smem:$0x3FA9]  }
0x29: {  	s4 =	sld [smem:$0x3FAB]  }
0x2a: {  	p0 =	seq.s32 s5, $0x0;
	s5 =	sld [smem:$0x3FAC]  }
0x2b: {  	s6 =	sld [smem:$0x3FAD]  }
0x2c: {  	s7 =	sld [smem:$0x3FAE]  }
0x2d: {  	s3 =	simm.s32 $0x108;
	s8 =	sld [smem:$0x3FAF]  }
0x2e: {  	s3 =	simm.s32 @!p0 $0x1082;
	s9 =	sld [smem:$0x3FB0]  }
0x2f: {  	lr =	sadd.s32 s0, s3;
	s0 =	sld [smem:$0x3FA7]  }
0x30: {  	s3 =	sld [smem:$0x3FAA]  }
0x31: {  	[smem:$0x3FB3] =	sst s10  }
0x32: {  	s10 =	sld [smem:$0x3FB1];
	_ =	sdelay $0x3  }
0x33: {  	p0 =	seq.s32 s10, $0x1;
	s10 =	sld [smem:$0x3FB3];
	_ =	sdelay $0x3  }
0x34: {  	[smem:$0x3FB3] =	sst s10  }
0x35: {  	s10 =	sld [smem:$0x3FB2];
	_ =	sdelay $0x3  }
0x36: {  	p1 =	seq.s32 s10, $0x1;
	s10 =	sld [smem:$0x3FB3];
	_ =	sdelay $0x3  }
0x37: {  	[smem:$0x3FB3] =	sst s10  }
0x38: {  	s10 =	sld [smem:$0x3FB4]  }
0x39: {  	_ = 	snop;
	(pc) =	sbr.ind lr, $3  }
0x3a: {  	_ = 	snop  }
0x3b: {  	_ = 	snop  }
0x3c: {  	p2 =	seq.s32 s10, $0x1;
	s10 =	sld [smem:$0x3FB3]  }
0x3d: {  	_ =	shalt  }
0x3e: {  	_ =	shalt  }
0x3f: {  	_ =	shalt  }
0x40: {  	_ =	shalt  }
0x41: {  	_ =	shalt  }
0x42: {  	_ =	shalt  }
0x43: {  	_ =	shalt  }
0x44: {  	_ =	shalt  }
0x45: {  	_ =	shalt  }
0x46: {  	_ =	shalt  }
0x47: {  	_ =	shalt  }
0x48: {  	_ =	shalt  }
0x49: {  	_ =	shalt  }
0x4a: {  	_ =	shalt  }
0x4b: {  	_ =	shalt  }
0x4c: {  	_ =	shalt  }
0x4d: {  	_ =	shalt  }
0x4e: {  	_ =	shalt  }
0x4f: {  	_ =	shalt  }
0x50: {  	_ =	shalt  }
0x51: {  	_ =	shalt  }
0x52: {  	_ =	shalt  }
0x53: {  	_ =	shalt  }
0x54: {  	_ =	shalt  }
0x55: {  	_ =	shalt  }
0x56: {  	_ =	shalt  }
0x57: {  	_ =	shalt  }
0x58: {  	_ =	shalt  }
0x59: {  	_ =	shalt  }
0x5a: {  	_ =	shalt  }
0x5b: {  	_ =	shalt  }
0x5c: {  	_ =	shalt  }
0x5d: {  	_ =	shalt  }
0x5e: {  	_ =	shalt  }
0x5f: {  	_ =	shalt  }
0x60: {  	_ =	shalt  }
0x61: {  	_ =	shalt  }
0x62: {  	_ =	shalt  }
0x63: {  	_ =	shalt  }
0x64: {  	_ =	shalt  }
0x65: {  	_ =	shalt  }
0x66: {  	_ =	shalt  }
0x67: {  	_ =	shalt  }
0x68: {  	_ =	shalt  }
0x69: {  	_ =	shalt  }
0x6a: {  	_ =	shalt  }
0x6b: {  	_ =	shalt  }
0x6c: {  	_ =	shalt  }
0x6d: {  	_ =	shalt  }
0x6e: {  	_ =	shalt  }
0x6f: {  	_ =	shalt  }
0x70: {  	_ =	shalt  }
0x71: {  	_ =	shalt  }
0x72: {  	_ =	shalt  }
0x73: {  	_ =	shalt  }
0x74: {  	_ =	shalt  }
0x75: {  	_ =	shalt  }
0x76: {  	_ =	shalt  }
0x77: {  	_ =	shalt  }
0x78: {  	_ =	shalt  }
0x79: {  	_ =	shalt  }
0x7a: {  	_ =	shalt  }
0x7b: {  	_ =	shalt  }
0x7c: {  	_ =	shalt  }
0x7d: {  	_ =	shalt  }
0x7e: {  	_ =	shalt  }
0x7f: {  	_ =	shalt  }
0x80: {  	_ =	shalt  }
0x81: {  	_ =	shalt  }
0x82: {  	_ =	shalt  }
0x83: {  	_ =	shalt  }
0x84: {  	_ =	shalt  }
0x85: {  	_ =	shalt  }
0x86: {  	_ =	shalt  }
0x87: {  	_ =	shalt  }
.Lfunc_end0:
.L_simem_size_0:
called_computation.1_lowered:
.L_overlay_start_0:
0x88: {  	s2 =	sld [smem:$0x3FD9]  }
0x89: {  	s3 =	sld [smem:$0x3FFE];
	_ =	sdelay $0x1  }
0x8a: {  	s1 =	srdreg.scid  }
0x8b: {  	s0 =	sand.u32 $0x1, s1  }
0x8c: {  	s17 =	sshll.u32 s0, $0xA;
	s2 =	sadd.s32 s3, s2  }
0x8d: {  	s2 =	sadd.s32 s2, s17  }
0x8e: {  	[smem:$0x3FBF] =	sst s2  }
0x8f: {  	_ = 	snop  }
0x90: {  	s2 =	sld [smem:$0x3FD0];
	(tm) =	ssettm $0x1  }
0x91: {  	s18 =	sld [smem:$0x3FFB];
	_ =	sdelay $0x3  }
0x92: {  	_ =	strace s18  }
0x93: {  	s3 =	sld [smem:$0x3FFC];
	_ =	sdelay $0x3  }
0x94: {  	_ =	strace s3  }
0x95: {  	s3 =	sld [smem:$0x3FFD];
	_ =	sdelay $0x3  }
0x96: {  	_ =	strace s3  }
0x97: {  	_ =	strace $0x8FFFFFFF  }
0x98: {  	s19 =	sld [smem:$0x3FDB];
	_ =	sdelay $0x1  }
0x99: {  	s4 =	simm.s32 $_scs_section_size  }
0x9a: {  	s5 =	simm.s32 $_size__tile_overlayer_lowered;
	s6 =	simm.s32 $_tile_overlayer_lowered  }
0x9b: {  	s22 =	simm.s32 $0x1BFF;
	s21 =	sshll.u32 s6, $0x1;
	s3 =	sadd.s32 s4, s19  }
0x9c: {  	s7 =	simm.s32 $0x0;
	s20 =	sshll.u32 s5, $0x1;
	s5 =	sadd.s32 s21, s3  }
0x9d: {  	[timem:s7], [sflag:s22] =	dma.local [hbm:s5], s20  }
0x9e: {  	_ =	swait.ge [sflag:s22], s20  }
0x9f: {  	s4 =	ssub.s32 $0x0, s20;
	[sflag:s22] =	ssyncset.done $0x0  }
0xa0: {  	[sflag:s22] =	ssyncadd.s32 s4;
	_ =	sdelay $0x1  }
0xa1: {  	s23 =	simm.s32 $0x1B8B  }
0xa2: {  	_ =	swait.ge [sflag:s23], $0x1  }
0xa3: {  	[sflag:s23] =	ssyncset.done $0x0  }
0xa4: {  	s25 =	simm.s32 $0x1B8E;
	s24 =	sld [smem:$0x3FFE];
	[sflag:s23] =	ssyncadd.s32 $0xFFFFFFFF  }
0xa5: {  	s26 =	simm.s32 $execute0_lowered;
	[smem:$0x3FD2] =	sst s25  }
0xa6: {  	s5 =	sshll.u32 s26, $0x1;
	_ =	strace $0x80000049;
	[dreg:$0x1] =	wrdreg $0xFFFFFFFF  }
0xa7: {  	s28 =	simm.s32 $_size_execute0_lowered;
	s3 =	sadd.s32 s3, s5;
	[dreg:$0x0] =	wrdreg $0x0  }
0xa8: {  	s5 =	sshll.u32 s28, $0x1;
	[dreg:$0x2] =	wrdreg s3  }
0xa9: {  	[dreg:$0x3] =	wrdreg s5  }
0xaa: {  	[dreg:$0x4] =	wrdreg $0xC0  }
0xab: {  	_ =	task [dreg:s7], $0x5FFFF  }
0xac: {  	[dreg:$0x1] =	wrdreg $0xFFFFFFFF  }
0xad: {  	[dreg:$0x0] =	wrdreg $0x60  }
0xae: {  	[dreg:$0x2] =	wrdreg s24  }
0xaf: {  	[dreg:$0x3] =	wrdreg s2  }
0xb0: {  	[dreg:$0x4] =	wrdreg $0xA8000  }
0xb1: {  	[dreg:$0x5] =	wrdreg $0x9  }
0xb2: {  	_ =	task.clear_ibuf [dreg:s7], $0x6FFFF;
	_ =	strace $0x90000049  }
0xb3: {  	s29 =	simm.s32 $0x9;
	_ =	strace $0x8000004B  }
0xb4: {  	_ =	swait.ge [sflag:s29], $0x1  }
0xb5: {  	[sflag:s29] =	ssyncadd.s32 $0xFFFFFFFF  }
0xb6: {  	_ =	strace $0x9000004B  }
0xb7: {  	_ =	sfence  }
0xb8: {  	s30 =	sld [smem:$0x0];
	_ =	sdelay $0x2  }
0xb9: {  	s31 =	sshll.u32 s1, $0xD;
	s1 =	sshrl.u32 s1, $0x2  }
0xba: {  	s3 =	sand.u32 $0x4000, s31;
	s1 =	sadd.s32 s1, s30  }
0xbb: {  	s0 =	sor.u32 s3, s0;
	s1 =	sshll.u32 s1, $0x11  }
0xbc: {  	s0 =	sor.u32 s1, s0  }
0xbd: {  	s0 =	sadd.s32 $0x8F2B, s0  }
0xbe: {  	[sflag:s0] =	ssyncadd.remote.s32 $0x1  }
0xbf: {  	_ =	sfence.sel $0xFFFF  }
0xc0: {  	[dreg:$0x0] =	wrdreg $0xFFFFFFFF;
	(pc) =	sbr.abs _section_cstart, $3  }
0xc1: {  	[dreg:$0x1] =	wrdreg $0xFFFFFFFF  }
0xc2: {  	_ =	task.clear_ibuf [dreg:s7], $0x2FFFF;
	_ =	strace $0x9FFFFFFF  }
0xc3: {  	(tm) =	ssettm $0x7FFFFFFF  }
tec
execute0_lowered:
.L_overlay_start_1:
0x0: {  	(tag) =	ssettag $0x1  }
0x1: {  	s6 =	rddreg [dreg:$0x0]  }
0x2: {  	s2 =	rddreg [dreg:$0x1];
	s0 =	srdreg.scid  }
0x3: {  	s3 =	rddreg [dreg:$0x2];
	s23 =	stileid.u32  }
0x4: {  	s4 =	simm.s32 $0x0;
	s20 =	simm.s32 $0x80;
	s9 =	smul.u32 $0x14000, s23  }
0x5: {  	s21 =	simm.s32 $0x2800;
	s22 =	simm.s32 $0x6800;
	s24 =	smul.u32 $0x50000, s23  }
0x6: {  	s28 =	simm.s32 $0x2780;
	s7 =	sand.u32 $0x1, s0;
	s10 =	smul.u32 $0x3C00, s23  }
0x7: {  	[smem:$0x7FF] =	sst s4;
	s5 =	sadd.s32 $0x16600, s6;
	s30 =	smul.u32 $0x780, s23  }
0x8: {  	s13 =	sadd.s32 $0x2600, s6;
	s14 =	sadd.s32 $0xC600, s6;
	s12 =	smul.u32 $0x1400, s23  }
0x9: {  	s29 =	sshll.u32 s23, $0x6;
	s23 =	simm.s32 $0x1;
	s8 =	smul.u32 $0x140000, s7  }
0xa: {  	_ =	strace $0x8000004A;
	s25 =	ssub.s32 $0x2, s7;
	p0 =	seq.s32 s7, $0x1  }
0xb: {  	s26 =	sshrl.u32 s25, $0x1;
	s11 =	sshrl.u32 s10, $0x3;
	s7 =	sadd.s32 s13, s30  }
0xc: {  	s19 =	sshrl.u32 s12, $0x3;
	s8 =	sadd.s32 s9, s8;
	s9 =	sshrl.u32 s24, $0x2  }
0xd: {  	s16 =	ssub.s32 s25, s26;
	s10 =	sadd.s32 $0x280, s11;
	s18 =	sadd.s32 $0x500, s11  }
0xe: {  	s31 =	sadd.s32 $0x7800, s19;
	s19 =	simm.s32 $0x1400;
	s24 =	simm.s32 $0x2  }
0xf: {  	s25 =	simm.s32 $0x1380;
	s26 =	simm.s32 $0x2700;
	s8 =	sshrl.u32 s8, $0x3  }
.Ltmp0:
0x10: {  	s17 =	sadd.s32 s9, s3;
	s9 =	sadd.s32 s13, s10;
	(pc) =	sbr.rel .LBB2_1-.Ltmp0, $4  }
0x11: {  	s10 =	sadd.s32 s14, s10;
	s11 =	sadd.s32 s13, s18;
	s12 =	sadd.s32 s14, s18  }
0x12: {  	s13 =	sadd.s32 s13, s31;
	s16 =	smax.u32 s16, $0x1;
	s18 =	simm.s32 $0x3  }
0x13: {  	s15 =	sadd.s32 s8, s6;
	s6 =	sor.u32 $0x1C03, s29;
	s8 =	sadd.s32 s14, s30  }
0x14: {  	s14 =	sadd.s32 s14, s31;
	s17 =	sshrl.u32 s17, $0x3;
	s15 =	sadd.s32 $0x3E600, s15  }
.LBB2_11:
0x15: {  	s0 =	sadd.s32 $0x80, s29;
	[sflag:s18] =	ssyncadd.s32 $0xFFFFC000  }
0x16: {  	[tilespmem:s22], [sflag:$0x2] =	stream.indirect.gather [hbm4b:s5+s20], $0x80, s0, s20, $0xb8;
	[tilespmem:$0x1E800] =	vst v63  }
0x17: {  	_ =	swait.ge [sflag:s23], $0x4000  }
0x18: {  	[sflag:s23] =	ssyncset.done $0x0  }
0x19: {  	s1 =	sadd.s32 $0x1400, s29;
	[sflag:s23] =	ssyncadd.s32 $0xFFFFC000  }
0x1a: {  	[spmem:s3] =	stream.indirect.scatter.add.f32 [tilespmem:s21], [sflag:$0x3], $0x80, s1, s20, $0xb8;
	[tilespmem:$0x1E800] =	vst v63  }
0x1b: {  	_ =	swait.ge [sflag:s18], $0x4000  }
0x1c: {  	[sflag:s18] =	ssyncset.done $0x0  }
0x1d: {  	s30 =	sadd.s32 $0x100, s29;
	[sflag:s18] =	ssyncadd.s32 $0xFFFFC000  }
0x1e: {  	[tilespmem:s21], [sflag:$0x1] =	stream.indirect.gather [hbm4b:s5+s20], $0x80, s30, s20, $0xb8;
	[tilespmem:$0x1E800] =	vst v63  }
0x1f: {  	_ =	swait.ge [sflag:s24], $0x4000  }
0x20: {  	[sflag:s24] =	ssyncset.done $0x0  }
0x21: {  	s31 =	sadd.s32 $0x1480, s29;
	[sflag:s24] =	ssyncadd.s32 $0xFFFFC000  }
0x22: {  	[spmem:s3] =	stream.indirect.scatter.add.f32 [tilespmem:s22], [sflag:$0x3], $0x80, s31, s20, $0xb8;
	[tilespmem:$0x1E800] =	vst v63  }
0x23: {  	_ =	swait.ge [sflag:s18], $0x4000  }
0x24: {  	[sflag:s18] =	ssyncset.done $0x0  }
0x25: {  	[sflag:s18] =	ssyncadd.s32 $0xFFFFC000  }
.LBB2_12:
0x26: {  	[tilespmem:s22], [sflag:$0x2] =	stream.indirect.gather [hbm4b:s5+s20], $0x80, s25, s20, $0xb8;
	[tilespmem:$0x1E800] =	vst v63  }
0x27: {  	_ =	swait.ge [sflag:s23], $0x4000  }
0x28: {  	[sflag:s23] =	ssyncset.done $0x0  }
0x29: {  	[sflag:s23] =	ssyncadd.s32 $0xFFFFC000  }
0x2a: {  	[spmem:s3] =	stream.indirect.scatter.add.f32 [tilespmem:s21], [sflag:$0x3], $0x80, s26, s20, $0xb8;
	[tilespmem:$0x1E800] =	vst v63  }
0x2b: {  	_ =	swait.ge [sflag:s18], $0x4000  }
0x2c: {  	[sflag:s18] =	ssyncset.done $0x0  }
0x2d: {  	[sflag:s18] =	ssyncadd.s32 $0xFFFFC000  }
0x2e: {  	_ =	swait.ge [sflag:s24], $0x4000  }
0x2f: {  	[sflag:s24] =	ssyncset.done $0x0  }
0x30: {  	[sflag:s24] =	ssyncadd.s32 $0xFFFFC000  }
0x31: {  	[spmem:s3] =	stream.indirect.scatter.add.f32 [tilespmem:s22], [sflag:$0x3], $0x80, s28, s20, $0xb8;
	[tilespmem:$0x1E800] =	vst v63  }
0x32: {  	_ =	swait.ge [sflag:s18], $0x4000  }
0x33: {  	s4 =	sadd.s32 $0x1, s4;
	[sflag:s18] =	ssyncset.done $0x0  }
0x34: {  	p1 =	sne.s32 s4, s16;
	[sflag:s18] =	ssyncadd.s32 $0xFFFFC000  }
.Ltmp1:
0x35: {  	[bflag:$0x0] =	sbarrier.arrive $0xFFFF;
	(pc) =	sbr.rel @!p1 .LBB2_13-.Ltmp1, $4  }
0x36: {  	[hbm:s15], [sflag:s6] =	dma.local [spmem:s17], $0x2800  }
0x37: {  	_ =	swait.ge [sflag:s18], $0x2800  }
0x38: {  	[sflag:s18] =	ssyncset.done $0x0  }
0x39: {  	[sflag:s18] =	ssyncadd.s32 $0xFFFFD800  }
.LBB2_1:
0x3a: {  	[spmem:s17], [sflag:s6] =	dma.local [hbm:s2], $0x2800  }
.Ltmp2:
0x3b: {  	_ =	swait.ge [sflag:s18], $0x2800;
	(pc) =	sbr.rel @!p0 .LBB2_2-.Ltmp2, $3  }
0x3c: {  	[sflag:s18] =	ssyncset.done $0x0  }
0x3d: {  	[sflag:s18] =	ssyncadd.s32 $0xFFFFD800  }
0x3e: {  	[bflag:$0x0] =	sbarrier.arrive $0xFFFF;
	_ =	sdelay $0x1  }
0x3f: {  	s0 =	simm.s32 $0x0  }
0x40: {  	[tilespmem:s0], [sflag:$0x3] =	stream.linear.gather [hbm4b:s13+s0], $0x1400, $0x38;
	[tilespmem:$0x1E800] =	vst v63  }
0x41: {  	_ =	swait.ge [sflag:s18], $0x1400  }
0x42: {  	[sflag:s18] =	ssyncset.done $0x0  }
0x43: {  	[sflag:s18] =	ssyncadd.s32 $0xFFFFEC00  }
0x44: {  	[tilespmem:s19], [sflag:$0x3] =	stream.linear.gather [hbm4b:s14+s0], $0x1400, $0x38;
	[tilespmem:$0x1E800] =	vst v63  }
0x45: {  	_ =	swait.ge [sflag:s18], $0x1400  }
0x46: {  	[sflag:s18] =	ssyncset.done $0x0  }
0x47: {  	[sflag:s18] =	ssyncadd.s32 $0xFFFFEC00  }
0x48: {  	[tilespmem:s21], [sflag:$0x1] =	stream.indirect.gather [hbm4b:s5+s20], $0x80, s0, s20, $0xb8;
	[tilespmem:$0x1E800] =	vst v63  }
0x49: {  	s1 =	simm.s32 $0x80  }
0x4a: {  	[tilespmem:s22], [sflag:$0x2] =	stream.indirect.gather [hbm4b:s5+s20], $0x80, s1, s20, $0xb8;
	[tilespmem:$0x1E800] =	vst v63  }
0x4b: {  	_ =	swait.ge [sflag:s23], $0x4000  }
0x4c: {  	[sflag:s23] =	ssyncset.done $0x0  }
0x4d: {  	s31 =	simm.s32 $0x1400;
	[sflag:s23] =	ssyncadd.s32 $0xFFFFC000  }
0x4e: {  	[spmem:s3] =	stream.indirect.scatter.add.f32 [tilespmem:s21], [sflag:$0x3], $0x80, s31, s20, $0xb8;
	[tilespmem:$0x1E800] =	vst v63  }
0x4f: {  	_ =	swait.ge [sflag:s18], $0x4000  }
0x50: {  	[sflag:s18] =	ssyncset.done $0x0  }
0x51: {  	s1 =	simm.s32 $0x100;
	[sflag:s18] =	ssyncadd.s32 $0xFFFFC000  }
0x52: {  	[tilespmem:s21], [sflag:$0x1] =	stream.indirect.gather [hbm4b:s5+s20], $0x80, s1, s20, $0xb8;
	[tilespmem:$0x1E800] =	vst v63  }
0x53: {  	_ =	swait.ge [sflag:s24], $0x4000  }
0x54: {  	[sflag:s24] =	ssyncset.done $0x0  }
0x55: {  	s31 =	simm.s32 $0x1480;
	[sflag:s24] =	ssyncadd.s32 $0xFFFFC000  }
0x56: {  	[spmem:s3] =	stream.indirect.scatter.add.f32 [tilespmem:s22], [sflag:$0x3], $0x80, s31, s20, $0xb8;
	[tilespmem:$0x1E800] =	vst v63  }
0x57: {  	_ =	swait.ge [sflag:s18], $0x4000  }
0x58: {  	s30 =	simm.s32 $0x800;
	s29 =	simm.s32 $0x100;
	[sflag:s18] =	ssyncset.done $0x0  }
.LBB2_10:
0x59: {  	s0 =	sadd.s32 $0x80, s29  }
0x5a: {  	[sflag:s18] =	ssyncadd.s32 $0xFFFFC000;
	s1 =	smov.u32 s30;
	s31 =	sadd.s32 $0x400, s30  }
0x5b: {  	[tilespmem:s22], [sflag:$0x2] =	stream.indirect.gather [hbm4b:s5+s20], $0x80, s0, s20, $0xb8;
	[tilespmem:$0x1E800] =	vst v63  }
0x5c: {  	p1 =	sne.s32 s30, $0x4800;
	_ =	swait.ge [sflag:s23], $0x4000  }
0x5d: {  	[sflag:s23] =	ssyncset.done $0x0  }
0x5e: {  	s0 =	sadd.s32 $0x1400, s29;
	[sflag:s23] =	ssyncadd.s32 $0xFFFFC000  }
0x5f: {  	[spmem:s3] =	stream.indirect.scatter.add.f32 [tilespmem:s21], [sflag:$0x3], $0x80, s0, s20, $0xb8;
	[tilespmem:$0x1E800] =	vst v63  }
0x60: {  	_ =	swait.ge [sflag:s18], $0x4000  }
0x61: {  	[sflag:s18] =	ssyncset.done $0x0  }
0x62: {  	s0 =	sadd.s32 $0x100, s29;
	[sflag:s18] =	ssyncadd.s32 $0xFFFFC000  }
0x63: {  	[tilespmem:s21], [sflag:$0x1] =	stream.indirect.gather [hbm4b:s5+s20], $0x80, s0, s20, $0xb8;
	[tilespmem:$0x1E800] =	vst v63  }
0x64: {  	_ =	swait.ge [sflag:s24], $0x4000  }
.Ltmp3:
0x65: {  	[sflag:s24] =	ssyncset.done $0x0;
	(pc) =	sbr.rel @p1 .LBB2_10-.Ltmp3, $4  }
0x66: {  	s0 =	sadd.s32 $0x1480, s29;
	[sflag:s24] =	ssyncadd.s32 $0xFFFFC000  }
0x67: {  	[spmem:s3] =	stream.indirect.scatter.add.f32 [tilespmem:s22], [sflag:$0x3], $0x80, s0, s20, $0xb8;
	[tilespmem:$0x1E800] =	vst v63  }
0x68: {  	_ =	swait.ge [sflag:s18], $0x4000  }
0x69: {  	s30 =	smov.u32 s31;
	s29 =	sshra.s32 s1, $0x2;
	[sflag:s18] =	ssyncset.done $0x0  }
.Ltmp4:
0x6a: {  	_ = 	snop;
	(pc) =	sbr.rel .LBB2_11-.Ltmp4, $1  }
0x6b: {  	_ =	sdelay $0x3  }
.LBB2_2:
0x6c: {  	s29 =	simm.s32 $0x0  }
0x6d: {  	[tilespmem:s29], [sflag:$0x3] =	stream.linear.gather [hbm4b:s7+s29], $0x1400, $0x38;
	[tilespmem:$0x1E800] =	vst v63  }
0x6e: {  	_ =	swait.ge [sflag:s18], $0x1400  }
0x6f: {  	[sflag:s18] =	ssyncset.done $0x0  }
0x70: {  	[sflag:s18] =	ssyncadd.s32 $0xFFFFEC00  }
0x71: {  	[tilespmem:s19], [sflag:$0x3] =	stream.linear.gather [hbm4b:s8+s29], $0x1400, $0x38;
	[tilespmem:$0x1E800] =	vst v63  }
0x72: {  	_ =	swait.ge [sflag:s18], $0x1400  }
0x73: {  	[sflag:s18] =	ssyncset.done $0x0  }
0x74: {  	[sflag:s18] =	ssyncadd.s32 $0xFFFFEC00  }
0x75: {  	[tilespmem:s21], [sflag:$0x1] =	stream.indirect.gather [hbm4b:s5+s20], $0x80, s29, s20, $0xb8;
	[tilespmem:$0x1E800] =	vst v63  }
0x76: {  	s29 =	simm.s32 $0x80  }
0x77: {  	[tilespmem:s22], [sflag:$0x2] =	stream.indirect.gather [hbm4b:s5+s20], $0x80, s29, s20, $0xb8;
	[tilespmem:$0x1E800] =	vst v63  }
0x78: {  	_ =	swait.ge [sflag:s23], $0x4000  }
0x79: {  	[sflag:s23] =	ssyncset.done $0x0  }
0x7a: {  	s29 =	simm.s32 $0x1400;
	[sflag:s23] =	ssyncadd.s32 $0xFFFFC000  }
0x7b: {  	[spmem:s3] =	stream.indirect.scatter.add.f32 [tilespmem:s21], [sflag:$0x3], $0x80, s29, s20, $0xb8;
	[tilespmem:$0x1E800] =	vst v63  }
0x7c: {  	_ =	swait.ge [sflag:s18], $0x4000  }
0x7d: {  	[sflag:s18] =	ssyncset.done $0x0  }
0x7e: {  	s29 =	simm.s32 $0x100;
	[sflag:s18] =	ssyncadd.s32 $0xFFFFC000  }
0x7f: {  	[tilespmem:s21], [sflag:$0x1] =	stream.indirect.gather [hbm4b:s5+s20], $0x80, s29, s20, $0xb8;
	[tilespmem:$0x1E800] =	vst v63  }
0x80: {  	_ =	swait.ge [sflag:s24], $0x4000  }
0x81: {  	[sflag:s24] =	ssyncset.done $0x0  }
0x82: {  	s29 =	simm.s32 $0x1480;
	[sflag:s24] =	ssyncadd.s32 $0xFFFFC000  }
0x83: {  	[spmem:s3] =	stream.indirect.scatter.add.f32 [tilespmem:s22], [sflag:$0x3], $0x80, s29, s20, $0xb8;
	[tilespmem:$0x1E800] =	vst v63  }
0x84: {  	_ =	swait.ge [sflag:s18], $0x4000  }
0x85: {  	s30 =	simm.s32 $0x800;
	s29 =	simm.s32 $0x100;
	[sflag:s18] =	ssyncset.done $0x0  }
.LBB2_3:
0x86: {  	s31 =	sadd.s32 $0x80, s29  }
0x87: {  	[sflag:s18] =	ssyncadd.s32 $0xFFFFC000;
	s0 =	smov.u32 s30;
	s1 =	sadd.s32 $0x400, s30  }
0x88: {  	[tilespmem:s22], [sflag:$0x2] =	stream.indirect.gather [hbm4b:s5+s20], $0x80, s31, s20, $0xb8;
	[tilespmem:$0x1E800] =	vst v63  }
0x89: {  	p1 =	sne.s32 s30, $0x4800;
	_ =	swait.ge [sflag:s23], $0x4000  }
0x8a: {  	[sflag:s23] =	ssyncset.done $0x0  }
0x8b: {  	s30 =	sadd.s32 $0x1400, s29;
	[sflag:s23] =	ssyncadd.s32 $0xFFFFC000  }
0x8c: {  	[spmem:s3] =	stream.indirect.scatter.add.f32 [tilespmem:s21], [sflag:$0x3], $0x80, s30, s20, $0xb8;
	[tilespmem:$0x1E800] =	vst v63  }
0x8d: {  	_ =	swait.ge [sflag:s18], $0x4000  }
0x8e: {  	[sflag:s18] =	ssyncset.done $0x0  }
0x8f: {  	s30 =	sadd.s32 $0x100, s29;
	[sflag:s18] =	ssyncadd.s32 $0xFFFFC000  }
0x90: {  	[tilespmem:s21], [sflag:$0x1] =	stream.indirect.gather [hbm4b:s5+s20], $0x80, s30, s20, $0xb8;
	[tilespmem:$0x1E800] =	vst v63  }
0x91: {  	_ =	swait.ge [sflag:s24], $0x4000  }
.Ltmp5:
0x92: {  	[sflag:s24] =	ssyncset.done $0x0;
	(pc) =	sbr.rel @p1 .LBB2_3-.Ltmp5, $4  }
0x93: {  	s29 =	sadd.s32 $0x1480, s29;
	[sflag:s24] =	ssyncadd.s32 $0xFFFFC000  }
0x94: {  	[spmem:s3] =	stream.indirect.scatter.add.f32 [tilespmem:s22], [sflag:$0x3], $0x80, s29, s20, $0xb8;
	[tilespmem:$0x1E800] =	vst v63  }
0x95: {  	_ =	swait.ge [sflag:s18], $0x4000  }
0x96: {  	s30 =	smov.u32 s1;
	s29 =	sshra.s32 s0, $0x2;
	[sflag:s18] =	ssyncset.done $0x0  }
0x97: {  	s0 =	sadd.s32 $0x80, s29;
	[sflag:s18] =	ssyncadd.s32 $0xFFFFC000  }
0x98: {  	[tilespmem:s22], [sflag:$0x2] =	stream.indirect.gather [hbm4b:s5+s20], $0x80, s0, s20, $0xb8;
	[tilespmem:$0x1E800] =	vst v63  }
0x99: {  	_ =	swait.ge [sflag:s23], $0x4000  }
0x9a: {  	[sflag:s23] =	ssyncset.done $0x0  }
0x9b: {  	s1 =	sadd.s32 $0x1400, s29;
	[sflag:s23] =	ssyncadd.s32 $0xFFFFC000  }
0x9c: {  	[spmem:s3] =	stream.indirect.scatter.add.f32 [tilespmem:s21], [sflag:$0x3], $0x80, s1, s20, $0xb8;
	[tilespmem:$0x1E800] =	vst v63  }
0x9d: {  	_ =	swait.ge [sflag:s18], $0x4000  }
0x9e: {  	[sflag:s18] =	ssyncset.done $0x0  }
0x9f: {  	s31 =	sadd.s32 $0x100, s29;
	[sflag:s18] =	ssyncadd.s32 $0xFFFFC000  }
0xa0: {  	[tilespmem:s21], [sflag:$0x1] =	stream.indirect.gather [hbm4b:s5+s20], $0x80, s31, s20, $0xb8;
	[tilespmem:$0x1E800] =	vst v63  }
0xa1: {  	_ =	swait.ge [sflag:s24], $0x4000  }
0xa2: {  	[sflag:s24] =	ssyncset.done $0x0  }
0xa3: {  	s1 =	sadd.s32 $0x1480, s29;
	[sflag:s24] =	ssyncadd.s32 $0xFFFFC000  }
0xa4: {  	[spmem:s3] =	stream.indirect.scatter.add.f32 [tilespmem:s22], [sflag:$0x3], $0x80, s1, s20, $0xb8;
	[tilespmem:$0x1E800] =	vst v63  }
0xa5: {  	_ =	swait.ge [sflag:s18], $0x4000  }
0xa6: {  	[sflag:s18] =	ssyncset.done $0x0  }
0xa7: {  	[sflag:s18] =	ssyncadd.s32 $0xFFFFC000  }
0xa8: {  	[tilespmem:s22], [sflag:$0x2] =	stream.indirect.gather [hbm4b:s5+s20], $0x80, s25, s20, $0xb8;
	[tilespmem:$0x1E800] =	vst v63  }
0xa9: {  	_ =	swait.ge [sflag:s23], $0x4000  }
0xaa: {  	[sflag:s23] =	ssyncset.done $0x0  }
0xab: {  	[sflag:s23] =	ssyncadd.s32 $0xFFFFC000  }
0xac: {  	[spmem:s3] =	stream.indirect.scatter.add.f32 [tilespmem:s21], [sflag:$0x3], $0x80, s26, s20, $0xb8;
	[tilespmem:$0x1E800] =	vst v63  }
0xad: {  	_ =	swait.ge [sflag:s18], $0x4000  }
0xae: {  	[sflag:s18] =	ssyncset.done $0x0  }
0xaf: {  	[sflag:s18] =	ssyncadd.s32 $0xFFFFC000  }
0xb0: {  	_ =	swait.ge [sflag:s24], $0x4000  }
0xb1: {  	[sflag:s24] =	ssyncset.done $0x0  }
0xb2: {  	[sflag:s24] =	ssyncadd.s32 $0xFFFFC000  }
0xb3: {  	[spmem:s3] =	stream.indirect.scatter.add.f32 [tilespmem:s22], [sflag:$0x3], $0x80, s28, s20, $0xb8;
	[tilespmem:$0x1E800] =	vst v63  }
0xb4: {  	_ =	swait.ge [sflag:s18], $0x4000  }
0xb5: {  	[sflag:s18] =	ssyncset.done $0x0  }
0xb6: {  	s31 =	simm.s32 $0x0;
	[sflag:s18] =	ssyncadd.s32 $0xFFFFC000  }
0xb7: {  	[tilespmem:s31], [sflag:$0x3] =	stream.linear.gather [hbm4b:s9+s31], $0x1400, $0x38;
	[tilespmem:$0x1E800] =	vst v63  }
0xb8: {  	_ =	swait.ge [sflag:s18], $0x1400  }
0xb9: {  	[sflag:s18] =	ssyncset.done $0x0  }
0xba: {  	[sflag:s18] =	ssyncadd.s32 $0xFFFFEC00  }
0xbb: {  	[tilespmem:s19], [sflag:$0x3] =	stream.linear.gather [hbm4b:s10+s31], $0x1400, $0x38;
	[tilespmem:$0x1E800] =	vst v63  }
0xbc: {  	_ =	swait.ge [sflag:s18], $0x1400  }
0xbd: {  	[sflag:s18] =	ssyncset.done $0x0  }
0xbe: {  	[sflag:s18] =	ssyncadd.s32 $0xFFFFEC00  }
0xbf: {  	[tilespmem:s21], [sflag:$0x1] =	stream.indirect.gather [hbm4b:s5+s20], $0x80, s31, s20, $0xb8;
	[tilespmem:$0x1E800] =	vst v63  }
0xc0: {  	s1 =	simm.s32 $0x80  }
0xc1: {  	[tilespmem:s22], [sflag:$0x2] =	stream.indirect.gather [hbm4b:s5+s20], $0x80, s1, s20, $0xb8;
	[tilespmem:$0x1E800] =	vst v63  }
0xc2: {  	_ =	swait.ge [sflag:s23], $0x4000  }
0xc3: {  	[sflag:s23] =	ssyncset.done $0x0  }
0xc4: {  	s31 =	simm.s32 $0x1400;
	[sflag:s23] =	ssyncadd.s32 $0xFFFFC000  }
0xc5: {  	[spmem:s3] =	stream.indirect.scatter.add.f32 [tilespmem:s21], [sflag:$0x3], $0x80, s31, s20, $0xb8;
	[tilespmem:$0x1E800] =	vst v63  }
0xc6: {  	_ =	swait.ge [sflag:s18], $0x4000  }
0xc7: {  	[sflag:s18] =	ssyncset.done $0x0  }
0xc8: {  	s1 =	simm.s32 $0x100;
	[sflag:s18] =	ssyncadd.s32 $0xFFFFC000  }
0xc9: {  	[tilespmem:s21], [sflag:$0x1] =	stream.indirect.gather [hbm4b:s5+s20], $0x80, s1, s20, $0xb8;
	[tilespmem:$0x1E800] =	vst v63  }
0xca: {  	_ =	swait.ge [sflag:s24], $0x4000  }
0xcb: {  	[sflag:s24] =	ssyncset.done $0x0  }
0xcc: {  	s31 =	simm.s32 $0x1480;
	[sflag:s24] =	ssyncadd.s32 $0xFFFFC000  }
0xcd: {  	[spmem:s3] =	stream.indirect.scatter.add.f32 [tilespmem:s22], [sflag:$0x3], $0x80, s31, s20, $0xb8;
	[tilespmem:$0x1E800] =	vst v63  }
0xce: {  	_ =	swait.ge [sflag:s18], $0x4000  }
0xcf: {  	s30 =	simm.s32 $0x800;
	s29 =	simm.s32 $0x100;
	[sflag:s18] =	ssyncset.done $0x0  }
.LBB2_5:
0xd0: {  	s0 =	sadd.s32 $0x80, s29  }
0xd1: {  	[sflag:s18] =	ssyncadd.s32 $0xFFFFC000;
	s1 =	smov.u32 s30;
	s31 =	sadd.s32 $0x400, s30  }
0xd2: {  	[tilespmem:s22], [sflag:$0x2] =	stream.indirect.gather [hbm4b:s5+s20], $0x80, s0, s20, $0xb8;
	[tilespmem:$0x1E800] =	vst v63  }
0xd3: {  	p1 =	sne.s32 s30, $0x4800;
	_ =	swait.ge [sflag:s23], $0x4000  }
0xd4: {  	[sflag:s23] =	ssyncset.done $0x0  }
0xd5: {  	s0 =	sadd.s32 $0x1400, s29;
	[sflag:s23] =	ssyncadd.s32 $0xFFFFC000  }
0xd6: {  	[spmem:s3] =	stream.indirect.scatter.add.f32 [tilespmem:s21], [sflag:$0x3], $0x80, s0, s20, $0xb8;
	[tilespmem:$0x1E800] =	vst v63  }
0xd7: {  	_ =	swait.ge [sflag:s18], $0x4000  }
0xd8: {  	[sflag:s18] =	ssyncset.done $0x0  }
0xd9: {  	s0 =	sadd.s32 $0x100, s29;
	[sflag:s18] =	ssyncadd.s32 $0xFFFFC000  }
0xda: {  	[tilespmem:s21], [sflag:$0x1] =	stream.indirect.gather [hbm4b:s5+s20], $0x80, s0, s20, $0xb8;
	[tilespmem:$0x1E800] =	vst v63  }
0xdb: {  	_ =	swait.ge [sflag:s24], $0x4000  }
.Ltmp6:
0xdc: {  	[sflag:s24] =	ssyncset.done $0x0;
	(pc) =	sbr.rel @p1 .LBB2_5-.Ltmp6, $4  }
0xdd: {  	s0 =	sadd.s32 $0x1480, s29;
	[sflag:s24] =	ssyncadd.s32 $0xFFFFC000  }
0xde: {  	[spmem:s3] =	stream.indirect.scatter.add.f32 [tilespmem:s22], [sflag:$0x3], $0x80, s0, s20, $0xb8;
	[tilespmem:$0x1E800] =	vst v63  }
0xdf: {  	_ =	swait.ge [sflag:s18], $0x4000  }
0xe0: {  	s30 =	smov.u32 s31;
	s29 =	sshra.s32 s1, $0x2;
	[sflag:s18] =	ssyncset.done $0x0  }
0xe1: {  	s0 =	sadd.s32 $0x80, s29;
	[sflag:s18] =	ssyncadd.s32 $0xFFFFC000  }
0xe2: {  	[tilespmem:s22], [sflag:$0x2] =	stream.indirect.gather [hbm4b:s5+s20], $0x80, s0, s20, $0xb8;
	[tilespmem:$0x1E800] =	vst v63  }
0xe3: {  	_ =	swait.ge [sflag:s23], $0x4000  }
0xe4: {  	[sflag:s23] =	ssyncset.done $0x0  }
0xe5: {  	s1 =	sadd.s32 $0x1400, s29;
	[sflag:s23] =	ssyncadd.s32 $0xFFFFC000  }
0xe6: {  	[spmem:s3] =	stream.indirect.scatter.add.f32 [tilespmem:s21], [sflag:$0x3], $0x80, s1, s20, $0xb8;
	[tilespmem:$0x1E800] =	vst v63  }
0xe7: {  	_ =	swait.ge [sflag:s18], $0x4000  }
0xe8: {  	[sflag:s18] =	ssyncset.done $0x0  }
0xe9: {  	s31 =	sadd.s32 $0x100, s29;
	[sflag:s18] =	ssyncadd.s32 $0xFFFFC000  }
0xea: {  	[tilespmem:s21], [sflag:$0x1] =	stream.indirect.gather [hbm4b:s5+s20], $0x80, s31, s20, $0xb8;
	[tilespmem:$0x1E800] =	vst v63  }
0xeb: {  	_ =	swait.ge [sflag:s24], $0x4000  }
0xec: {  	[sflag:s24] =	ssyncset.done $0x0  }
0xed: {  	s1 =	sadd.s32 $0x1480, s29;
	[sflag:s24] =	ssyncadd.s32 $0xFFFFC000  }
0xee: {  	[spmem:s3] =	stream.indirect.scatter.add.f32 [tilespmem:s22], [sflag:$0x3], $0x80, s1, s20, $0xb8;
	[tilespmem:$0x1E800] =	vst v63  }
0xef: {  	_ =	swait.ge [sflag:s18], $0x4000  }
0xf0: {  	[sflag:s18] =	ssyncset.done $0x0  }
0xf1: {  	[sflag:s18] =	ssyncadd.s32 $0xFFFFC000  }
0xf2: {  	[tilespmem:s22], [sflag:$0x2] =	stream.indirect.gather [hbm4b:s5+s20], $0x80, s25, s20, $0xb8;
	[tilespmem:$0x1E800] =	vst v63  }
0xf3: {  	_ =	swait.ge [sflag:s23], $0x4000  }
0xf4: {  	[sflag:s23] =	ssyncset.done $0x0  }
0xf5: {  	[sflag:s23] =	ssyncadd.s32 $0xFFFFC000  }
0xf6: {  	[spmem:s3] =	stream.indirect.scatter.add.f32 [tilespmem:s21], [sflag:$0x3], $0x80, s26, s20, $0xb8;
	[tilespmem:$0x1E800] =	vst v63  }
0xf7: {  	_ =	swait.ge [sflag:s18], $0x4000  }
0xf8: {  	[sflag:s18] =	ssyncset.done $0x0  }
0xf9: {  	[sflag:s18] =	ssyncadd.s32 $0xFFFFC000  }
0xfa: {  	_ =	swait.ge [sflag:s24], $0x4000  }
0xfb: {  	[sflag:s24] =	ssyncset.done $0x0  }
0xfc: {  	[sflag:s24] =	ssyncadd.s32 $0xFFFFC000  }
0xfd: {  	[spmem:s3] =	stream.indirect.scatter.add.f32 [tilespmem:s22], [sflag:$0x3], $0x80, s28, s20, $0xb8;
	[tilespmem:$0x1E800] =	vst v63  }
0xfe: {  	_ =	swait.ge [sflag:s18], $0x4000  }
0xff: {  	[sflag:s18] =	ssyncset.done $0x0  }
0x100: {  	s31 =	simm.s32 $0x0;
	[sflag:s18] =	ssyncadd.s32 $0xFFFFC000  }
0x101: {  	[tilespmem:s31], [sflag:$0x3] =	stream.linear.gather [hbm4b:s11+s31], $0x1400, $0x38;
	[tilespmem:$0x1E800] =	vst v63  }
0x102: {  	_ =	swait.ge [sflag:s18], $0x1400  }
0x103: {  	[sflag:s18] =	ssyncset.done $0x0  }
0x104: {  	[sflag:s18] =	ssyncadd.s32 $0xFFFFEC00  }
0x105: {  	[tilespmem:s19], [sflag:$0x3] =	stream.linear.gather [hbm4b:s12+s31], $0x1400, $0x38;
	[tilespmem:$0x1E800] =	vst v63  }
0x106: {  	_ =	swait.ge [sflag:s18], $0x1400  }
0x107: {  	[sflag:s18] =	ssyncset.done $0x0  }
0x108: {  	[sflag:s18] =	ssyncadd.s32 $0xFFFFEC00  }
0x109: {  	[tilespmem:s21], [sflag:$0x1] =	stream.indirect.gather [hbm4b:s5+s20], $0x80, s31, s20, $0xb8;
	[tilespmem:$0x1E800] =	vst v63  }
0x10a: {  	s1 =	simm.s32 $0x80  }
0x10b: {  	[tilespmem:s22], [sflag:$0x2] =	stream.indirect.gather [hbm4b:s5+s20], $0x80, s1, s20, $0xb8;
	[tilespmem:$0x1E800] =	vst v63  }
0x10c: {  	_ =	swait.ge [sflag:s23], $0x4000  }
0x10d: {  	[sflag:s23] =	ssyncset.done $0x0  }
0x10e: {  	s31 =	simm.s32 $0x1400;
	[sflag:s23] =	ssyncadd.s32 $0xFFFFC000  }
0x10f: {  	[spmem:s3] =	stream.indirect.scatter.add.f32 [tilespmem:s21], [sflag:$0x3], $0x80, s31, s20, $0xb8;
	[tilespmem:$0x1E800] =	vst v63  }
0x110: {  	_ =	swait.ge [sflag:s18], $0x4000  }
0x111: {  	[sflag:s18] =	ssyncset.done $0x0  }
0x112: {  	s1 =	simm.s32 $0x100;
	[sflag:s18] =	ssyncadd.s32 $0xFFFFC000  }
0x113: {  	[tilespmem:s21], [sflag:$0x1] =	stream.indirect.gather [hbm4b:s5+s20], $0x80, s1, s20, $0xb8;
	[tilespmem:$0x1E800] =	vst v63  }
0x114: {  	_ =	swait.ge [sflag:s24], $0x4000  }
0x115: {  	[sflag:s24] =	ssyncset.done $0x0  }
0x116: {  	s31 =	simm.s32 $0x1480;
	[sflag:s24] =	ssyncadd.s32 $0xFFFFC000  }
0x117: {  	[spmem:s3] =	stream.indirect.scatter.add.f32 [tilespmem:s22], [sflag:$0x3], $0x80, s31, s20, $0xb8;
	[tilespmem:$0x1E800] =	vst v63  }
0x118: {  	_ =	swait.ge [sflag:s18], $0x4000  }
0x119: {  	s30 =	simm.s32 $0x800;
	s29 =	simm.s32 $0x100;
	[sflag:s18] =	ssyncset.done $0x0  }
.LBB2_7:
0x11a: {  	s0 =	sadd.s32 $0x80, s29  }
0x11b: {  	[sflag:s18] =	ssyncadd.s32 $0xFFFFC000;
	s1 =	smov.u32 s30;
	s31 =	sadd.s32 $0x400, s30  }
0x11c: {  	[tilespmem:s22], [sflag:$0x2] =	stream.indirect.gather [hbm4b:s5+s20], $0x80, s0, s20, $0xb8;
	[tilespmem:$0x1E800] =	vst v63  }
0x11d: {  	p1 =	seq.s32 s30, $0x4800;
	_ =	swait.ge [sflag:s23], $0x4000  }
0x11e: {  	[sflag:s23] =	ssyncset.done $0x0  }
0x11f: {  	s0 =	sadd.s32 $0x1400, s29;
	[sflag:s23] =	ssyncadd.s32 $0xFFFFC000  }
0x120: {  	[spmem:s3] =	stream.indirect.scatter.add.f32 [tilespmem:s21], [sflag:$0x3], $0x80, s0, s20, $0xb8;
	[tilespmem:$0x1E800] =	vst v63  }
0x121: {  	_ =	swait.ge [sflag:s18], $0x4000  }
0x122: {  	[sflag:s18] =	ssyncset.done $0x0  }
0x123: {  	s0 =	sadd.s32 $0x100, s29;
	[sflag:s18] =	ssyncadd.s32 $0xFFFFC000  }
0x124: {  	[tilespmem:s21], [sflag:$0x1] =	stream.indirect.gather [hbm4b:s5+s20], $0x80, s0, s20, $0xb8;
	[tilespmem:$0x1E800] =	vst v63  }
0x125: {  	_ =	swait.ge [sflag:s24], $0x4000  }
.Ltmp7:
0x126: {  	[sflag:s24] =	ssyncset.done $0x0;
	(pc) =	sbr.rel @!p1 .LBB2_7-.Ltmp7, $4  }
0x127: {  	s0 =	sadd.s32 $0x1480, s29;
	[sflag:s24] =	ssyncadd.s32 $0xFFFFC000  }
0x128: {  	[spmem:s3] =	stream.indirect.scatter.add.f32 [tilespmem:s22], [sflag:$0x3], $0x80, s0, s20, $0xb8;
	[tilespmem:$0x1E800] =	vst v63  }
0x129: {  	_ =	swait.ge [sflag:s18], $0x4000  }
0x12a: {  	s30 =	smov.u32 s31;
	s29 =	sshra.s32 s1, $0x2;
	[sflag:s18] =	ssyncset.done $0x0  }
0x12b: {  	s0 =	sadd.s32 $0x80, s29;
	[sflag:s18] =	ssyncadd.s32 $0xFFFFC000  }
0x12c: {  	[tilespmem:s22], [sflag:$0x2] =	stream.indirect.gather [hbm4b:s5+s20], $0x80, s0, s20, $0xb8;
	[tilespmem:$0x1E800] =	vst v63  }
0x12d: {  	_ =	swait.ge [sflag:s23], $0x4000  }
0x12e: {  	[sflag:s23] =	ssyncset.done $0x0  }
0x12f: {  	s1 =	sadd.s32 $0x1400, s29;
	[sflag:s23] =	ssyncadd.s32 $0xFFFFC000  }
0x130: {  	[spmem:s3] =	stream.indirect.scatter.add.f32 [tilespmem:s21], [sflag:$0x3], $0x80, s1, s20, $0xb8;
	[tilespmem:$0x1E800] =	vst v63  }
0x131: {  	_ =	swait.ge [sflag:s18], $0x4000  }
0x132: {  	[sflag:s18] =	ssyncset.done $0x0  }
0x133: {  	s30 =	sadd.s32 $0x100, s29;
	[sflag:s18] =	ssyncadd.s32 $0xFFFFC000  }
0x134: {  	[tilespmem:s21], [sflag:$0x1] =	stream.indirect.gather [hbm4b:s5+s20], $0x80, s30, s20, $0xb8;
	[tilespmem:$0x1E800] =	vst v63  }
0x135: {  	_ =	swait.ge [sflag:s24], $0x4000  }
0x136: {  	[sflag:s24] =	ssyncset.done $0x0  }
.Ltmp8:
0x137: {  	s31 =	sadd.s32 $0x1480, s29;
	[sflag:s24] =	ssyncadd.s32 $0xFFFFC000;
	(pc) =	sbr.rel .LBB2_12-.Ltmp8, $4  }
0x138: {  	[spmem:s3] =	stream.indirect.scatter.add.f32 [tilespmem:s22], [sflag:$0x3], $0x80, s31, s20, $0xb8;
	[tilespmem:$0x1E800] =	vst v63  }
0x139: {  	_ =	swait.ge [sflag:s18], $0x4000  }
0x13a: {  	[sflag:s18] =	ssyncset.done $0x0  }
0x13b: {  	[sflag:s18] =	ssyncadd.s32 $0xFFFFC000  }
.LBB2_13:
0x13c: {  	_ =	sfence.sel $0x180000  }
0x13d: {  	[bflag:$0x0] =	sbarrier.arrive $0xFFFF  }
0x13e: {  	_ =	strace $0x9000004A  }
0x13f: {  	s0 =	stileid.u32;
	[bflag:$0x2] =	sbarrier.arrive $0xFFFF  }
0x140: {  	p0 =	sne.s32 s0, $0x0;
	s0 =	rddreg [dreg:$0x3]  }
0x141: {  	s0 =	sadd.s32 @!p0 $0x100000, s0  }
0x142: {  	[sflag:s0] =	ssyncadd.tile.s32 @!p0 $0x1;
	_ =	shalt  }
.Lfunc_end2:
_tile_overlayer_lowered:
.L_overlay_start_2:
0x143: {  	(tag) =	ssettag $0x2  }
0x144: {  	s0 =	rddreg [dreg:$0x0];
	s2 =	stileid.u32  }
0x145: {  	s1 =	rddreg [dreg:$0x1];
	p0 =	sne.s32 s2, $0x0  }
0x146: {  	s3 =	rddreg [dreg:$0x2];
	[bflag:$0x3] =	sbarrier.arrive $0xFFFF;
	s2 =	simm.s32 @!p0 $0x1C03  }
0x147: {  	[timem:s3], [sflag:s2] =	dma.local @!p0 [hbm:s0], s1  }
0x148: {  	s0 =	simm.s32 @!p0 $0x3  }
0x149: {  	_ =	swait.ge @!p0 [sflag:s0], s1  }
0x14a: {  	s1 =	ssub.s32 @!p0 $0x0, s1;
	[sflag:s0] =	ssyncset.done @!p0 $0x0  }
0x14b: {  	[sflag:s0] =	ssyncadd.s32 @!p0 s1  }
0x14c: {  	[bflag:$0x3] =	sbarrier.arrive $0xFFFF  }
0x14d: {  	_ =	shalt  }

// kernel: kernel.15.cloned.1.call-start
scs
__scs_entry_jumppad:
0x0: {  	(pc) =	sbr.rel $0x88, $3  }
0x1: {  	(tag) =	ssettag $0x0;
	lr =	simm.s32 $0x1  }
0x2: {  	[smem:$0x3F98] =	sst lr;
	_ =	strace $0xD0000000  }
0x3: {  	_ = 	snop  }
0x4: {  	_ = 	snop  }
0x5: {  	_ = 	snop  }
0x6: {  	_ = 	snop  }
0x7: {  	_ = 	snop  }
__scs_overlays_trampoline_lowered:
0x8: {  	[smem:$0x3FA7] =	sst s0  }
0x9: {  	[smem:$0x3FA8] =	sst s1  }
0xa: {  	[smem:$0x3FA9] =	sst s2  }
0xb: {  	[smem:$0x3FAA] =	sst s3  }
0xc: {  	[smem:$0x3FAB] =	sst s4  }
0xd: {  	[smem:$0x3FAC] =	sst s5  }
0xe: {  	[smem:$0x3FAD] =	sst s6  }
0xf: {  	[smem:$0x3FAE] =	sst s7  }
0x10: {  	[smem:$0x3FAF] =	sst s8  }
0x11: {  	[smem:$0x3FB0] =	sst s9;
	s0 =	simm.s32 @!p0 $0x0  }
0x12: {  	s1 =	sld [smem:$0x3F96];
	s0 =	simm.s32 @p0 $0x1  }
0x13: {  	[smem:$0x3FB1] =	sst s0;
	s0 =	simm.s32 @!p1 $0x0  }
0x14: {  	s2 =	sld [smem:$0x3F95];
	s0 =	simm.s32 @p1 $0x1  }
0x15: {  	[smem:$0x3FB2] =	sst s0;
	s0 =	simm.s32 @!p2 $0x0  }
0x16: {  	s3 =	sld [smem:$0x3FDB];
	s0 =	simm.s32 @p2 $0x1  }
0x17: {  	s4 =	simm.s32 $0x1BF5;
	[smem:$0x3FB4] =	sst s0  }
0x18: {  	s0 =	sld [smem:$0x3F97];
	_ =	swait.ge [sflag:s4], $0x0  }
0x19: {  	s7 =	sld [smem:$0x3F98]  }
0x1a: {  	s8 =	sadd.s32 $0xFFFFE003, lr  }
0x1b: {  	s9 =	sadd.s32 $0xFFFFFEF7, lr;
	s5 =	simm.s32 $0xFFFFFFFF;
	p2 =	slt.u32 s8, $0xFFFFF086  }
0x1c: {  	p1 =	slt.u32 s9, $0xF7A;
	s5 =	simm.s32 @!p2 $0x0  }
0x1d: {  	s5 =	simm.s32 @p1 $0x1;
	p0 =	seq.s32 s7, s2  }
0x1e: {  	s7 =	smul.u32 @!p0 $0xF7A, s2;
	p2 =	seq.s32 @!p0 s5, $0x0  }
0x1f: {  	s9 =	smul.u32 $0xF7A, s1;
	s8 =	simm.s32 @!p0 $0x1BF5;
	p2 =	por !p2, p0  }
0x20: {  	[sflag:s8] =	ssyncset.s32 @!p0 $0xFFFFF086;
	s6 =	sadd.s32 @!p0 s3, s7;
	s7 =	simm.s32 @!p0 $0x108  }
0x21: {  	s3 =	sadd.s32 s3, s9;
	s6 =	sadd.s32 @!p0 $0x88, s6;
	s7 =	simm.s32 @p2 $0x1082  }
0x22: {  	[simem:s7], [sflag:s8] =	dma.local @!p0 [hbm:s6], $0xF7A  }
0x23: {  	s9 =	sor.u32 $0xD0000000, s2;
	s6 =	simm.s32 $0x108;
	_ =	swait.ge @!p0 [sflag:s8], $0x0  }
0x24: {  	s3 =	sadd.s32 $0x88, s3;
	s6 =	simm.s32 @!p1 $0x1082;
	[sflag:s4] =	ssyncset.s32 $0xFFFFF086  }
0x25: {  	[simem:s6], [sflag:s4] =	dma.local [hbm:s3], $0xF7A  }
0x26: {  	[smem:$0x3F98] =	sst s1;
	(tag) =	ssettag s2;
	_ =	strace s9  }
0x27: {  	s1 =	sld [smem:$0x3FA8]  }
0x28: {  	s2 =	sld [smem:$0x3FA9]  }
0x29: {  	s4 =	sld [smem:$0x3FAB]  }
0x2a: {  	p0 =	seq.s32 s5, $0x0;
	s5 =	sld [smem:$0x3FAC]  }
0x2b: {  	s6 =	sld [smem:$0x3FAD]  }
0x2c: {  	s7 =	sld [smem:$0x3FAE]  }
0x2d: {  	s3 =	simm.s32 $0x108;
	s8 =	sld [smem:$0x3FAF]  }
0x2e: {  	s3 =	simm.s32 @!p0 $0x1082;
	s9 =	sld [smem:$0x3FB0]  }
0x2f: {  	lr =	sadd.s32 s0, s3;
	s0 =	sld [smem:$0x3FA7]  }
0x30: {  	s3 =	sld [smem:$0x3FAA]  }
0x31: {  	[smem:$0x3FB3] =	sst s10  }
0x32: {  	s10 =	sld [smem:$0x3FB1];
	_ =	sdelay $0x3  }
0x33: {  	p0 =	seq.s32 s10, $0x1;
	s10 =	sld [smem:$0x3FB3];
	_ =	sdelay $0x3  }
0x34: {  	[smem:$0x3FB3] =	sst s10  }
0x35: {  	s10 =	sld [smem:$0x3FB2];
	_ =	sdelay $0x3  }
0x36: {  	p1 =	seq.s32 s10, $0x1;
	s10 =	sld [smem:$0x3FB3];
	_ =	sdelay $0x3  }
0x37: {  	[smem:$0x3FB3] =	sst s10  }
0x38: {  	s10 =	sld [smem:$0x3FB4]  }
0x39: {  	_ = 	snop;
	(pc) =	sbr.ind lr, $3  }
0x3a: {  	_ = 	snop  }
0x3b: {  	_ = 	snop  }
0x3c: {  	p2 =	seq.s32 s10, $0x1;
	s10 =	sld [smem:$0x3FB3]  }
0x3d: {  	_ =	shalt  }
0x3e: {  	_ =	shalt  }
0x3f: {  	_ =	shalt  }
0x40: {  	_ =	shalt  }
0x41: {  	_ =	shalt  }
0x42: {  	_ =	shalt  }
0x43: {  	_ =	shalt  }
0x44: {  	_ =	shalt  }
0x45: {  	_ =	shalt  }
0x46: {  	_ =	shalt  }
0x47: {  	_ =	shalt  }
0x48: {  	_ =	shalt  }
0x49: {  	_ =	shalt  }
0x4a: {  	_ =	shalt  }
0x4b: {  	_ =	shalt  }
0x4c: {  	_ =	shalt  }
0x4d: {  	_ =	shalt  }
0x4e: {  	_ =	shalt  }
0x4f: {  	_ =	shalt  }
0x50: {  	_ =	shalt  }
0x51: {  	_ =	shalt  }
0x52: {  	_ =	shalt  }
0x53: {  	_ =	shalt  }
0x54: {  	_ =	shalt  }
0x55: {  	_ =	shalt  }
0x56: {  	_ =	shalt  }
0x57: {  	_ =	shalt  }
0x58: {  	_ =	shalt  }
0x59: {  	_ =	shalt  }
0x5a: {  	_ =	shalt  }
0x5b: {  	_ =	shalt  }
0x5c: {  	_ =	shalt  }
0x5d: {  	_ =	shalt  }
0x5e: {  	_ =	shalt  }
0x5f: {  	_ =	shalt  }
0x60: {  	_ =	shalt  }
0x61: {  	_ =	shalt  }
0x62: {  	_ =	shalt  }
0x63: {  	_ =	shalt  }
0x64: {  	_ =	shalt  }
0x65: {  	_ =	shalt  }
0x66: {  	_ =	shalt  }
0x67: {  	_ =	shalt  }
0x68: {  	_ =	shalt  }
0x69: {  	_ =	shalt  }
0x6a: {  	_ =	shalt  }
0x6b: {  	_ =	shalt  }
0x6c: {  	_ =	shalt  }
0x6d: {  	_ =	shalt  }
0x6e: {  	_ =	shalt  }
0x6f: {  	_ =	shalt  }
0x70: {  	_ =	shalt  }
0x71: {  	_ =	shalt  }
0x72: {  	_ =	shalt  }
0x73: {  	_ =	shalt  }
0x74: {  	_ =	shalt  }
0x75: {  	_ =	shalt  }
0x76: {  	_ =	shalt  }
0x77: {  	_ =	shalt  }
0x78: {  	_ =	shalt  }
0x79: {  	_ =	shalt  }
0x7a: {  	_ =	shalt  }
0x7b: {  	_ =	shalt  }
0x7c: {  	_ =	shalt  }
0x7d: {  	_ =	shalt  }
0x7e: {  	_ =	shalt  }
0x7f: {  	_ =	shalt  }
0x80: {  	_ =	shalt  }
0x81: {  	_ =	shalt  }
0x82: {  	_ =	shalt  }
0x83: {  	_ =	shalt  }
0x84: {  	_ =	shalt  }
0x85: {  	_ =	shalt  }
0x86: {  	_ =	shalt  }
0x87: {  	_ =	shalt  }
.Lfunc_end0:
.L_simem_size_0:
called_computation.2_lowered:
.L_overlay_start_0:
0x88: {  	s2 =	sld [smem:$0x3FD9]  }
0x89: {  	s3 =	sld [smem:$0x3FFE];
	_ =	sdelay $0x1  }
0x8a: {  	s1 =	srdreg.scid  }
0x8b: {  	s0 =	sand.u32 $0x1, s1  }
0x8c: {  	s17 =	sshll.u32 s0, $0xA;
	s2 =	sadd.s32 s3, s2  }
0x8d: {  	s2 =	sadd.s32 s2, s17  }
0x8e: {  	[smem:$0x3FBF] =	sst s2  }
0x8f: {  	_ = 	snop  }
0x90: {  	s2 =	sld [smem:$0x3FD0];
	(tm) =	ssettm $0x1  }
0x91: {  	s18 =	sld [smem:$0x3FFB];
	_ =	sdelay $0x3  }
0x92: {  	_ =	strace s18  }
0x93: {  	s3 =	sld [smem:$0x3FFC];
	_ =	sdelay $0x3  }
0x94: {  	_ =	strace s3  }
0x95: {  	s3 =	sld [smem:$0x3FFD];
	_ =	sdelay $0x3  }
0x96: {  	_ =	strace s3  }
0x97: {  	_ =	strace $0x8FFFFFFF  }
0x98: {  	s19 =	sld [smem:$0x3FDB];
	_ =	sdelay $0x1  }
0x99: {  	s4 =	simm.s32 $_scs_section_size  }
0x9a: {  	s5 =	simm.s32 $_size__tile_overlayer_lowered;
	s6 =	simm.s32 $_tile_overlayer_lowered  }
0x9b: {  	s22 =	simm.s32 $0x1BFF;
	s21 =	sshll.u32 s6, $0x1;
	s3 =	sadd.s32 s4, s19  }
0x9c: {  	s7 =	simm.s32 $0x0;
	s20 =	sshll.u32 s5, $0x1;
	s5 =	sadd.s32 s21, s3  }
0x9d: {  	[timem:s7], [sflag:s22] =	dma.local [hbm:s5], s20  }
0x9e: {  	_ =	swait.ge [sflag:s22], s20  }
0x9f: {  	s4 =	ssub.s32 $0x0, s20;
	[sflag:s22] =	ssyncset.done $0x0  }
0xa0: {  	[sflag:s22] =	ssyncadd.s32 s4;
	_ =	sdelay $0x1  }
0xa1: {  	s23 =	simm.s32 $0x1B8B  }
0xa2: {  	_ =	swait.ge [sflag:s23], $0x1  }
0xa3: {  	[sflag:s23] =	ssyncset.done $0x0  }
0xa4: {  	s25 =	simm.s32 $0x1B8E;
	s24 =	sld [smem:$0x3FFE];
	[sflag:s23] =	ssyncadd.s32 $0xFFFFFFFF  }
0xa5: {  	s26 =	simm.s32 $execute0_lowered;
	[smem:$0x3FD2] =	sst s25  }
0xa6: {  	s5 =	sshll.u32 s26, $0x1;
	_ =	strace $0x8000004C;
	[dreg:$0x1] =	wrdreg $0xFFFFFFFF  }
0xa7: {  	s28 =	simm.s32 $_size_execute0_lowered;
	s3 =	sadd.s32 s3, s5;
	[dreg:$0x0] =	wrdreg $0x0  }
0xa8: {  	s5 =	sshll.u32 s28, $0x1;
	[dreg:$0x2] =	wrdreg s3  }
0xa9: {  	[dreg:$0x3] =	wrdreg s5  }
0xaa: {  	[dreg:$0x4] =	wrdreg $0xC0  }
0xab: {  	_ =	task [dreg:s7], $0x5FFFF  }
0xac: {  	[dreg:$0x1] =	wrdreg $0xFFFFFFFF  }
0xad: {  	[dreg:$0x0] =	wrdreg $0x60  }
0xae: {  	[dreg:$0x2] =	wrdreg s24  }
0xaf: {  	[dreg:$0x3] =	wrdreg s2  }
0xb0: {  	[dreg:$0x4] =	wrdreg $0xA8000  }
0xb1: {  	[dreg:$0x5] =	wrdreg $0x9  }
0xb2: {  	_ =	task.clear_ibuf [dreg:s7], $0x6FFFF;
	_ =	strace $0x9000004C  }
0xb3: {  	s29 =	simm.s32 $0x9;
	_ =	strace $0x8000004E  }
0xb4: {  	_ =	swait.ge [sflag:s29], $0x1  }
0xb5: {  	[sflag:s29] =	ssyncadd.s32 $0xFFFFFFFF  }
0xb6: {  	_ =	strace $0x9000004E  }
0xb7: {  	_ =	sfence  }
0xb8: {  	s30 =	sld [smem:$0x0];
	_ =	sdelay $0x2  }
0xb9: {  	s31 =	sshll.u32 s1, $0xD;
	s1 =	sshrl.u32 s1, $0x2  }
0xba: {  	s3 =	sand.u32 $0x4000, s31;
	s1 =	sadd.s32 s1, s30  }
0xbb: {  	s0 =	sor.u32 s3, s0;
	s1 =	sshll.u32 s1, $0x11  }
0xbc: {  	s0 =	sor.u32 s1, s0  }
0xbd: {  	s0 =	sadd.s32 $0x8F2B, s0  }
0xbe: {  	[sflag:s0] =	ssyncadd.remote.s32 $0x1  }
0xbf: {  	_ =	sfence.sel $0xFFFF  }
0xc0: {  	[dreg:$0x0] =	wrdreg $0xFFFFFFFF;
	(pc) =	sbr.abs _section_cstart, $3  }
0xc1: {  	[dreg:$0x1] =	wrdreg $0xFFFFFFFF  }
0xc2: {  	_ =	task.clear_ibuf [dreg:s7], $0x2FFFF;
	_ =	strace $0x9FFFFFFF  }
0xc3: {  	(tm) =	ssettm $0x7FFFFFFF  }
tec
execute0_lowered:
.L_overlay_start_1:
0x0: {  	(tag) =	ssettag $0x1  }
0x1: {  	s6 =	rddreg [dreg:$0x0]  }
0x2: {  	s2 =	rddreg [dreg:$0x1];
	s0 =	srdreg.scid  }
0x3: {  	s3 =	rddreg [dreg:$0x2];
	s23 =	stileid.u32  }
0x4: {  	s4 =	simm.s32 $0x0;
	s20 =	simm.s32 $0x80;
	s9 =	smul.u32 $0x14000, s23  }
0x5: {  	s21 =	simm.s32 $0x2800;
	s22 =	simm.s32 $0x6800;
	s24 =	smul.u32 $0x50000, s23  }
0x6: {  	s28 =	simm.s32 $0x2780;
	s7 =	sand.u32 $0x1, s0;
	s10 =	smul.u32 $0x3C00, s23  }
0x7: {  	[smem:$0x7FF] =	sst s4;
	s5 =	sadd.s32 $0x16600, s6;
	s30 =	smul.u32 $0x780, s23  }
0x8: {  	s13 =	sadd.s32 $0x2600, s6;
	s14 =	sadd.s32 $0xC600, s6;
	s12 =	smul.u32 $0x1400, s23  }
0x9: {  	s29 =	sshll.u32 s23, $0x6;
	s23 =	simm.s32 $0x1;
	s8 =	smul.u32 $0x140000, s7  }
0xa: {  	_ =	strace $0x8000004D;
	s25 =	ssub.s32 $0x2, s7;
	p0 =	seq.s32 s7, $0x1  }
0xb: {  	s26 =	sshrl.u32 s25, $0x1;
	s11 =	sshrl.u32 s10, $0x3;
	s7 =	sadd.s32 s13, s30  }
0xc: {  	s19 =	sshrl.u32 s12, $0x3;
	s8 =	sadd.s32 s9, s8;
	s9 =	sshrl.u32 s24, $0x2  }
0xd: {  	s16 =	ssub.s32 s25, s26;
	s10 =	sadd.s32 $0x280, s11;
	s18 =	sadd.s32 $0x500, s11  }
0xe: {  	s31 =	sadd.s32 $0x7800, s19;
	s19 =	simm.s32 $0x1400;
	s24 =	simm.s32 $0x2  }
0xf: {  	s25 =	simm.s32 $0x1380;
	s26 =	simm.s32 $0x2700;
	s8 =	sshrl.u32 s8, $0x3  }
.Ltmp0:
0x10: {  	s17 =	sadd.s32 s9, s3;
	s9 =	sadd.s32 s13, s10;
	(pc) =	sbr.rel .LBB2_1-.Ltmp0, $4  }
0x11: {  	s10 =	sadd.s32 s14, s10;
	s11 =	sadd.s32 s13, s18;
	s12 =	sadd.s32 s14, s18  }
0x12: {  	s13 =	sadd.s32 s13, s31;
	s16 =	smax.u32 s16, $0x1;
	s18 =	simm.s32 $0x3  }
0x13: {  	s15 =	sadd.s32 s8, s6;
	s6 =	sor.u32 $0x1C03, s29;
	s8 =	sadd.s32 s14, s30  }
0x14: {  	s14 =	sadd.s32 s14, s31;
	s17 =	sshrl.u32 s17, $0x3;
	s15 =	sadd.s32 $0x3E600, s15  }
.LBB2_11:
0x15: {  	s0 =	sadd.s32 $0x80, s29;
	[sflag:s18] =	ssyncadd.s32 $0xFFFFC000  }
0x16: {  	[tilespmem:s22], [sflag:$0x2] =	stream.indirect.gather [hbm4b:s5+s20], $0x80, s0, s20, $0xb8;
	[tilespmem:$0x1E800] =	vst v63  }
0x17: {  	_ =	swait.ge [sflag:s23], $0x4000  }
0x18: {  	[sflag:s23] =	ssyncset.done $0x0  }
0x19: {  	s1 =	sadd.s32 $0x1400, s29;
	[sflag:s23] =	ssyncadd.s32 $0xFFFFC000  }
0x1a: {  	[spmem:s3] =	stream.indirect.scatter.add.f32 [tilespmem:s21], [sflag:$0x3], $0x80, s1, s20, $0xb8;
	[tilespmem:$0x1E800] =	vst v63  }
0x1b: {  	_ =	swait.ge [sflag:s18], $0x4000  }
0x1c: {  	[sflag:s18] =	ssyncset.done $0x0  }
0x1d: {  	s30 =	sadd.s32 $0x100, s29;
	[sflag:s18] =	ssyncadd.s32 $0xFFFFC000  }
0x1e: {  	[tilespmem:s21], [sflag:$0x1] =	stream.indirect.gather [hbm4b:s5+s20], $0x80, s30, s20, $0xb8;
	[tilespmem:$0x1E800] =	vst v63  }
0x1f: {  	_ =	swait.ge [sflag:s24], $0x4000  }
0x20: {  	[sflag:s24] =	ssyncset.done $0x0  }
0x21: {  	s31 =	sadd.s32 $0x1480, s29;
	[sflag:s24] =	ssyncadd.s32 $0xFFFFC000  }
0x22: {  	[spmem:s3] =	stream.indirect.scatter.add.f32 [tilespmem:s22], [sflag:$0x3], $0x80, s31, s20, $0xb8;
	[tilespmem:$0x1E800] =	vst v63  }
0x23: {  	_ =	swait.ge [sflag:s18], $0x4000  }
0x24: {  	[sflag:s18] =	ssyncset.done $0x0  }
0x25: {  	[sflag:s18] =	ssyncadd.s32 $0xFFFFC000  }
.LBB2_12:
0x26: {  	[tilespmem:s22], [sflag:$0x2] =	stream.indirect.gather [hbm4b:s5+s20], $0x80, s25, s20, $0xb8;
	[tilespmem:$0x1E800] =	vst v63  }
0x27: {  	_ =	swait.ge [sflag:s23], $0x4000  }
0x28: {  	[sflag:s23] =	ssyncset.done $0x0  }
0x29: {  	[sflag:s23] =	ssyncadd.s32 $0xFFFFC000  }
0x2a: {  	[spmem:s3] =	stream.indirect.scatter.add.f32 [tilespmem:s21], [sflag:$0x3], $0x80, s26, s20, $0xb8;
	[tilespmem:$0x1E800] =	vst v63  }
0x2b: {  	_ =	swait.ge [sflag:s18], $0x4000  }
0x2c: {  	[sflag:s18] =	ssyncset.done $0x0  }
0x2d: {  	[sflag:s18] =	ssyncadd.s32 $0xFFFFC000  }
0x2e: {  	_ =	swait.ge [sflag:s24], $0x4000  }
0x2f: {  	[sflag:s24] =	ssyncset.done $0x0  }
0x30: {  	[sflag:s24] =	ssyncadd.s32 $0xFFFFC000  }
0x31: {  	[spmem:s3] =	stream.indirect.scatter.add.f32 [tilespmem:s22], [sflag:$0x3], $0x80, s28, s20, $0xb8;
	[tilespmem:$0x1E800] =	vst v63  }
0x32: {  	_ =	swait.ge [sflag:s18], $0x4000  }
0x33: {  	s4 =	sadd.s32 $0x1, s4;
	[sflag:s18] =	ssyncset.done $0x0  }
0x34: {  	p1 =	sne.s32 s4, s16;
	[sflag:s18] =	ssyncadd.s32 $0xFFFFC000  }
.Ltmp1:
0x35: {  	[bflag:$0x0] =	sbarrier.arrive $0xFFFF;
	(pc) =	sbr.rel @!p1 .LBB2_13-.Ltmp1, $4  }
0x36: {  	[hbm:s15], [sflag:s6] =	dma.local [spmem:s17], $0x2800  }
0x37: {  	_ =	swait.ge [sflag:s18], $0x2800  }
0x38: {  	[sflag:s18] =	ssyncset.done $0x0  }
0x39: {  	[sflag:s18] =	ssyncadd.s32 $0xFFFFD800  }
.LBB2_1:
0x3a: {  	[spmem:s17], [sflag:s6] =	dma.local [hbm:s2], $0x2800  }
.Ltmp2:
0x3b: {  	_ =	swait.ge [sflag:s18], $0x2800;
	(pc) =	sbr.rel @!p0 .LBB2_2-.Ltmp2, $3  }
0x3c: {  	[sflag:s18] =	ssyncset.done $0x0  }
0x3d: {  	[sflag:s18] =	ssyncadd.s32 $0xFFFFD800  }
0x3e: {  	[bflag:$0x0] =	sbarrier.arrive $0xFFFF;
	_ =	sdelay $0x1  }
0x3f: {  	s0 =	simm.s32 $0x0  }
0x40: {  	[tilespmem:s0], [sflag:$0x3] =	stream.linear.gather [hbm4b:s13+s0], $0x1400, $0x38;
	[tilespmem:$0x1E800] =	vst v63  }
0x41: {  	_ =	swait.ge [sflag:s18], $0x1400  }
0x42: {  	[sflag:s18] =	ssyncset.done $0x0  }
0x43: {  	[sflag:s18] =	ssyncadd.s32 $0xFFFFEC00  }
0x44: {  	[tilespmem:s19], [sflag:$0x3] =	stream.linear.gather [hbm4b:s14+s0], $0x1400, $0x38;
	[tilespmem:$0x1E800] =	vst v63  }
0x45: {  	_ =	swait.ge [sflag:s18], $0x1400  }
0x46: {  	[sflag:s18] =	ssyncset.done $0x0  }
0x47: {  	[sflag:s18] =	ssyncadd.s32 $0xFFFFEC00  }
0x48: {  	[tilespmem:s21], [sflag:$0x1] =	stream.indirect.gather [hbm4b:s5+s20], $0x80, s0, s20, $0xb8;
	[tilespmem:$0x1E800] =	vst v63  }
0x49: {  	s1 =	simm.s32 $0x80  }
0x4a: {  	[tilespmem:s22], [sflag:$0x2] =	stream.indirect.gather [hbm4b:s5+s20], $0x80, s1, s20, $0xb8;
	[tilespmem:$0x1E800] =	vst v63  }
0x4b: {  	_ =	swait.ge [sflag:s23], $0x4000  }
0x4c: {  	[sflag:s23] =	ssyncset.done $0x0  }
0x4d: {  	s31 =	simm.s32 $0x1400;
	[sflag:s23] =	ssyncadd.s32 $0xFFFFC000  }
0x4e: {  	[spmem:s3] =	stream.indirect.scatter.add.f32 [tilespmem:s21], [sflag:$0x3], $0x80, s31, s20, $0xb8;
	[tilespmem:$0x1E800] =	vst v63  }
0x4f: {  	_ =	swait.ge [sflag:s18], $0x4000  }
0x50: {  	[sflag:s18] =	ssyncset.done $0x0  }
0x51: {  	s1 =	simm.s32 $0x100;
	[sflag:s18] =	ssyncadd.s32 $0xFFFFC000  }
0x52: {  	[tilespmem:s21], [sflag:$0x1] =	stream.indirect.gather [hbm4b:s5+s20], $0x80, s1, s20, $0xb8;
	[tilespmem:$0x1E800] =	vst v63  }
0x53: {  	_ =	swait.ge [sflag:s24], $0x4000  }
0x54: {  	[sflag:s24] =	ssyncset.done $0x0  }
0x55: {  	s31 =	simm.s32 $0x1480;
	[sflag:s24] =	ssyncadd.s32 $0xFFFFC000  }
0x56: {  	[spmem:s3] =	stream.indirect.scatter.add.f32 [tilespmem:s22], [sflag:$0x3], $0x80, s31, s20, $0xb8;
	[tilespmem:$0x1E800] =	vst v63  }
0x57: {  	_ =	swait.ge [sflag:s18], $0x4000  }
0x58: {  	s30 =	simm.s32 $0x800;
	s29 =	simm.s32 $0x100;
	[sflag:s18] =	ssyncset.done $0x0  }
.LBB2_10:
0x59: {  	s0 =	sadd.s32 $0x80, s29  }
0x5a: {  	[sflag:s18] =	ssyncadd.s32 $0xFFFFC000;
	s1 =	smov.u32 s30;
	s31 =	sadd.s32 $0x400, s30  }
0x5b: {  	[tilespmem:s22], [sflag:$0x2] =	stream.indirect.gather [hbm4b:s5+s20], $0x80, s0, s20, $0xb8;
	[tilespmem:$0x1E800] =	vst v63  }
0x5c: {  	p1 =	sne.s32 s30, $0x4800;
	_ =	swait.ge [sflag:s23], $0x4000  }
0x5d: {  	[sflag:s23] =	ssyncset.done $0x0  }
0x5e: {  	s0 =	sadd.s32 $0x1400, s29;
	[sflag:s23] =	ssyncadd.s32 $0xFFFFC000  }
0x5f: {  	[spmem:s3] =	stream.indirect.scatter.add.f32 [tilespmem:s21], [sflag:$0x3], $0x80, s0, s20, $0xb8;
	[tilespmem:$0x1E800] =	vst v63  }
0x60: {  	_ =	swait.ge [sflag:s18], $0x4000  }
0x61: {  	[sflag:s18] =	ssyncset.done $0x0  }
0x62: {  	s0 =	sadd.s32 $0x100, s29;
	[sflag:s18] =	ssyncadd.s32 $0xFFFFC000  }
0x63: {  	[tilespmem:s21], [sflag:$0x1] =	stream.indirect.gather [hbm4b:s5+s20], $0x80, s0, s20, $0xb8;
	[tilespmem:$0x1E800] =	vst v63  }
0x64: {  	_ =	swait.ge [sflag:s24], $0x4000  }
.Ltmp3:
0x65: {  	[sflag:s24] =	ssyncset.done $0x0;
	(pc) =	sbr.rel @p1 .LBB2_10-.Ltmp3, $4  }
0x66: {  	s0 =	sadd.s32 $0x1480, s29;
	[sflag:s24] =	ssyncadd.s32 $0xFFFFC000  }
0x67: {  	[spmem:s3] =	stream.indirect.scatter.add.f32 [tilespmem:s22], [sflag:$0x3], $0x80, s0, s20, $0xb8;
	[tilespmem:$0x1E800] =	vst v63  }
0x68: {  	_ =	swait.ge [sflag:s18], $0x4000  }
0x69: {  	s30 =	smov.u32 s31;
	s29 =	sshra.s32 s1, $0x2;
	[sflag:s18] =	ssyncset.done $0x0  }
.Ltmp4:
0x6a: {  	_ = 	snop;
	(pc) =	sbr.rel .LBB2_11-.Ltmp4, $1  }
0x6b: {  	_ =	sdelay $0x3  }
.LBB2_2:
0x6c: {  	s29 =	simm.s32 $0x0  }
0x6d: {  	[tilespmem:s29], [sflag:$0x3] =	stream.linear.gather [hbm4b:s7+s29], $0x1400, $0x38;
	[tilespmem:$0x1E800] =	vst v63  }
0x6e: {  	_ =	swait.ge [sflag:s18], $0x1400  }
0x6f: {  	[sflag:s18] =	ssyncset.done $0x0  }
0x70: {  	[sflag:s18] =	ssyncadd.s32 $0xFFFFEC00  }
0x71: {  	[tilespmem:s19], [sflag:$0x3] =	stream.linear.gather [hbm4b:s8+s29], $0x1400, $0x38;
	[tilespmem:$0x1E800] =	vst v63  }
0x72: {  	_ =	swait.ge [sflag:s18], $0x1400  }
0x73: {  	[sflag:s18] =	ssyncset.done $0x0  }
0x74: {  	[sflag:s18] =	ssyncadd.s32 $0xFFFFEC00  }
0x75: {  	[tilespmem:s21], [sflag:$0x1] =	stream.indirect.gather [hbm4b:s5+s20], $0x80, s29, s20, $0xb8;
	[tilespmem:$0x1E800] =	vst v63  }
0x76: {  	s29 =	simm.s32 $0x80  }
0x77: {  	[tilespmem:s22], [sflag:$0x2] =	stream.indirect.gather [hbm4b:s5+s20], $0x80, s29, s20, $0xb8;
	[tilespmem:$0x1E800] =	vst v63  }
0x78: {  	_ =	swait.ge [sflag:s23], $0x4000  }
0x79: {  	[sflag:s23] =	ssyncset.done $0x0  }
0x7a: {  	s29 =	simm.s32 $0x1400;
	[sflag:s23] =	ssyncadd.s32 $0xFFFFC000  }
0x7b: {  	[spmem:s3] =	stream.indirect.scatter.add.f32 [tilespmem:s21], [sflag:$0x3], $0x80, s29, s20, $0xb8;
	[tilespmem:$0x1E800] =	vst v63  }
0x7c: {  	_ =	swait.ge [sflag:s18], $0x4000  }
0x7d: {  	[sflag:s18] =	ssyncset.done $0x0  }
0x7e: {  	s29 =	simm.s32 $0x100;
	[sflag:s18] =	ssyncadd.s32 $0xFFFFC000  }
0x7f: {  	[tilespmem:s21], [sflag:$0x1] =	stream.indirect.gather [hbm4b:s5+s20], $0x80, s29, s20, $0xb8;
	[tilespmem:$0x1E800] =	vst v63  }
0x80: {  	_ =	swait.ge [sflag:s24], $0x4000  }
0x81: {  	[sflag:s24] =	ssyncset.done $0x0  }
0x82: {  	s29 =	simm.s32 $0x1480;
	[sflag:s24] =	ssyncadd.s32 $0xFFFFC000  }
0x83: {  	[spmem:s3] =	stream.indirect.scatter.add.f32 [tilespmem:s22], [sflag:$0x3], $0x80, s29, s20, $0xb8;
	[tilespmem:$0x1E800] =	vst v63  }
0x84: {  	_ =	swait.ge [sflag:s18], $0x4000  }
0x85: {  	s30 =	simm.s32 $0x800;
	s29 =	simm.s32 $0x100;
	[sflag:s18] =	ssyncset.done $0x0  }
.LBB2_3:
0x86: {  	s31 =	sadd.s32 $0x80, s29  }
0x87: {  	[sflag:s18] =	ssyncadd.s32 $0xFFFFC000;
	s0 =	smov.u32 s30;
	s1 =	sadd.s32 $0x400, s30  }
0x88: {  	[tilespmem:s22], [sflag:$0x2] =	stream.indirect.gather [hbm4b:s5+s20], $0x80, s31, s20, $0xb8;
	[tilespmem:$0x1E800] =	vst v63  }
0x89: {  	p1 =	sne.s32 s30, $0x4800;
	_ =	swait.ge [sflag:s23], $0x4000  }
0x8a: {  	[sflag:s23] =	ssyncset.done $0x0  }
0x8b: {  	s30 =	sadd.s32 $0x1400, s29;
	[sflag:s23] =	ssyncadd.s32 $0xFFFFC000  }
0x8c: {  	[spmem:s3] =	stream.indirect.scatter.add.f32 [tilespmem:s21], [sflag:$0x3], $0x80, s30, s20, $0xb8;
	[tilespmem:$0x1E800] =	vst v63  }
0x8d: {  	_ =	swait.ge [sflag:s18], $0x4000  }
0x8e: {  	[sflag:s18] =	ssyncset.done $0x0  }
0x8f: {  	s30 =	sadd.s32 $0x100, s29;
	[sflag:s18] =	ssyncadd.s32 $0xFFFFC000  }
0x90: {  	[tilespmem:s21], [sflag:$0x1] =	stream.indirect.gather [hbm4b:s5+s20], $0x80, s30, s20, $0xb8;
	[tilespmem:$0x1E800] =	vst v63  }
0x91: {  	_ =	swait.ge [sflag:s24], $0x4000  }
.Ltmp5:
0x92: {  	[sflag:s24] =	ssyncset.done $0x0;
	(pc) =	sbr.rel @p1 .LBB2_3-.Ltmp5, $4  }
0x93: {  	s29 =	sadd.s32 $0x1480, s29;
	[sflag:s24] =	ssyncadd.s32 $0xFFFFC000  }
0x94: {  	[spmem:s3] =	stream.indirect.scatter.add.f32 [tilespmem:s22], [sflag:$0x3], $0x80, s29, s20, $0xb8;
	[tilespmem:$0x1E800] =	vst v63  }
0x95: {  	_ =	swait.ge [sflag:s18], $0x4000  }
0x96: {  	s30 =	smov.u32 s1;
	s29 =	sshra.s32 s0, $0x2;
	[sflag:s18] =	ssyncset.done $0x0  }
0x97: {  	s0 =	sadd.s32 $0x80, s29;
	[sflag:s18] =	ssyncadd.s32 $0xFFFFC000  }
0x98: {  	[tilespmem:s22], [sflag:$0x2] =	stream.indirect.gather [hbm4b:s5+s20], $0x80, s0, s20, $0xb8;
	[tilespmem:$0x1E800] =	vst v63  }
0x99: {  	_ =	swait.ge [sflag:s23], $0x4000  }
0x9a: {  	[sflag:s23] =	ssyncset.done $0x0  }
0x9b: {  	s1 =	sadd.s32 $0x1400, s29;
	[sflag:s23] =	ssyncadd.s32 $0xFFFFC000  }
0x9c: {  	[spmem:s3] =	stream.indirect.scatter.add.f32 [tilespmem:s21], [sflag:$0x3], $0x80, s1, s20, $0xb8;
	[tilespmem:$0x1E800] =	vst v63  }
0x9d: {  	_ =	swait.ge [sflag:s18], $0x4000  }
0x9e: {  	[sflag:s18] =	ssyncset.done $0x0  }
0x9f: {  	s31 =	sadd.s32 $0x100, s29;
	[sflag:s18] =	ssyncadd.s32 $0xFFFFC000  }
0xa0: {  	[tilespmem:s21], [sflag:$0x1] =	stream.indirect.gather [hbm4b:s5+s20], $0x80, s31, s20, $0xb8;
	[tilespmem:$0x1E800] =	vst v63  }
0xa1: {  	_ =	swait.ge [sflag:s24], $0x4000  }
0xa2: {  	[sflag:s24] =	ssyncset.done $0x0  }
0xa3: {  	s1 =	sadd.s32 $0x1480, s29;
	[sflag:s24] =	ssyncadd.s32 $0xFFFFC000  }
0xa4: {  	[spmem:s3] =	stream.indirect.scatter.add.f32 [tilespmem:s22], [sflag:$0x3], $0x80, s1, s20, $0xb8;
	[tilespmem:$0x1E800] =	vst v63  }
0xa5: {  	_ =	swait.ge [sflag:s18], $0x4000  }
0xa6: {  	[sflag:s18] =	ssyncset.done $0x0  }
0xa7: {  	[sflag:s18] =	ssyncadd.s32 $0xFFFFC000  }
0xa8: {  	[tilespmem:s22], [sflag:$0x2] =	stream.indirect.gather [hbm4b:s5+s20], $0x80, s25, s20, $0xb8;
	[tilespmem:$0x1E800] =	vst v63  }
0xa9: {  	_ =	swait.ge [sflag:s23], $0x4000  }
0xaa: {  	[sflag:s23] =	ssyncset.done $0x0  }
0xab: {  	[sflag:s23] =	ssyncadd.s32 $0xFFFFC000  }
0xac: {  	[spmem:s3] =	stream.indirect.scatter.add.f32 [tilespmem:s21], [sflag:$0x3], $0x80, s26, s20, $0xb8;
	[tilespmem:$0x1E800] =	vst v63  }
0xad: {  	_ =	swait.ge [sflag:s18], $0x4000  }
0xae: {  	[sflag:s18] =	ssyncset.done $0x0  }
0xaf: {  	[sflag:s18] =	ssyncadd.s32 $0xFFFFC000  }
0xb0: {  	_ =	swait.ge [sflag:s24], $0x4000  }
0xb1: {  	[sflag:s24] =	ssyncset.done $0x0  }
0xb2: {  	[sflag:s24] =	ssyncadd.s32 $0xFFFFC000  }
0xb3: {  	[spmem:s3] =	stream.indirect.scatter.add.f32 [tilespmem:s22], [sflag:$0x3], $0x80, s28, s20, $0xb8;
	[tilespmem:$0x1E800] =	vst v63  }
0xb4: {  	_ =	swait.ge [sflag:s18], $0x4000  }
0xb5: {  	[sflag:s18] =	ssyncset.done $0x0  }
0xb6: {  	s31 =	simm.s32 $0x0;
	[sflag:s18] =	ssyncadd.s32 $0xFFFFC000  }
0xb7: {  	[tilespmem:s31], [sflag:$0x3] =	stream.linear.gather [hbm4b:s9+s31], $0x1400, $0x38;
	[tilespmem:$0x1E800] =	vst v63  }
0xb8: {  	_ =	swait.ge [sflag:s18], $0x1400  }
0xb9: {  	[sflag:s18] =	ssyncset.done $0x0  }
0xba: {  	[sflag:s18] =	ssyncadd.s32 $0xFFFFEC00  }
0xbb: {  	[tilespmem:s19], [sflag:$0x3] =	stream.linear.gather [hbm4b:s10+s31], $0x1400, $0x38;
	[tilespmem:$0x1E800] =	vst v63  }
0xbc: {  	_ =	swait.ge [sflag:s18], $0x1400  }
0xbd: {  	[sflag:s18] =	ssyncset.done $0x0  }
0xbe: {  	[sflag:s18] =	ssyncadd.s32 $0xFFFFEC00  }
0xbf: {  	[tilespmem:s21], [sflag:$0x1] =	stream.indirect.gather [hbm4b:s5+s20], $0x80, s31, s20, $0xb8;
	[tilespmem:$0x1E800] =	vst v63  }
0xc0: {  	s1 =	simm.s32 $0x80  }
0xc1: {  	[tilespmem:s22], [sflag:$0x2] =	stream.indirect.gather [hbm4b:s5+s20], $0x80, s1, s20, $0xb8;
	[tilespmem:$0x1E800] =	vst v63  }
0xc2: {  	_ =	swait.ge [sflag:s23], $0x4000  }
0xc3: {  	[sflag:s23] =	ssyncset.done $0x0  }
0xc4: {  	s31 =	simm.s32 $0x1400;
	[sflag:s23] =	ssyncadd.s32 $0xFFFFC000  }
0xc5: {  	[spmem:s3] =	stream.indirect.scatter.add.f32 [tilespmem:s21], [sflag:$0x3], $0x80, s31, s20, $0xb8;
	[tilespmem:$0x1E800] =	vst v63  }
0xc6: {  	_ =	swait.ge [sflag:s18], $0x4000  }
0xc7: {  	[sflag:s18] =	ssyncset.done $0x0  }
0xc8: {  	s1 =	simm.s32 $0x100;
	[sflag:s18] =	ssyncadd.s32 $0xFFFFC000  }
0xc9: {  	[tilespmem:s21], [sflag:$0x1] =	stream.indirect.gather [hbm4b:s5+s20], $0x80, s1, s20, $0xb8;
	[tilespmem:$0x1E800] =	vst v63  }
0xca: {  	_ =	swait.ge [sflag:s24], $0x4000  }
0xcb: {  	[sflag:s24] =	ssyncset.done $0x0  }
0xcc: {  	s31 =	simm.s32 $0x1480;
	[sflag:s24] =	ssyncadd.s32 $0xFFFFC000  }
0xcd: {  	[spmem:s3] =	stream.indirect.scatter.add.f32 [tilespmem:s22], [sflag:$0x3], $0x80, s31, s20, $0xb8;
	[tilespmem:$0x1E800] =	vst v63  }
0xce: {  	_ =	swait.ge [sflag:s18], $0x4000  }
0xcf: {  	s30 =	simm.s32 $0x800;
	s29 =	simm.s32 $0x100;
	[sflag:s18] =	ssyncset.done $0x0  }
.LBB2_5:
0xd0: {  	s0 =	sadd.s32 $0x80, s29  }
0xd1: {  	[sflag:s18] =	ssyncadd.s32 $0xFFFFC000;
	s1 =	smov.u32 s30;
	s31 =	sadd.s32 $0x400, s30  }
0xd2: {  	[tilespmem:s22], [sflag:$0x2] =	stream.indirect.gather [hbm4b:s5+s20], $0x80, s0, s20, $0xb8;
	[tilespmem:$0x1E800] =	vst v63  }
0xd3: {  	p1 =	sne.s32 s30, $0x4800;
	_ =	swait.ge [sflag:s23], $0x4000  }
0xd4: {  	[sflag:s23] =	ssyncset.done $0x0  }
0xd5: {  	s0 =	sadd.s32 $0x1400, s29;
	[sflag:s23] =	ssyncadd.s32 $0xFFFFC000  }
0xd6: {  	[spmem:s3] =	stream.indirect.scatter.add.f32 [tilespmem:s21], [sflag:$0x3], $0x80, s0, s20, $0xb8;
	[tilespmem:$0x1E800] =	vst v63  }
0xd7: {  	_ =	swait.ge [sflag:s18], $0x4000  }
0xd8: {  	[sflag:s18] =	ssyncset.done $0x0  }
0xd9: {  	s0 =	sadd.s32 $0x100, s29;
	[sflag:s18] =	ssyncadd.s32 $0xFFFFC000  }
0xda: {  	[tilespmem:s21], [sflag:$0x1] =	stream.indirect.gather [hbm4b:s5+s20], $0x80, s0, s20, $0xb8;
	[tilespmem:$0x1E800] =	vst v63  }
0xdb: {  	_ =	swait.ge [sflag:s24], $0x4000  }
.Ltmp6:
0xdc: {  	[sflag:s24] =	ssyncset.done $0x0;
	(pc) =	sbr.rel @p1 .LBB2_5-.Ltmp6, $4  }
0xdd: {  	s0 =	sadd.s32 $0x1480, s29;
	[sflag:s24] =	ssyncadd.s32 $0xFFFFC000  }
0xde: {  	[spmem:s3] =	stream.indirect.scatter.add.f32 [tilespmem:s22], [sflag:$0x3], $0x80, s0, s20, $0xb8;
	[tilespmem:$0x1E800] =	vst v63  }
0xdf: {  	_ =	swait.ge [sflag:s18], $0x4000  }
0xe0: {  	s30 =	smov.u32 s31;
	s29 =	sshra.s32 s1, $0x2;
	[sflag:s18] =	ssyncset.done $0x0  }
0xe1: {  	s0 =	sadd.s32 $0x80, s29;
	[sflag:s18] =	ssyncadd.s32 $0xFFFFC000  }
0xe2: {  	[tilespmem:s22], [sflag:$0x2] =	stream.indirect.gather [hbm4b:s5+s20], $0x80, s0, s20, $0xb8;
	[tilespmem:$0x1E800] =	vst v63  }
0xe3: {  	_ =	swait.ge [sflag:s23], $0x4000  }
0xe4: {  	[sflag:s23] =	ssyncset.done $0x0  }
0xe5: {  	s1 =	sadd.s32 $0x1400, s29;
	[sflag:s23] =	ssyncadd.s32 $0xFFFFC000  }
0xe6: {  	[spmem:s3] =	stream.indirect.scatter.add.f32 [tilespmem:s21], [sflag:$0x3], $0x80, s1, s20, $0xb8;
	[tilespmem:$0x1E800] =	vst v63  }
0xe7: {  	_ =	swait.ge [sflag:s18], $0x4000  }
0xe8: {  	[sflag:s18] =	ssyncset.done $0x0  }
0xe9: {  	s31 =	sadd.s32 $0x100, s29;
	[sflag:s18] =	ssyncadd.s32 $0xFFFFC000  }
0xea: {  	[tilespmem:s21], [sflag:$0x1] =	stream.indirect.gather [hbm4b:s5+s20], $0x80, s31, s20, $0xb8;
	[tilespmem:$0x1E800] =	vst v63  }
0xeb: {  	_ =	swait.ge [sflag:s24], $0x4000  }
0xec: {  	[sflag:s24] =	ssyncset.done $0x0  }
0xed: {  	s1 =	sadd.s32 $0x1480, s29;
	[sflag:s24] =	ssyncadd.s32 $0xFFFFC000  }
0xee: {  	[spmem:s3] =	stream.indirect.scatter.add.f32 [tilespmem:s22], [sflag:$0x3], $0x80, s1, s20, $0xb8;
	[tilespmem:$0x1E800] =	vst v63  }
0xef: {  	_ =	swait.ge [sflag:s18], $0x4000  }
0xf0: {  	[sflag:s18] =	ssyncset.done $0x0  }
0xf1: {  	[sflag:s18] =	ssyncadd.s32 $0xFFFFC000  }
0xf2: {  	[tilespmem:s22], [sflag:$0x2] =	stream.indirect.gather [hbm4b:s5+s20], $0x80, s25, s20, $0xb8;
	[tilespmem:$0x1E800] =	vst v63  }
0xf3: {  	_ =	swait.ge [sflag:s23], $0x4000  }
0xf4: {  	[sflag:s23] =	ssyncset.done $0x0  }
0xf5: {  	[sflag:s23] =	ssyncadd.s32 $0xFFFFC000  }
0xf6: {  	[spmem:s3] =	stream.indirect.scatter.add.f32 [tilespmem:s21], [sflag:$0x3], $0x80, s26, s20, $0xb8;
	[tilespmem:$0x1E800] =	vst v63  }
0xf7: {  	_ =	swait.ge [sflag:s18], $0x4000  }
0xf8: {  	[sflag:s18] =	ssyncset.done $0x0  }
0xf9: {  	[sflag:s18] =	ssyncadd.s32 $0xFFFFC000  }
0xfa: {  	_ =	swait.ge [sflag:s24], $0x4000  }
0xfb: {  	[sflag:s24] =	ssyncset.done $0x0  }
0xfc: {  	[sflag:s24] =	ssyncadd.s32 $0xFFFFC000  }
0xfd: {  	[spmem:s3] =	stream.indirect.scatter.add.f32 [tilespmem:s22], [sflag:$0x3], $0x80, s28, s20, $0xb8;
	[tilespmem:$0x1E800] =	vst v63  }
0xfe: {  	_ =	swait.ge [sflag:s18], $0x4000  }
0xff: {  	[sflag:s18] =	ssyncset.done $0x0  }
0x100: {  	s31 =	simm.s32 $0x0;
	[sflag:s18] =	ssyncadd.s32 $0xFFFFC000  }
0x101: {  	[tilespmem:s31], [sflag:$0x3] =	stream.linear.gather [hbm4b:s11+s31], $0x1400, $0x38;
	[tilespmem:$0x1E800] =	vst v63  }
0x102: {  	_ =	swait.ge [sflag:s18], $0x1400  }
0x103: {  	[sflag:s18] =	ssyncset.done $0x0  }
0x104: {  	[sflag:s18] =	ssyncadd.s32 $0xFFFFEC00  }
0x105: {  	[tilespmem:s19], [sflag:$0x3] =	stream.linear.gather [hbm4b:s12+s31], $0x1400, $0x38;
	[tilespmem:$0x1E800] =	vst v63  }
0x106: {  	_ =	swait.ge [sflag:s18], $0x1400  }
0x107: {  	[sflag:s18] =	ssyncset.done $0x0  }
0x108: {  	[sflag:s18] =	ssyncadd.s32 $0xFFFFEC00  }
0x109: {  	[tilespmem:s21], [sflag:$0x1] =	stream.indirect.gather [hbm4b:s5+s20], $0x80, s31, s20, $0xb8;
	[tilespmem:$0x1E800] =	vst v63  }
0x10a: {  	s1 =	simm.s32 $0x80  }
0x10b: {  	[tilespmem:s22], [sflag:$0x2] =	stream.indirect.gather [hbm4b:s5+s20], $0x80, s1, s20, $0xb8;
	[tilespmem:$0x1E800] =	vst v63  }
0x10c: {  	_ =	swait.ge [sflag:s23], $0x4000  }
0x10d: {  	[sflag:s23] =	ssyncset.done $0x0  }
0x10e: {  	s31 =	simm.s32 $0x1400;
	[sflag:s23] =	ssyncadd.s32 $0xFFFFC000  }
0x10f: {  	[spmem:s3] =	stream.indirect.scatter.add.f32 [tilespmem:s21], [sflag:$0x3], $0x80, s31, s20, $0xb8;
	[tilespmem:$0x1E800] =	vst v63  }
0x110: {  	_ =	swait.ge [sflag:s18], $0x4000  }
0x111: {  	[sflag:s18] =	ssyncset.done $0x0  }
0x112: {  	s1 =	simm.s32 $0x100;
	[sflag:s18] =	ssyncadd.s32 $0xFFFFC000  }
0x113: {  	[tilespmem:s21], [sflag:$0x1] =	stream.indirect.gather [hbm4b:s5+s20], $0x80, s1, s20, $0xb8;
	[tilespmem:$0x1E800] =	vst v63  }
0x114: {  	_ =	swait.ge [sflag:s24], $0x4000  }
0x115: {  	[sflag:s24] =	ssyncset.done $0x0  }
0x116: {  	s31 =	simm.s32 $0x1480;
	[sflag:s24] =	ssyncadd.s32 $0xFFFFC000  }
0x117: {  	[spmem:s3] =	stream.indirect.scatter.add.f32 [tilespmem:s22], [sflag:$0x3], $0x80, s31, s20, $0xb8;
	[tilespmem:$0x1E800] =	vst v63  }
0x118: {  	_ =	swait.ge [sflag:s18], $0x4000  }
0x119: {  	s30 =	simm.s32 $0x800;
	s29 =	simm.s32 $0x100;
	[sflag:s18] =	ssyncset.done $0x0  }
.LBB2_7:
0x11a: {  	s0 =	sadd.s32 $0x80, s29  }
0x11b: {  	[sflag:s18] =	ssyncadd.s32 $0xFFFFC000;
	s1 =	smov.u32 s30;
	s31 =	sadd.s32 $0x400, s30  }
0x11c: {  	[tilespmem:s22], [sflag:$0x2] =	stream.indirect.gather [hbm4b:s5+s20], $0x80, s0, s20, $0xb8;
	[tilespmem:$0x1E800] =	vst v63  }
0x11d: {  	p1 =	seq.s32 s30, $0x4800;
	_ =	swait.ge [sflag:s23], $0x4000  }
0x11e: {  	[sflag:s23] =	ssyncset.done $0x0  }
0x11f: {  	s0 =	sadd.s32 $0x1400, s29;
	[sflag:s23] =	ssyncadd.s32 $0xFFFFC000  }
0x120: {  	[spmem:s3] =	stream.indirect.scatter.add.f32 [tilespmem:s21], [sflag:$0x3], $0x80, s0, s20, $0xb8;
	[tilespmem:$0x1E800] =	vst v63  }
0x121: {  	_ =	swait.ge [sflag:s18], $0x4000  }
0x122: {  	[sflag:s18] =	ssyncset.done $0x0  }
0x123: {  	s0 =	sadd.s32 $0x100, s29;
	[sflag:s18] =	ssyncadd.s32 $0xFFFFC000  }
0x124: {  	[tilespmem:s21], [sflag:$0x1] =	stream.indirect.gather [hbm4b:s5+s20], $0x80, s0, s20, $0xb8;
	[tilespmem:$0x1E800] =	vst v63  }
0x125: {  	_ =	swait.ge [sflag:s24], $0x4000  }
.Ltmp7:
0x126: {  	[sflag:s24] =	ssyncset.done $0x0;
	(pc) =	sbr.rel @!p1 .LBB2_7-.Ltmp7, $4  }
0x127: {  	s0 =	sadd.s32 $0x1480, s29;
	[sflag:s24] =	ssyncadd.s32 $0xFFFFC000  }
0x128: {  	[spmem:s3] =	stream.indirect.scatter.add.f32 [tilespmem:s22], [sflag:$0x3], $0x80, s0, s20, $0xb8;
	[tilespmem:$0x1E800] =	vst v63  }
0x129: {  	_ =	swait.ge [sflag:s18], $0x4000  }
0x12a: {  	s30 =	smov.u32 s31;
	s29 =	sshra.s32 s1, $0x2;
	[sflag:s18] =	ssyncset.done $0x0  }
0x12b: {  	s0 =	sadd.s32 $0x80, s29;
	[sflag:s18] =	ssyncadd.s32 $0xFFFFC000  }
0x12c: {  	[tilespmem:s22], [sflag:$0x2] =	stream.indirect.gather [hbm4b:s5+s20], $0x80, s0, s20, $0xb8;
	[tilespmem:$0x1E800] =	vst v63  }
0x12d: {  	_ =	swait.ge [sflag:s23], $0x4000  }
0x12e: {  	[sflag:s23] =	ssyncset.done $0x0  }
0x12f: {  	s1 =	sadd.s32 $0x1400, s29;
	[sflag:s23] =	ssyncadd.s32 $0xFFFFC000  }
0x130: {  	[spmem:s3] =	stream.indirect.scatter.add.f32 [tilespmem:s21], [sflag:$0x3], $0x80, s1, s20, $0xb8;
	[tilespmem:$0x1E800] =	vst v63  }
0x131: {  	_ =	swait.ge [sflag:s18], $0x4000  }
0x132: {  	[sflag:s18] =	ssyncset.done $0x0  }
0x133: {  	s30 =	sadd.s32 $0x100, s29;
	[sflag:s18] =	ssyncadd.s32 $0xFFFFC000  }
0x134: {  	[tilespmem:s21], [sflag:$0x1] =	stream.indirect.gather [hbm4b:s5+s20], $0x80, s30, s20, $0xb8;
	[tilespmem:$0x1E800] =	vst v63  }
0x135: {  	_ =	swait.ge [sflag:s24], $0x4000  }
0x136: {  	[sflag:s24] =	ssyncset.done $0x0  }
.Ltmp8:
0x137: {  	s31 =	sadd.s32 $0x1480, s29;
	[sflag:s24] =	ssyncadd.s32 $0xFFFFC000;
	(pc) =	sbr.rel .LBB2_12-.Ltmp8, $4  }
0x138: {  	[spmem:s3] =	stream.indirect.scatter.add.f32 [tilespmem:s22], [sflag:$0x3], $0x80, s31, s20, $0xb8;
	[tilespmem:$0x1E800] =	vst v63  }
0x139: {  	_ =	swait.ge [sflag:s18], $0x4000  }
0x13a: {  	[sflag:s18] =	ssyncset.done $0x0  }
0x13b: {  	[sflag:s18] =	ssyncadd.s32 $0xFFFFC000  }
.LBB2_13:
0x13c: {  	_ =	sfence.sel $0x180000  }
0x13d: {  	[bflag:$0x0] =	sbarrier.arrive $0xFFFF  }
0x13e: {  	_ =	strace $0x9000004D  }
0x13f: {  	s0 =	stileid.u32;
	[bflag:$0x2] =	sbarrier.arrive $0xFFFF  }
0x140: {  	p0 =	sne.s32 s0, $0x0;
	s0 =	rddreg [dreg:$0x3]  }
0x141: {  	s0 =	sadd.s32 @!p0 $0x100000, s0  }
0x142: {  	[sflag:s0] =	ssyncadd.tile.s32 @!p0 $0x1;
	_ =	shalt  }
.Lfunc_end2:
_tile_overlayer_lowered:
.L_overlay_start_2:
0x143: {  	(tag) =	ssettag $0x2  }
0x144: {  	s0 =	rddreg [dreg:$0x0];
	s2 =	stileid.u32  }
0x145: {  	s1 =	rddreg [dreg:$0x1];
	p0 =	sne.s32 s2, $0x0  }
0x146: {  	s3 =	rddreg [dreg:$0x2];
	[bflag:$0x3] =	sbarrier.arrive $0xFFFF;
	s2 =	simm.s32 @!p0 $0x1C03  }
0x147: {  	[timem:s3], [sflag:s2] =	dma.local @!p0 [hbm:s0], s1  }
0x148: {  	s0 =	simm.s32 @!p0 $0x3  }
0x149: {  	_ =	swait.ge @!p0 [sflag:s0], s1  }
0x14a: {  	s1 =	ssub.s32 @!p0 $0x0, s1;
	[sflag:s0] =	ssyncset.done @!p0 $0x0  }
0x14b: {  	[sflag:s0] =	ssyncadd.s32 @!p0 s1  }
0x14c: {  	[bflag:$0x3] =	sbarrier.arrive $0xFFFF  }
0x14d: {  	_ =	shalt  }

// kernel: kernel.18.cloned.1.call-start
scs
__scs_entry_jumppad:
0x0: {  	(pc) =	sbr.rel $0x88, $3  }
0x1: {  	(tag) =	ssettag $0x0;
	lr =	simm.s32 $0x1  }
0x2: {  	[smem:$0x3F98] =	sst lr;
	_ =	strace $0xD0000000  }
0x3: {  	_ = 	snop  }
0x4: {  	_ = 	snop  }
0x5: {  	_ = 	snop  }
0x6: {  	_ = 	snop  }
0x7: {  	_ = 	snop  }
__scs_overlays_trampoline_lowered:
0x8: {  	[smem:$0x3FA7] =	sst s0  }
0x9: {  	[smem:$0x3FA8] =	sst s1  }
0xa: {  	[smem:$0x3FA9] =	sst s2  }
0xb: {  	[smem:$0x3FAA] =	sst s3  }
0xc: {  	[smem:$0x3FAB] =	sst s4  }
0xd: {  	[smem:$0x3FAC] =	sst s5  }
0xe: {  	[smem:$0x3FAD] =	sst s6  }
0xf: {  	[smem:$0x3FAE] =	sst s7  }
0x10: {  	[smem:$0x3FAF] =	sst s8  }
0x11: {  	[smem:$0x3FB0] =	sst s9;
	s0 =	simm.s32 @!p0 $0x0  }
0x12: {  	s1 =	sld [smem:$0x3F96];
	s0 =	simm.s32 @p0 $0x1  }
0x13: {  	[smem:$0x3FB1] =	sst s0;
	s0 =	simm.s32 @!p1 $0x0  }
0x14: {  	s2 =	sld [smem:$0x3F95];
	s0 =	simm.s32 @p1 $0x1  }
0x15: {  	[smem:$0x3FB2] =	sst s0;
	s0 =	simm.s32 @!p2 $0x0  }
0x16: {  	s3 =	sld [smem:$0x3FDB];
	s0 =	simm.s32 @p2 $0x1  }
0x17: {  	s4 =	simm.s32 $0x1BF5;
	[smem:$0x3FB4] =	sst s0  }
0x18: {  	s0 =	sld [smem:$0x3F97];
	_ =	swait.ge [sflag:s4], $0x0  }
0x19: {  	s7 =	sld [smem:$0x3F98]  }
0x1a: {  	s8 =	sadd.s32 $0xFFFFE003, lr  }
0x1b: {  	s9 =	sadd.s32 $0xFFFFFEF7, lr;
	s5 =	simm.s32 $0xFFFFFFFF;
	p2 =	slt.u32 s8, $0xFFFFF086  }
0x1c: {  	p1 =	slt.u32 s9, $0xF7A;
	s5 =	simm.s32 @!p2 $0x0  }
0x1d: {  	s5 =	simm.s32 @p1 $0x1;
	p0 =	seq.s32 s7, s2  }
0x1e: {  	s7 =	smul.u32 @!p0 $0xF7A, s2;
	p2 =	seq.s32 @!p0 s5, $0x0  }
0x1f: {  	s9 =	smul.u32 $0xF7A, s1;
	s8 =	simm.s32 @!p0 $0x1BF5;
	p2 =	por !p2, p0  }
0x20: {  	[sflag:s8] =	ssyncset.s32 @!p0 $0xFFFFF086;
	s6 =	sadd.s32 @!p0 s3, s7;
	s7 =	simm.s32 @!p0 $0x108  }
0x21: {  	s3 =	sadd.s32 s3, s9;
	s6 =	sadd.s32 @!p0 $0x88, s6;
	s7 =	simm.s32 @p2 $0x1082  }
0x22: {  	[simem:s7], [sflag:s8] =	dma.local @!p0 [hbm:s6], $0xF7A  }
0x23: {  	s9 =	sor.u32 $0xD0000000, s2;
	s6 =	simm.s32 $0x108;
	_ =	swait.ge @!p0 [sflag:s8], $0x0  }
0x24: {  	s3 =	sadd.s32 $0x88, s3;
	s6 =	simm.s32 @!p1 $0x1082;
	[sflag:s4] =	ssyncset.s32 $0xFFFFF086  }
0x25: {  	[simem:s6], [sflag:s4] =	dma.local [hbm:s3], $0xF7A  }
0x26: {  	[smem:$0x3F98] =	sst s1;
	(tag) =	ssettag s2;
	_ =	strace s9  }
0x27: {  	s1 =	sld [smem:$0x3FA8]  }
0x28: {  	s2 =	sld [smem:$0x3FA9]  }
0x29: {  	s4 =	sld [smem:$0x3FAB]  }
0x2a: {  	p0 =	seq.s32 s5, $0x0;
	s5 =	sld [smem:$0x3FAC]  }
0x2b: {  	s6 =	sld [smem:$0x3FAD]  }
0x2c: {  	s7 =	sld [smem:$0x3FAE]  }
0x2d: {  	s3 =	simm.s32 $0x108;
	s8 =	sld [smem:$0x3FAF]  }
0x2e: {  	s3 =	simm.s32 @!p0 $0x1082;
	s9 =	sld [smem:$0x3FB0]  }
0x2f: {  	lr =	sadd.s32 s0, s3;
	s0 =	sld [smem:$0x3FA7]  }
0x30: {  	s3 =	sld [smem:$0x3FAA]  }
0x31: {  	[smem:$0x3FB3] =	sst s10  }
0x32: {  	s10 =	sld [smem:$0x3FB1];
	_ =	sdelay $0x3  }
0x33: {  	p0 =	seq.s32 s10, $0x1;
	s10 =	sld [smem:$0x3FB3];
	_ =	sdelay $0x3  }
0x34: {  	[smem:$0x3FB3] =	sst s10  }
0x35: {  	s10 =	sld [smem:$0x3FB2];
	_ =	sdelay $0x3  }
0x36: {  	p1 =	seq.s32 s10, $0x1;
	s10 =	sld [smem:$0x3FB3];
	_ =	sdelay $0x3  }
0x37: {  	[smem:$0x3FB3] =	sst s10  }
0x38: {  	s10 =	sld [smem:$0x3FB4]  }
0x39: {  	_ = 	snop;
	(pc) =	sbr.ind lr, $3  }
0x3a: {  	_ = 	snop  }
0x3b: {  	_ = 	snop  }
0x3c: {  	p2 =	seq.s32 s10, $0x1;
	s10 =	sld [smem:$0x3FB3]  }
0x3d: {  	_ =	shalt  }
0x3e: {  	_ =	shalt  }
0x3f: {  	_ =	shalt  }
0x40: {  	_ =	shalt  }
0x41: {  	_ =	shalt  }
0x42: {  	_ =	shalt  }
0x43: {  	_ =	shalt  }
0x44: {  	_ =	shalt  }
0x45: {  	_ =	shalt  }
0x46: {  	_ =	shalt  }
0x47: {  	_ =	shalt  }
0x48: {  	_ =	shalt  }
0x49: {  	_ =	shalt  }
0x4a: {  	_ =	shalt  }
0x4b: {  	_ =	shalt  }
0x4c: {  	_ =	shalt  }
0x4d: {  	_ =	shalt  }
0x4e: {  	_ =	shalt  }
0x4f: {  	_ =	shalt  }
0x50: {  	_ =	shalt  }
0x51: {  	_ =	shalt  }
0x52: {  	_ =	shalt  }
0x53: {  	_ =	shalt  }
0x54: {  	_ =	shalt  }
0x55: {  	_ =	shalt  }
0x56: {  	_ =	shalt  }
0x57: {  	_ =	shalt  }
0x58: {  	_ =	shalt  }
0x59: {  	_ =	shalt  }
0x5a: {  	_ =	shalt  }
0x5b: {  	_ =	shalt  }
0x5c: {  	_ =	shalt  }
0x5d: {  	_ =	shalt  }
0x5e: {  	_ =	shalt  }
0x5f: {  	_ =	shalt  }
0x60: {  	_ =	shalt  }
0x61: {  	_ =	shalt  }
0x62: {  	_ =	shalt  }
0x63: {  	_ =	shalt  }
0x64: {  	_ =	shalt  }
0x65: {  	_ =	shalt  }
0x66: {  	_ =	shalt  }
0x67: {  	_ =	shalt  }
0x68: {  	_ =	shalt  }
0x69: {  	_ =	shalt  }
0x6a: {  	_ =	shalt  }
0x6b: {  	_ =	shalt  }
0x6c: {  	_ =	shalt  }
0x6d: {  	_ =	shalt  }
0x6e: {  	_ =	shalt  }
0x6f: {  	_ =	shalt  }
0x70: {  	_ =	shalt  }
0x71: {  	_ =	shalt  }
0x72: {  	_ =	shalt  }
0x73: {  	_ =	shalt  }
0x74: {  	_ =	shalt  }
0x75: {  	_ =	shalt  }
0x76: {  	_ =	shalt  }
0x77: {  	_ =	shalt  }
0x78: {  	_ =	shalt  }
0x79: {  	_ =	shalt  }
0x7a: {  	_ =	shalt  }
0x7b: {  	_ =	shalt  }
0x7c: {  	_ =	shalt  }
0x7d: {  	_ =	shalt  }
0x7e: {  	_ =	shalt  }
0x7f: {  	_ =	shalt  }
0x80: {  	_ =	shalt  }
0x81: {  	_ =	shalt  }
0x82: {  	_ =	shalt  }
0x83: {  	_ =	shalt  }
0x84: {  	_ =	shalt  }
0x85: {  	_ =	shalt  }
0x86: {  	_ =	shalt  }
0x87: {  	_ =	shalt  }
.Lfunc_end0:
.L_simem_size_0:
called_computation.3_lowered:
.L_overlay_start_0:
0x88: {  	s2 =	sld [smem:$0x3FD9]  }
0x89: {  	s3 =	sld [smem:$0x3FFE];
	_ =	sdelay $0x1  }
0x8a: {  	s1 =	srdreg.scid  }
0x8b: {  	s0 =	sand.u32 $0x1, s1  }
0x8c: {  	s17 =	sshll.u32 s0, $0xA;
	s2 =	sadd.s32 s3, s2  }
0x8d: {  	s2 =	sadd.s32 s2, s17  }
0x8e: {  	[smem:$0x3FBF] =	sst s2  }
0x8f: {  	_ = 	snop  }
0x90: {  	s2 =	sld [smem:$0x3FD0];
	(tm) =	ssettm $0x1  }
0x91: {  	s18 =	sld [smem:$0x3FFB];
	_ =	sdelay $0x3  }
0x92: {  	_ =	strace s18  }
0x93: {  	s3 =	sld [smem:$0x3FFC];
	_ =	sdelay $0x3  }
0x94: {  	_ =	strace s3  }
0x95: {  	s3 =	sld [smem:$0x3FFD];
	_ =	sdelay $0x3  }
0x96: {  	_ =	strace s3  }
0x97: {  	_ =	strace $0x8FFFFFFF  }
0x98: {  	s19 =	sld [smem:$0x3FDB];
	_ =	sdelay $0x1  }
0x99: {  	s4 =	simm.s32 $_scs_section_size  }
0x9a: {  	s5 =	simm.s32 $_size__tile_overlayer_lowered;
	s6 =	simm.s32 $_tile_overlayer_lowered  }
0x9b: {  	s22 =	simm.s32 $0x1BFF;
	s21 =	sshll.u32 s6, $0x1;
	s3 =	sadd.s32 s4, s19  }
0x9c: {  	s7 =	simm.s32 $0x0;
	s20 =	sshll.u32 s5, $0x1;
	s5 =	sadd.s32 s21, s3  }
0x9d: {  	[timem:s7], [sflag:s22] =	dma.local [hbm:s5], s20  }
0x9e: {  	_ =	swait.ge [sflag:s22], s20  }
0x9f: {  	s4 =	ssub.s32 $0x0, s20;
	[sflag:s22] =	ssyncset.done $0x0  }
0xa0: {  	[sflag:s22] =	ssyncadd.s32 s4;
	_ =	sdelay $0x1  }
0xa1: {  	s23 =	simm.s32 $0x1B8B  }
0xa2: {  	_ =	swait.ge [sflag:s23], $0x1  }
0xa3: {  	[sflag:s23] =	ssyncset.done $0x0  }
0xa4: {  	s25 =	simm.s32 $0x1B8E;
	s24 =	sld [smem:$0x3FFE];
	[sflag:s23] =	ssyncadd.s32 $0xFFFFFFFF  }
0xa5: {  	s26 =	simm.s32 $execute0_lowered;
	[smem:$0x3FD2] =	sst s25  }
0xa6: {  	s5 =	sshll.u32 s26, $0x1;
	_ =	strace $0x8000004F;
	[dreg:$0x1] =	wrdreg $0xFFFFFFFF  }
0xa7: {  	s28 =	simm.s32 $_size_execute0_lowered;
	s3 =	sadd.s32 s3, s5;
	[dreg:$0x0] =	wrdreg $0x0  }
0xa8: {  	s5 =	sshll.u32 s28, $0x1;
	[dreg:$0x2] =	wrdreg s3  }
0xa9: {  	[dreg:$0x3] =	wrdreg s5  }
0xaa: {  	[dreg:$0x4] =	wrdreg $0xC0  }
0xab: {  	_ =	task [dreg:s7], $0x5FFFF  }
0xac: {  	[dreg:$0x1] =	wrdreg $0xFFFFFFFF  }
0xad: {  	[dreg:$0x0] =	wrdreg $0x60  }
0xae: {  	[dreg:$0x2] =	wrdreg s2  }
0xaf: {  	[dreg:$0x3] =	wrdreg s24  }
0xb0: {  	[dreg:$0x4] =	wrdreg $0x9  }
0xb1: {  	_ =	task.clear_ibuf [dreg:s7], $0x5FFFF;
	_ =	strace $0x9000004F  }
0xb2: {  	s29 =	simm.s32 $0x9;
	_ =	strace $0x80000051  }
0xb3: {  	_ =	swait.ge [sflag:s29], $0x1  }
0xb4: {  	[sflag:s29] =	ssyncadd.s32 $0xFFFFFFFF  }
0xb5: {  	_ =	strace $0x90000051  }
0xb6: {  	_ =	sfence  }
0xb7: {  	s30 =	sld [smem:$0x0];
	_ =	sdelay $0x2  }
0xb8: {  	s31 =	sshll.u32 s1, $0xD;
	s1 =	sshrl.u32 s1, $0x2  }
0xb9: {  	s3 =	sand.u32 $0x4000, s31;
	s1 =	sadd.s32 s1, s30  }
0xba: {  	s0 =	sor.u32 s3, s0;
	s1 =	sshll.u32 s1, $0x11  }
0xbb: {  	s0 =	sor.u32 s1, s0  }
0xbc: {  	s0 =	sadd.s32 $0x8F2B, s0  }
0xbd: {  	[sflag:s0] =	ssyncadd.remote.s32 $0x1  }
0xbe: {  	_ =	sfence.sel $0xFFFF  }
0xbf: {  	[dreg:$0x0] =	wrdreg $0xFFFFFFFF;
	(pc) =	sbr.abs _section_cstart, $3  }
0xc0: {  	[dreg:$0x1] =	wrdreg $0xFFFFFFFF  }
0xc1: {  	_ =	task.clear_ibuf [dreg:s7], $0x2FFFF;
	_ =	strace $0x9FFFFFFF  }
0xc2: {  	(tm) =	ssettm $0x7FFFFFFF  }
0xc3: {  	_ =	shalt  }
tec
execute0_lowered:
.L_overlay_start_1:
0x0: {  	(tag) =	ssettag $0x1  }
0x1: {  	s2 =	rddreg [dreg:$0x0];
	s1 =	srdreg.scid  }
0x2: {  	s0 =	stileid.u32;
	s4 =	rddreg [dreg:$0x1]  }
0x3: {  	s11 =	simm.s32 $0x1;
	s12 =	simm.s32 $0x2800;
	s13 =	simm.s32 $0x5000  }
0x4: {  	s14 =	simm.s32 $0x7800;
	s15 =	simm.s32 $0xA000;
	s16 =	simm.s32 $0xC800  }
0x5: {  	s17 =	simm.s32 $0xF000;
	s5 =	sand.u32 $0x1, s1;
	s3 =	sshll.u32 s0, $0x1  }
0x6: {  	s18 =	simm.s32 $0x0;
	s6 =	sor.u32 s5, s3;
	s3 =	simm.s32 $0x0  }
0x7: {  	s5 =	ssub.s32 $0x2, s5;
	s6 =	smul.u32 $0x500, s6;
	[smem:$0x7FF] =	sst s3  }
0x8: {  	s1 =	rddreg [dreg:$0x2];
	s7 =	sshrl.u32 s5, $0x1;
	_ =	strace $0x80000050  }
0x9: {  	s10 =	ssub.s32 s5, s7;
	s5 =	sadd.s32 $0xA00, s2;
	s9 =	sadd.s32 s6, s4  }
0xa: {  	s4 =	sadd.s32 $0x500, s2;
	s10 =	smax.u32 s10, $0x1;
	s6 =	sadd.s32 $0x8E600, s9  }
0xb: {  	s7 =	sadd.s32 $0x98600, s9;
	s8 =	sadd.s32 $0xA2600, s9;
	s9 =	sadd.s32 $0x2600, s9  }
.LBB2_1:
0xc: {  	[tilespmem:s3], [sflag:$0x1] =	stream.linear.gather [hbm4b:s2+s3], $0x2800, $0x38;
	[tilespmem:$0x11800] =	vst v63  }
0xd: {  	_ =	swait.ge [sflag:s11], $0x2800  }
0xe: {  	[sflag:s11] =	ssyncset.done $0x0  }
0xf: {  	[sflag:s11] =	ssyncadd.s32 $0xFFFFD800  }
0x10: {  	[tilespmem:s12], [sflag:$0x1] =	stream.linear.gather [hbm4b:s4+s3], $0x2800, $0x38;
	[tilespmem:$0x11800] =	vst v63  }
0x11: {  	_ =	swait.ge [sflag:s11], $0x2800  }
0x12: {  	[sflag:s11] =	ssyncset.done $0x0  }
0x13: {  	[sflag:s11] =	ssyncadd.s32 $0xFFFFD800  }
0x14: {  	[tilespmem:s13], [sflag:$0x1] =	stream.linear.gather [hbm4b:s5+s3], $0x2800, $0x38;
	[tilespmem:$0x11800] =	vst v63  }
0x15: {  	_ =	swait.ge [sflag:s11], $0x2800  }
0x16: {  	[sflag:s11] =	ssyncset.done $0x0  }
0x17: {  	[sflag:s11] =	ssyncadd.s32 $0xFFFFD800  }
0x18: {  	[tilespmem:s14], [sflag:$0x1] =	stream.linear.gather [hbm4b:s6+s3], $0x2800, $0x38;
	[tilespmem:$0x11800] =	vst v63  }
0x19: {  	_ =	swait.ge [sflag:s11], $0x2800  }
0x1a: {  	[sflag:s11] =	ssyncset.done $0x0  }
0x1b: {  	[sflag:s11] =	ssyncadd.s32 $0xFFFFD800  }
0x1c: {  	[tilespmem:s15], [sflag:$0x1] =	stream.linear.gather [hbm4b:s7+s3], $0x2800, $0x38;
	[tilespmem:$0x11800] =	vst v63  }
0x1d: {  	_ =	swait.ge [sflag:s11], $0x2800  }
0x1e: {  	[sflag:s11] =	ssyncset.done $0x0  }
0x1f: {  	[sflag:s11] =	ssyncadd.s32 $0xFFFFD800  }
0x20: {  	[tilespmem:s16], [sflag:$0x1] =	stream.linear.gather [hbm4b:s8+s3], $0x2800, $0x38;
	[tilespmem:$0x11800] =	vst v63  }
0x21: {  	_ =	swait.ge [sflag:s11], $0x2800  }
0x22: {  	[sflag:s11] =	ssyncset.done $0x0  }
0x23: {  	s19 =	simm.s32 $0x0;
	[sflag:s11] =	ssyncadd.s32 $0xFFFFD800  }
0x24: {  	v0 =	vld [tilespmem:s19+$0xA000]  }
0x25: {  	v1 =	vld [tilespmem:s19+$0x7800]  }
0x26: {  	v3 =	vld [tilespmem:s19+$0xC800];
	_ =	sdelay $0x5  }
0x27: {  	v0 =	vld.idx.msk [tilespmem:v0+s12+$0x0], $0xffff  }
0x28: {  	v2 =	vld.idx.msk [tilespmem:v1+s3+$0x0], $0xffff  }
0x29: {  	s20 =	simm.s32 $0x10;
	v3 =	vld.idx.msk [tilespmem:v3+s13+$0x0], $0xffff  }
0x2a: {  	s21 =	simm.s32 $0x80;
	v1 =	vld [tilespmem:s20+$0xA000]  }
.LBB2_2:
0x2b: {  	p0 =	sne.s32 s21, $0x9FC0;
	v4 =	vld [tilespmem:s20+$0x7800];
	_ =	sdelay $0x1  }
0x2c: {  	v0 =	vadd.f32 v0, v2;
	v5 =	vld [tilespmem:s20+$0xC800];
	_ =	sdelay $0x1  }
0x2d: {  	v0 =	vadd.f32 v3, v0;
	_ =	sdelay $0x1  }
0x2e: {  	[tilespmem:s19+$0xF000] =	vst v0;
	s19 =	smov.u32 s20  }
.Ltmp0:
0x2f: {  	v0 =	vld.idx.msk [tilespmem:v1+s12+$0x0], $0xffff;
	(pc) =	sbr.rel @p0 .LBB2_2-.Ltmp0, $3  }
0x30: {  	v2 =	vld.idx.msk [tilespmem:v4+s3+$0x0], $0xffff;
	_ =	sdelay $0x1  }
0x31: {  	s20 =	sshra.s32 s21, $0x2;
	v3 =	vld.idx.msk [tilespmem:v5+s13+$0x0], $0xffff  }
0x32: {  	s21 =	sadd.s32 $0x40, s21;
	v1 =	vld [tilespmem:s20+$0xA000]  }
0x33: {  	_ = 	snop  }
0x34: {  	v4 =	vld [tilespmem:s20+$0x7800];
	_ =	sdelay $0x1  }
0x35: {  	v5 =	vld [tilespmem:s20+$0xC800];
	v0 =	vadd.f32 v0, v2;
	_ =	sdelay $0x1  }
0x36: {  	v0 =	vadd.f32 v3, v0;
	_ =	sdelay $0x1  }
0x37: {  	[tilespmem:s19+$0xF000] =	vst v0  }
0x38: {  	v0 =	vld.idx.msk [tilespmem:v1+s12+$0x0], $0xffff  }
0x39: {  	v62 =	vld.idx.msk [tilespmem:v4+s3+$0x0], $0xffff;
	_ =	sdelay $0x1  }
0x3a: {  	v63 =	vld.idx.msk [tilespmem:v5+s13+$0x0], $0xffff;
	_ =	sdelay $0x2  }
0x3b: {  	v0 =	vadd.f32 v0, v62;
	_ =	sdelay $0x1  }
0x3c: {  	s18 =	sadd.s32 $0x1, s18;
	v0 =	vadd.f32 v63, v0  }
0x3d: {  	p0 =	sne.s32 s18, s10  }
.Ltmp1:
0x3e: {  	[tilespmem:s20+$0xF000] =	vst v0;
	(pc) =	sbr.rel @p0 .LBB2_1-.Ltmp1, $4  }
0x3f: {  	[hbm4b:s9+s3] =	stream.linear.scatter [tilespmem:s17], [sflag:$0x1], $0x2800, $0x38;
	[tilespmem:$0x11800] =	vst v63  }
0x40: {  	_ =	swait.ge [sflag:s11], $0x2800  }
0x41: {  	[sflag:s11] =	ssyncset.done $0x0  }
0x42: {  	[sflag:s11] =	ssyncadd.s32 $0xFFFFD800  }
0x43: {  	_ =	sfence.sel $0x180000  }
0x44: {  	[bflag:$0x0] =	sbarrier.arrive $0xFFFF  }
0x45: {  	p0 =	sne.s32 s0, $0x0;
	_ =	strace $0x90000050  }
0x46: {  	s0 =	sadd.s32 @!p0 $0x100000, s1;
	[bflag:$0x2] =	sbarrier.arrive $0xFFFF  }
0x47: {  	[sflag:s0] =	ssyncadd.tile.s32 @!p0 $0x1;
	_ =	shalt  }
.Lfunc_end2:
_tile_overlayer_lowered:
.L_overlay_start_2:
0x48: {  	(tag) =	ssettag $0x2  }
0x49: {  	s0 =	rddreg [dreg:$0x0];
	s2 =	stileid.u32  }
0x4a: {  	s1 =	rddreg [dreg:$0x1];
	p0 =	sne.s32 s2, $0x0  }
0x4b: {  	s3 =	rddreg [dreg:$0x2];
	[bflag:$0x3] =	sbarrier.arrive $0xFFFF;
	s2 =	simm.s32 @!p0 $0x1C01  }
0x4c: {  	[timem:s3], [sflag:s2] =	dma.local @!p0 [hbm:s0], s1  }
0x4d: {  	s0 =	simm.s32 @!p0 $0x1  }
0x4e: {  	_ =	swait.ge @!p0 [sflag:s0], s1  }
0x4f: {  	s1 =	ssub.s32 @!p0 $0x0, s1;
	[sflag:s0] =	ssyncset.done @!p0 $0x0  }
0x50: {  	[sflag:s0] =	ssyncadd.s32 @!p0 s1  }
0x51: {  	[bflag:$0x3] =	sbarrier.arrive $0xFFFF  }
0x52: {  	_ =	shalt  }

// kernel: kernel.9.cloned.1.call-start
scs
__scs_entry_jumppad:
0x0: {  	(pc) =	sbr.rel $0x88, $3  }
0x1: {  	(tag) =	ssettag $0x0;
	lr =	simm.s32 $0x1  }
0x2: {  	[smem:$0x3F98] =	sst lr;
	_ =	strace $0xD0000000  }
0x3: {  	_ = 	snop  }
0x4: {  	_ = 	snop  }
0x5: {  	_ = 	snop  }
0x6: {  	_ = 	snop  }
0x7: {  	_ = 	snop  }
__scs_overlays_trampoline_lowered:
0x8: {  	[smem:$0x3FA7] =	sst s0  }
0x9: {  	[smem:$0x3FA8] =	sst s1  }
0xa: {  	[smem:$0x3FA9] =	sst s2  }
0xb: {  	[smem:$0x3FAA] =	sst s3  }
0xc: {  	[smem:$0x3FAB] =	sst s4  }
0xd: {  	[smem:$0x3FAC] =	sst s5  }
0xe: {  	[smem:$0x3FAD] =	sst s6  }
0xf: {  	[smem:$0x3FAE] =	sst s7  }
0x10: {  	[smem:$0x3FAF] =	sst s8  }
0x11: {  	[smem:$0x3FB0] =	sst s9;
	s0 =	simm.s32 @!p0 $0x0  }
0x12: {  	s1 =	sld [smem:$0x3F96];
	s0 =	simm.s32 @p0 $0x1  }
0x13: {  	[smem:$0x3FB1] =	sst s0;
	s0 =	simm.s32 @!p1 $0x0  }
0x14: {  	s2 =	sld [smem:$0x3F95];
	s0 =	simm.s32 @p1 $0x1  }
0x15: {  	[smem:$0x3FB2] =	sst s0;
	s0 =	simm.s32 @!p2 $0x0  }
0x16: {  	s3 =	sld [smem:$0x3FDB];
	s0 =	simm.s32 @p2 $0x1  }
0x17: {  	s4 =	simm.s32 $0x1BF5;
	[smem:$0x3FB4] =	sst s0  }
0x18: {  	s0 =	sld [smem:$0x3F97];
	_ =	swait.ge [sflag:s4], $0x0  }
0x19: {  	s7 =	sld [smem:$0x3F98]  }
0x1a: {  	s8 =	sadd.s32 $0xFFFFE003, lr  }
0x1b: {  	s9 =	sadd.s32 $0xFFFFFEF7, lr;
	s5 =	simm.s32 $0xFFFFFFFF;
	p2 =	slt.u32 s8, $0xFFFFF086  }
0x1c: {  	p1 =	slt.u32 s9, $0xF7A;
	s5 =	simm.s32 @!p2 $0x0  }
0x1d: {  	s5 =	simm.s32 @p1 $0x1;
	p0 =	seq.s32 s7, s2  }
0x1e: {  	s7 =	smul.u32 @!p0 $0xF7A, s2;
	p2 =	seq.s32 @!p0 s5, $0x0  }
0x1f: {  	s9 =	smul.u32 $0xF7A, s1;
	s8 =	simm.s32 @!p0 $0x1BF5;
	p2 =	por !p2, p0  }
0x20: {  	[sflag:s8] =	ssyncset.s32 @!p0 $0xFFFFF086;
	s6 =	sadd.s32 @!p0 s3, s7;
	s7 =	simm.s32 @!p0 $0x108  }
0x21: {  	s3 =	sadd.s32 s3, s9;
	s6 =	sadd.s32 @!p0 $0x88, s6;
	s7 =	simm.s32 @p2 $0x1082  }
0x22: {  	[simem:s7], [sflag:s8] =	dma.local @!p0 [hbm:s6], $0xF7A  }
0x23: {  	s9 =	sor.u32 $0xD0000000, s2;
	s6 =	simm.s32 $0x108;
	_ =	swait.ge @!p0 [sflag:s8], $0x0  }
0x24: {  	s3 =	sadd.s32 $0x88, s3;
	s6 =	simm.s32 @!p1 $0x1082;
	[sflag:s4] =	ssyncset.s32 $0xFFFFF086  }
0x25: {  	[simem:s6], [sflag:s4] =	dma.local [hbm:s3], $0xF7A  }
0x26: {  	[smem:$0x3F98] =	sst s1;
	(tag) =	ssettag s2;
	_ =	strace s9  }
0x27: {  	s1 =	sld [smem:$0x3FA8]  }
0x28: {  	s2 =	sld [smem:$0x3FA9]  }
0x29: {  	s4 =	sld [smem:$0x3FAB]  }
0x2a: {  	p0 =	seq.s32 s5, $0x0;
	s5 =	sld [smem:$0x3FAC]  }
0x2b: {  	s6 =	sld [smem:$0x3FAD]  }
0x2c: {  	s7 =	sld [smem:$0x3FAE]  }
0x2d: {  	s3 =	simm.s32 $0x108;
	s8 =	sld [smem:$0x3FAF]  }
0x2e: {  	s3 =	simm.s32 @!p0 $0x1082;
	s9 =	sld [smem:$0x3FB0]  }
0x2f: {  	lr =	sadd.s32 s0, s3;
	s0 =	sld [smem:$0x3FA7]  }
0x30: {  	s3 =	sld [smem:$0x3FAA]  }
0x31: {  	[smem:$0x3FB3] =	sst s10  }
0x32: {  	s10 =	sld [smem:$0x3FB1];
	_ =	sdelay $0x3  }
0x33: {  	p0 =	seq.s32 s10, $0x1;
	s10 =	sld [smem:$0x3FB3];
	_ =	sdelay $0x3  }
0x34: {  	[smem:$0x3FB3] =	sst s10  }
0x35: {  	s10 =	sld [smem:$0x3FB2];
	_ =	sdelay $0x3  }
0x36: {  	p1 =	seq.s32 s10, $0x1;
	s10 =	sld [smem:$0x3FB3];
	_ =	sdelay $0x3  }
0x37: {  	[smem:$0x3FB3] =	sst s10  }
0x38: {  	s10 =	sld [smem:$0x3FB4]  }
0x39: {  	_ = 	snop;
	(pc) =	sbr.ind lr, $3  }
0x3a: {  	_ = 	snop  }
0x3b: {  	_ = 	snop  }
0x3c: {  	p2 =	seq.s32 s10, $0x1;
	s10 =	sld [smem:$0x3FB3]  }
0x3d: {  	_ =	shalt  }
0x3e: {  	_ =	shalt  }
0x3f: {  	_ =	shalt  }
0x40: {  	_ =	shalt  }
0x41: {  	_ =	shalt  }
0x42: {  	_ =	shalt  }
0x43: {  	_ =	shalt  }
0x44: {  	_ =	shalt  }
0x45: {  	_ =	shalt  }
0x46: {  	_ =	shalt  }
0x47: {  	_ =	shalt  }
0x48: {  	_ =	shalt  }
0x49: {  	_ =	shalt  }
0x4a: {  	_ =	shalt  }
0x4b: {  	_ =	shalt  }
0x4c: {  	_ =	shalt  }
0x4d: {  	_ =	shalt  }
0x4e: {  	_ =	shalt  }
0x4f: {  	_ =	shalt  }
0x50: {  	_ =	shalt  }
0x51: {  	_ =	shalt  }
0x52: {  	_ =	shalt  }
0x53: {  	_ =	shalt  }
0x54: {  	_ =	shalt  }
0x55: {  	_ =	shalt  }
0x56: {  	_ =	shalt  }
0x57: {  	_ =	shalt  }
0x58: {  	_ =	shalt  }
0x59: {  	_ =	shalt  }
0x5a: {  	_ =	shalt  }
0x5b: {  	_ =	shalt  }
0x5c: {  	_ =	shalt  }
0x5d: {  	_ =	shalt  }
0x5e: {  	_ =	shalt  }
0x5f: {  	_ =	shalt  }
0x60: {  	_ =	shalt  }
0x61: {  	_ =	shalt  }
0x62: {  	_ =	shalt  }
0x63: {  	_ =	shalt  }
0x64: {  	_ =	shalt  }
0x65: {  	_ =	shalt  }
0x66: {  	_ =	shalt  }
0x67: {  	_ =	shalt  }
0x68: {  	_ =	shalt  }
0x69: {  	_ =	shalt  }
0x6a: {  	_ =	shalt  }
0x6b: {  	_ =	shalt  }
0x6c: {  	_ =	shalt  }
0x6d: {  	_ =	shalt  }
0x6e: {  	_ =	shalt  }
0x6f: {  	_ =	shalt  }
0x70: {  	_ =	shalt  }
0x71: {  	_ =	shalt  }
0x72: {  	_ =	shalt  }
0x73: {  	_ =	shalt  }
0x74: {  	_ =	shalt  }
0x75: {  	_ =	shalt  }
0x76: {  	_ =	shalt  }
0x77: {  	_ =	shalt  }
0x78: {  	_ =	shalt  }
0x79: {  	_ =	shalt  }
0x7a: {  	_ =	shalt  }
0x7b: {  	_ =	shalt  }
0x7c: {  	_ =	shalt  }
0x7d: {  	_ =	shalt  }
0x7e: {  	_ =	shalt  }
0x7f: {  	_ =	shalt  }
0x80: {  	_ =	shalt  }
0x81: {  	_ =	shalt  }
0x82: {  	_ =	shalt  }
0x83: {  	_ =	shalt  }
0x84: {  	_ =	shalt  }
0x85: {  	_ =	shalt  }
0x86: {  	_ =	shalt  }
0x87: {  	_ =	shalt  }
.Lfunc_end0:
.L_simem_size_0:
called_computation_lowered:
.L_overlay_start_0:
0x88: {  	s2 =	sld [smem:$0x3FD9]  }
0x89: {  	s3 =	sld [smem:$0x3FFE];
	_ =	sdelay $0x1  }
0x8a: {  	s1 =	srdreg.scid  }
0x8b: {  	s0 =	sand.u32 $0x1, s1  }
0x8c: {  	s17 =	sshll.u32 s0, $0xA;
	s2 =	sadd.s32 s3, s2  }
0x8d: {  	s2 =	sadd.s32 s2, s17  }
0x8e: {  	[smem:$0x3FBF] =	sst s2  }
0x8f: {  	_ = 	snop  }
0x90: {  	s2 =	sld [smem:$0x3FD0];
	(tm) =	ssettm $0x1  }
0x91: {  	s18 =	sld [smem:$0x3FFB];
	_ =	sdelay $0x3  }
0x92: {  	_ =	strace s18  }
0x93: {  	s3 =	sld [smem:$0x3FFC];
	_ =	sdelay $0x3  }
0x94: {  	_ =	strace s3  }
0x95: {  	s3 =	sld [smem:$0x3FFD];
	_ =	sdelay $0x3  }
0x96: {  	_ =	strace s3  }
0x97: {  	_ =	strace $0x8FFFFFFF  }
0x98: {  	s19 =	sld [smem:$0x3FDB];
	_ =	sdelay $0x1  }
0x99: {  	s4 =	simm.s32 $_scs_section_size  }
0x9a: {  	s5 =	simm.s32 $_size__tile_overlayer_lowered;
	s6 =	simm.s32 $_tile_overlayer_lowered  }
0x9b: {  	s22 =	simm.s32 $0x1BFF;
	s21 =	sshll.u32 s6, $0x1;
	s3 =	sadd.s32 s4, s19  }
0x9c: {  	s7 =	simm.s32 $0x0;
	s20 =	sshll.u32 s5, $0x1;
	s5 =	sadd.s32 s21, s3  }
0x9d: {  	[timem:s7], [sflag:s22] =	dma.local [hbm:s5], s20  }
0x9e: {  	_ =	swait.ge [sflag:s22], s20  }
0x9f: {  	s4 =	ssub.s32 $0x0, s20;
	[sflag:s22] =	ssyncset.done $0x0  }
0xa0: {  	[sflag:s22] =	ssyncadd.s32 s4;
	_ =	sdelay $0x1  }
0xa1: {  	s23 =	simm.s32 $0x1B8B  }
0xa2: {  	_ =	swait.ge [sflag:s23], $0x1  }
0xa3: {  	[sflag:s23] =	ssyncset.done $0x0  }
0xa4: {  	s25 =	simm.s32 $0x1B8E;
	s24 =	sld [smem:$0x3FFE];
	[sflag:s23] =	ssyncadd.s32 $0xFFFFFFFF  }
0xa5: {  	s26 =	simm.s32 $execute0_lowered;
	[smem:$0x3FD2] =	sst s25  }
0xa6: {  	s5 =	sshll.u32 s26, $0x1;
	_ =	strace $0x80000046;
	[dreg:$0x1] =	wrdreg $0xFFFFFFFF  }
0xa7: {  	s28 =	simm.s32 $_size_execute0_lowered;
	s3 =	sadd.s32 s3, s5;
	[dreg:$0x0] =	wrdreg $0x0  }
0xa8: {  	s5 =	sshll.u32 s28, $0x1;
	[dreg:$0x2] =	wrdreg s3  }
0xa9: {  	[dreg:$0x3] =	wrdreg s5  }
0xaa: {  	[dreg:$0x4] =	wrdreg $0xC0  }
0xab: {  	_ =	task [dreg:s7], $0x5FFFF  }
0xac: {  	[dreg:$0x1] =	wrdreg $0xFFFFFFFF  }
0xad: {  	[dreg:$0x0] =	wrdreg $0x60  }
0xae: {  	[dreg:$0x2] =	wrdreg s24  }
0xaf: {  	[dreg:$0x3] =	wrdreg s2  }
0xb0: {  	[dreg:$0x4] =	wrdreg $0x28800  }
0xb1: {  	[dreg:$0x5] =	wrdreg $0x9  }
0xb2: {  	_ =	task.clear_ibuf [dreg:s7], $0x6FFFF;
	_ =	strace $0x90000046  }
0xb3: {  	s29 =	simm.s32 $0x9;
	_ =	strace $0x80000048  }
0xb4: {  	_ =	swait.ge [sflag:s29], $0x1  }
0xb5: {  	[sflag:s29] =	ssyncadd.s32 $0xFFFFFFFF  }
0xb6: {  	_ =	strace $0x90000048  }
0xb7: {  	_ =	sfence  }
0xb8: {  	s30 =	sld [smem:$0x0];
	_ =	sdelay $0x2  }
0xb9: {  	s31 =	sshll.u32 s1, $0xD;
	s1 =	sshrl.u32 s1, $0x2  }
0xba: {  	s3 =	sand.u32 $0x4000, s31;
	s1 =	sadd.s32 s1, s30  }
0xbb: {  	s0 =	sor.u32 s3, s0;
	s1 =	sshll.u32 s1, $0x11  }
0xbc: {  	s0 =	sor.u32 s1, s0  }
0xbd: {  	s0 =	sadd.s32 $0x8F2B, s0  }
0xbe: {  	[sflag:s0] =	ssyncadd.remote.s32 $0x1  }
0xbf: {  	_ =	sfence.sel $0xFFFF  }
0xc0: {  	[dreg:$0x0] =	wrdreg $0xFFFFFFFF;
	(pc) =	sbr.abs _section_cstart, $3  }
0xc1: {  	[dreg:$0x1] =	wrdreg $0xFFFFFFFF  }
0xc2: {  	_ =	task.clear_ibuf [dreg:s7], $0x2FFFF;
	_ =	strace $0x9FFFFFFF  }
0xc3: {  	(tm) =	ssettm $0x7FFFFFFF  }
tec
execute0_lowered:
.L_overlay_start_1:
0x0: {  	(tag) =	ssettag $0x1  }
0x1: {  	s5 =	rddreg [dreg:$0x0];
	s1 =	srdreg.scid  }
0x2: {  	s0 =	stileid.u32;
	s8 =	rddreg [dreg:$0x1]  }
0x3: {  	s2 =	rddreg [dreg:$0x2];
	s3 =	simm.s32 $0x0;
	s13 =	simm.s32 $0x80  }
0x4: {  	s14 =	simm.s32 $0x0;
	s4 =	sand.u32 $0x1, s1;
	s1 =	rddreg [dreg:$0x3]  }
0x5: {  	s26 =	sshll.u32 s0, $0x1;
	[smem:$0x7FF] =	sst s3;
	s7 =	smul.u32 $0x280, s0  }
0x6: {  	s31 =	sshll.u32 s0, $0x6;
	s6 =	sor.u32 s4, s26;
	_ =	strace $0x80000047  }
0x7: {  	s9 =	ssub.s32 $0x2, s4;
	s10 =	smul.u32 $0x2800, s4;
	s4 =	sadd.s32 $0x16800, s5  }
0x8: {  	s6 =	smul.u32 $0x500, s6;
	s28 =	sshrl.u32 s9, $0x1;
	s30 =	sadd.s32 s7, s2  }
0x9: {  	s9 =	ssub.s32 s9, s28;
	s29 =	sadd.s32 s7, s10;
	s10 =	sshrl.u32 s30, $0x3  }
0xa: {  	s11 =	sadd.s32 s6, s5;
	s5 =	sadd.s32 $0x16600, s5;
	s12 =	sshrl.u32 s29, $0x3  }
0xb: {  	s6 =	sor.u32 $0x1C01, s31;
	s9 =	smax.u32 s9, $0x1;
	s7 =	sadd.s32 $0xC600, s11  }
0xc: {  	s8 =	sadd.s32 s8, s12;
	s11 =	simm.s32 $0x1;
	s12 =	simm.s32 $0x2800  }
.LBB2_1:
0xd: {  	[spmem:s10], [sflag:s6] =	dma.local [hbm:s5], $0x50  }
0xe: {  	_ =	swait.ge [sflag:s11], $0x50  }
0xf: {  	[sflag:s11] =	ssyncset.done $0x0  }
0x10: {  	[sflag:s11] =	ssyncadd.s32 $0xFFFFFFB0  }
0x11: {  	[tilespmem:s12], [sflag:$0x1] =	stream.linear.gather [hbm4b:s4+s3], $0x80, $0x38;
	[tilespmem:$0x2B00] =	vst v63  }
0x12: {  	_ =	swait.ge [sflag:s11], $0x80  }
0x13: {  	[sflag:s11] =	ssyncset.done $0x0  }
0x14: {  	[sflag:s11] =	ssyncadd.s32 $0xFFFFFF80  }
0x15: {  	[tilespmem:s3], [sflag:$0x1] =	stream.linear.gather [hbm4b:s7+s3], $0x2800, $0x38;
	[tilespmem:$0x2B00] =	vst v63  }
0x16: {  	_ =	swait.ge [sflag:s11], $0x2800  }
0x17: {  	[sflag:s11] =	ssyncset.done $0x0  }
0x18: {  	[sflag:s11] =	ssyncadd.s32 $0xFFFFD800  }
0x19: {  	s15 =	simm.s32 $0x0;
	[bflag:$0x0] =	sbarrier.arrive $0xFFFF  }
0x1a: {  	[spmem:s2] =	stream.indirect.scatter.add.f32 [tilespmem:s12], [sflag:$0x1], $0x1, s15, s13, $0xb8;
	[tilespmem:$0x2B00] =	vst v63  }
0x1b: {  	_ =	swait.ge [sflag:s11], $0x80  }
0x1c: {  	s15 =	simm.s32 $0x200;
	[sflag:s11] =	ssyncset.done $0x0  }
.LBB2_2:
0x1d: {  	s16 =	sshra.s32 s15, $0x2;
	[sflag:s11] =	ssyncadd.s32 $0xFFFFFF80;
	p0 =	sne.s32 s15, $0x9E00  }
0x1e: {  	[spmem:s2] =	stream.indirect.scatter.add.f32 [tilespmem:s12], [sflag:$0x1], $0x1, s16, s13, $0xb8;
	[tilespmem:$0x2B00] =	vst v63  }
.Ltmp0:
0x1f: {  	_ = 	snop;
	(pc) =	sbr.rel @p0 .LBB2_2-.Ltmp0, $4  }
0x20: {  	_ = 	snop  }
0x21: {  	s15 =	sadd.s32 $0x200, s15  }
0x22: {  	_ =	swait.ge [sflag:s11], $0x80  }
0x23: {  	[sflag:s11] =	ssyncset.done $0x0  }
0x24: {  	s14 =	sadd.s32 $0x1, s14  }
0x25: {  	[sflag:s11] =	ssyncadd.s32 $0xFFFFFF80;
	p0 =	sne.s32 s14, s9  }
.Ltmp1:
0x26: {  	[bflag:$0x0] =	sbarrier.arrive $0xFFFF;
	(pc) =	sbr.rel @p0 .LBB2_1-.Ltmp1, $4  }
0x27: {  	[hbm:s8], [sflag:s6] =	dma.local [spmem:s10], $0x50  }
0x28: {  	_ =	swait.ge [sflag:s11], $0x50  }
0x29: {  	[sflag:s11] =	ssyncset.done $0x0  }
0x2a: {  	[sflag:s11] =	ssyncadd.s32 $0xFFFFFFB0  }
0x2b: {  	_ =	sfence.sel $0x180000  }
0x2c: {  	[bflag:$0x0] =	sbarrier.arrive $0xFFFF  }
0x2d: {  	p0 =	sne.s32 s0, $0x0;
	_ =	strace $0x90000047  }
0x2e: {  	s0 =	sadd.s32 @!p0 $0x100000, s1;
	[bflag:$0x2] =	sbarrier.arrive $0xFFFF  }
0x2f: {  	[sflag:s0] =	ssyncadd.tile.s32 @!p0 $0x1;
	_ =	shalt  }
.Lfunc_end2:
_tile_overlayer_lowered:
.L_overlay_start_2:
0x30: {  	(tag) =	ssettag $0x2  }
0x31: {  	s0 =	rddreg [dreg:$0x0];
	s2 =	stileid.u32  }
0x32: {  	s1 =	rddreg [dreg:$0x1];
	p0 =	sne.s32 s2, $0x0  }
0x33: {  	s3 =	rddreg [dreg:$0x2];
	[bflag:$0x3] =	sbarrier.arrive $0xFFFF;
	s2 =	simm.s32 @!p0 $0x1C01  }
0x34: {  	[timem:s3], [sflag:s2] =	dma.local @!p0 [hbm:s0], s1  }
0x35: {  	s0 =	simm.s32 @!p0 $0x1  }
0x36: {  	_ =	swait.ge @!p0 [sflag:s0], s1  }
0x37: {  	s1 =	ssub.s32 @!p0 $0x0, s1;
	[sflag:s0] =	ssyncset.done @!p0 $0x0  }
0x38: {  	[sflag:s0] =	ssyncadd.s32 @!p0 s1  }
0x39: {  	[bflag:$0x3] =	sbarrier.arrive $0xFFFF  }
0x3a: {  	_ =	shalt  }

</sc_bundles>
